<compile_context>
chip_gen: v7x
topology: tpu7x:2x2x1
jax: 0.10.2.dev20260603
libtpu: 0.0.44.dev20260713+nightly
codegen_flags: <defaults>
</compile_context>

<pallas_src>
import functools

import jax
import jax.numpy as jnp
from jax import lax
from jax.experimental import pallas as pl
from jax.experimental.pallas import tpu as pltpu
from jax.experimental.pallas import tpu_sc as plsc

B = 4096
F = 26
V = 1000
D = 128
SCD = 143
NUM = 13
H1, H2, H3 = 1024, 512, 256

NC = 2
NS = 16
NW = NC * NS
SROWS = 128
NSPLIT = 2
NB = B // NSPLIT
TR = NB // 16
SPT = TR // SROWS
NTILE = F * 16
TPW = NTILE // NW
BB = 512
GRID = NB // BB
BBLK = NB // BB


def _sc_gather_body(table_hbm, idx_hbm, out_hbm, idx_v, rows0, rows1, sem0, sem1):
    wid = lax.axis_index("s") * NC + lax.axis_index("c")
    t0 = wid * TPW
    pltpu.sync_copy(idx_hbm.at[wid], idx_v)
    bufs = (rows0, rows1)
    sems = (sem0, sem1)

    def fire(k):
        buf, sem = bufs[k % 2], sems[k % 2]
        return [pltpu.async_copy(table_hbm.at[idx_v.at[k, j]],
                                 buf.at[pl.ds(j * SROWS, SROWS)], sem)
                for j in range(SPT)]

    pend = [fire(0)]
    for k in range(TPW):
        for cp in pend[k]:
            cp.wait()
        if k + 1 < TPW:
            pend.append(fire(k + 1))
        t = t0 + k
        row_base = pl.multiple_of((t >> 4) * NB + (t & 15) * TR, TR)
        pltpu.sync_copy(bufs[k % 2], out_hbm.at[pl.ds(row_base, TR)])


@functools.cache
def _sc_gather():
    return pl.kernel(
        _sc_gather_body,
        out_type=jax.ShapeDtypeStruct((F * NB, D), jnp.float32),
        mesh=plsc.VectorSubcoreMesh(
            core_axis_name="c", subcore_axis_name="s",
            num_cores=NC, num_subcores=NS),
        scratch_types=[
            pltpu.VMEM((TPW, SPT, SROWS), jnp.int32),
            pltpu.VMEM((TR, D), jnp.float32),
            pltpu.VMEM((TR, D), jnp.float32),
            pltpu.SemaphoreType.DMA,
            pltpu.SemaphoreType.DMA,
        ],
    )


def _tc_body(sc_ref, num_ref, wls_ref, wln_ref, w1_ref, b1_ref,
             w2_ref, b2_ref, w3_ref, b3_ref, wo_ref, bias_ref,
             *rest):
    fm_refs = rest[:F]
    out_ref = rest[F + 1]
    w1b_ref, w2b_ref, w3b_ref, wob_ref = w1_ref, w2_ref, w3_ref, wo_ref

    es = [r[...] for r in fm_refs]

    def tree_sum(vals):
        while len(vals) > 1:
            vals = [a + b for a, b in zip(vals[::2], vals[1::2])] + (
                [vals[-1]] if len(vals) % 2 else [])
        return vals[0]

    s = tree_sum(es)
    sq = tree_sum([e * e for e in es])
    fm_part = 0.5 * jnp.sum(s * s - sq, axis=1, keepdims=True)

    sc = sc_ref[...]
    nm = num_ref[...]
    linear = sc @ wls_ref[...] + nm @ wln_ref[...]

    def mm(a, w):
        return jax.lax.dot(a.astype(jnp.bfloat16), w,
                           preferred_element_type=jnp.float32)

    fm2d = jnp.concatenate(es, axis=1)
    h = (mm(sc, w1b_ref[0:SCD]) + mm(nm, w1b_ref[SCD:SCD + NUM])
         + mm(fm2d, w1b_ref[SCD + NUM:]) + b1_ref[...])
    h = jnp.maximum(h, 0.0)
    h = jnp.maximum(mm(h, w2b_ref[...]) + b2_ref[...], 0.0)
    h = jnp.maximum(mm(h, w3b_ref[...]) + b3_ref[...], 0.0)
    out_ref[...] = linear + fm_part + mm(h, wob_ref[...]) + bias_ref[...]


def _full(r, c):
    return pl.BlockSpec((r, c), lambda i: (0, 0))


def _fm_spec(f):
    return pl.BlockSpec((BB, D), lambda i, f=f: (f * BBLK + i, 0))


@functools.cache
def _build_tc(hoff, interpret=False):
    return pl.pallas_call(
        _tc_body,
        grid=(GRID,),
        in_specs=[
            pl.BlockSpec((BB, SCD), lambda i: (i, 0)),
            pl.BlockSpec((BB, NUM), lambda i: (i, 0)),
            _full(SCD, 1), _full(NUM, 1),
            _full(SCD + NUM + F * D, H1), _full(1, H1),
            _full(H1, H2), _full(1, H2),
            _full(H2, H3), _full(1, H3),
            _full(H3, 1), _full(1, 1),
        ] + [_fm_spec(f) for f in range(F)]
          + [pl.BlockSpec(memory_space=pl.ANY)],
        out_specs=pl.BlockSpec((BB, 1), lambda i, hoff=hoff: (hoff + i, 0)),
        out_shape=jax.ShapeDtypeStruct((B, 1), jnp.float32),
        input_output_aliases={12 + F: 0},
        interpret=interpret,
    )


def kernel(short_cat, long_cat, num_features, emb, Wls, bls, Wln, bln,
           W1, b1, W2, b2, W3, b3, Wo, bo):
    table = emb.reshape(F * V, D)
    flat_idx = (long_cat.astype(jnp.int32)
                + (jnp.arange(F, dtype=jnp.int32) * V)[None, :])
    bias = (bls + bln + bo).reshape(1, 1)
    bf = jnp.bfloat16
    W1b, W2b, W3b, Wob = W1.astype(bf), W2.astype(bf), W3.astype(bf), Wo.astype(bf)
    b1r, b2r, b3r = b1.reshape(1, H1), b2.reshape(1, H2), b3.reshape(1, H3)
    out = jnp.zeros((B, 1), jnp.float32)
    for hseg in range(NSPLIT):
        lo = hseg * NB
        idx = (flat_idx[lo:lo + NB].T
               .reshape(NTILE, SPT, SROWS).reshape(NW, TPW, SPT, SROWS))
        fm_rows = _sc_gather()(table, idx)
        out = _build_tc(hseg * GRID)(
            short_cat[lo:lo + NB], num_features[lo:lo + NB], Wls, Wln,
            W1b, b1r, W2b, b2r, W3b, b3r, Wob, bias, *([fm_rows] * F), out)
    return out

# --- scband reference (transcript-rebuilt; emitter-appended) ---
"""Pipeline reference for scband-deep-fm-66915590471714 (READ-ONLY COPY).

The authoritative reference and input builder live on the scoring server;
editing this copy changes nothing except your own understanding.
"""

import jax, jax.numpy as jnp
import numpy as np

B = 4096
F = 26
V = 1000
D = 128
SC = 143
NUM = 13
DIN = F * D + SC + NUM  # 3471
H1, H2, H3 = 1024, 512, 256


def setup_inputs(seed: int = 0) -> dict:
    key = jax.random.key(seed)
    ks = jax.random.split(key, 16)
    short_cat = jax.random.uniform(ks[0], (B, SC), dtype=jnp.float32)
    long_cat = jax.random.randint(ks[1], (B, F), 0, V, dtype=jnp.int64)
    num_features = jax.random.normal(ks[2], (B, NUM), dtype=jnp.float32)
    emb = jax.random.normal(ks[3], (F, V, D), dtype=jnp.float32) * 0.01
    Wls = jax.random.normal(ks[4], (SC, 1), dtype=jnp.float32) * 0.02
    bls = jnp.zeros((1,), dtype=jnp.float32)
    Wln = jax.random.normal(ks[5], (NUM, 1), dtype=jnp.float32) * 0.02
    bln = jnp.zeros((1,), dtype=jnp.float32)
    W1 = jax.random.normal(ks[6], (DIN, H1), dtype=jnp.float32) * 0.02
    b1 = jnp.zeros((H1,), dtype=jnp.float32)
    W2 = jax.random.normal(ks[7], (H1, H2), dtype=jnp.float32) * 0.02
    b2 = jnp.zeros((H2,), dtype=jnp.float32)
    W3 = jax.random.normal(ks[8], (H2, H3), dtype=jnp.float32) * 0.02
    b3 = jnp.zeros((H3,), dtype=jnp.float32)
    Wo = jax.random.normal(ks[9], (H3, 1), dtype=jnp.float32) * 0.02
    bo = jnp.zeros((1,), dtype=jnp.float32)
    return {"short_cat": short_cat, "long_cat": long_cat, "num_features": num_features,
            "emb": emb, "Wls": Wls, "bls": bls, "Wln": Wln, "bln": bln,
            "W1": W1, "b1": b1, "W2": W2, "b2": b2, "W3": W3, "b3": b3,
            "Wo": Wo, "bo": bo}


def reference(short_cat, long_cat, num_features, emb, Wls, bls, Wln, bln,
              W1, b1, W2, b2, W3, b3, Wo, bo):
    # linear part (short one-hot cats + numeric features)
    linear_part = (short_cat @ Wls + bls) + (num_features @ Wln + bln)
    # per-field embedding lookup: emb[f, long_cat[:, f]] -> [B, F, D]
    fm = emb[jnp.arange(emb.shape[0])[None, :], long_cat]
    # FM second-order interaction
    sum_emb = fm.sum(axis=1)                 # [B, D]
    fm_sum_square = sum_emb ** 2             # [B, D]
    fm_square_sum = (fm ** 2).sum(axis=1)    # [B, D]
    fm_part = 0.5 * (fm_sum_square - fm_square_sum).sum(axis=1, keepdims=True)
    # DNN tower (dropout_rate=0.0 -> identity)
    dnn_in = jnp.concatenate([short_cat, num_features, fm.reshape(fm.shape[0], -1)], axis=1)
    h = jax.nn.relu(dnn_in @ W1 + b1)
    h = jax.nn.relu(h @ W2 + b2)
    h = jax.nn.relu(h @ W3 + b3)
    dnn_part = h @ Wo + bo
    return linear_part + fm_part + dnn_part

if __name__ == "__main__":
    import jax
    _d = setup_inputs()
    print(jax.jit(kernel)(*tuple(_d.values())))

</pallas_src>

<mosaic_0001>
#map = affine_map<(d0, d1) -> (0, 0)>
#map1 = affine_map<(d0, d1) -> (0, 0, 0, 0)>
module attributes {stable_mosaic.version = 14 : i64} {
  func.func @_sc_gather_body(%arg0: i32, %arg1: i32, %arg2: memref<26000x128xf32, #tpu.memory_space<hbm>>, %arg3: memref<32x13x1x128xi32, #tpu.memory_space<hbm>>, %arg4: memref<53248x128xf32, #tpu.memory_space<hbm>>, %arg5: memref<13x1x128xi32, #tpu.memory_space<vmem>>, %arg6: memref<128x128xf32, #tpu.memory_space<vmem>>, %arg7: memref<128x128xf32, #tpu.memory_space<vmem>>, %arg8: memref<!tpu.dma_semaphore, #tpu.memory_space<semaphore_mem>>, %arg9: memref<!tpu.dma_semaphore, #tpu.memory_space<semaphore_mem>>) attributes {dimension_semantics = [#tpu.dimension_semantics<core_parallel>, #tpu.dimension_semantics<subcore_parallel>], iteration_bounds = array<i64: 2, 16>, scalar_prefetch = 0 : i64, scratch_operands = 5 : i64, tpu.core_type = #tpu.core_type<sc_vector_subcore>, window_params = [{transform_indices = #map}, {transform_indices = #map1}, {transform_indices = #map}]} {
    %mul3A = arith.constant 2 : i32
    %mul3A_0 = arith.muli %arg1, %mul3A : i32
    %add3A = arith.addi %mul3A_0, %arg0 : i32
    %mul3A_1 = arith.constant 13 : i32
    %mul3A_2 = arith.muli %add3A, %mul3A_1 : i32
    "tpu.region"() ({
      %run_scoped3A = tpu.sem_alloc : memref<!tpu.dma_semaphore, #tpu.memory_space<semaphore_mem>>
      %dma_start3A_440 = arith.constant 0 : i32
      %dma_start3A_441 = arith.constant 0 : i32
      %dma_start3A_442 = arith.constant 0 : i32
      %dma_start3A_443 = tpu.memref_slice %arg3[%add3A, %dma_start3A_440, %dma_start3A_441, %dma_start3A_442] : memref<32x13x1x128xi32, #tpu.memory_space<hbm>> -> memref<1x13x1x128xi32, #tpu.memory_space<hbm>>
      %dma_start3A_444 = tpu.memref_squeeze %dma_start3A_443 : memref<1x13x1x128xi32, #tpu.memory_space<hbm>> -> memref<13x1x128xi32, #tpu.memory_space<hbm>>
      %dma_start3A_445 = arith.constant 0 : i32
      %dma_start3A_446 = arith.constant 0 : i32
      %dma_start3A_447 = arith.constant 0 : i32
      %dma_start3A_448 = tpu.memref_slice %arg3[%add3A, %dma_start3A_445, %dma_start3A_446, %dma_start3A_447] : memref<32x13x1x128xi32, #tpu.memory_space<hbm>> -> memref<1x13x1x128xi32, #tpu.memory_space<hbm>>
      %dma_start3A_449 = tpu.memref_squeeze %dma_start3A_448 : memref<1x13x1x128xi32, #tpu.memory_space<hbm>> -> memref<13x1x128xi32, #tpu.memory_space<hbm>>
      tpu.enqueue_dma source(%dma_start3A_449 : memref<13x1x128xi32, #tpu.memory_space<hbm>>) target(%arg5 : memref<13x1x128xi32, #tpu.memory_space<vmem>>) target_semaphore(%run_scoped3A : memref<!tpu.dma_semaphore, #tpu.memory_space<semaphore_mem>>)
      %dma_wait3A_450 = arith.constant 0 : i32
      %dma_wait3A_451 = arith.constant 0 : i32
      %dma_wait3A_452 = arith.constant 0 : i32
      %dma_wait3A_453 = tpu.memref_slice %arg3[%add3A, %dma_wait3A_450, %dma_wait3A_451, %dma_wait3A_452] : memref<32x13x1x128xi32, #tpu.memory_space<hbm>> -> memref<1x13x1x128xi32, #tpu.memory_space<hbm>>
      %dma_wait3A_454 = tpu.memref_squeeze %dma_wait3A_453 : memref<1x13x1x128xi32, #tpu.memory_space<hbm>> -> memref<13x1x128xi32, #tpu.memory_space<hbm>>
      %dma_wait3A_455 = arith.constant 0 : i32
      %dma_wait3A_456 = arith.constant 0 : i32
      %dma_wait3A_457 = arith.constant 0 : i32
      %dma_wait3A_458 = tpu.memref_slice %arg3[%add3A, %dma_wait3A_455, %dma_wait3A_456, %dma_wait3A_457] : memref<32x13x1x128xi32, #tpu.memory_space<hbm>> -> memref<1x13x1x128xi32, #tpu.memory_space<hbm>>
      %dma_wait3A_459 = tpu.memref_squeeze %dma_wait3A_458 : memref<1x13x1x128xi32, #tpu.memory_space<hbm>> -> memref<13x1x128xi32, #tpu.memory_space<hbm>>
      tpu.wait_dma2 semaphore(%run_scoped3A : memref<!tpu.dma_semaphore, #tpu.memory_space<semaphore_mem>>) src(%dma_wait3A_459 : memref<13x1x128xi32, #tpu.memory_space<hbm>>) dst(%arg5 : memref<13x1x128xi32, #tpu.memory_space<vmem>>)
      tpu.yield
    }) : () -> ()
    %dma_start3A = arith.constant 0 : i32
    %dma_start3A_3 = arith.constant 0 : i32
    %dma_start3A_4 = arith.constant 0 : i32
    %dma_start3A_5 = arith.constant 0 : i32
    %dma_start3A_6 = tpu.memref_slice %arg6[%dma_start3A_4, %dma_start3A_5] : memref<128x128xf32, #tpu.memory_space<vmem>> -> memref<128x128xf32, #tpu.memory_space<vmem>>
    %dma_start3A_7 = arith.constant 0 : i32
    %dma_start3A_8 = tpu.memref_slice %arg5[%dma_start3A, %dma_start3A_3, %dma_start3A_7] : memref<13x1x128xi32, #tpu.memory_space<vmem>> -> memref<1x1x128xi32, #tpu.memory_space<vmem>>
    %dma_start3A_9 = tpu.memref_squeeze %dma_start3A_8 : memref<1x1x128xi32, #tpu.memory_space<vmem>> -> memref<128xi32, #tpu.memory_space<vmem>>
    %dma_start3A_10 = arith.constant 0 : i32
    %dma_start3A_11 = arith.constant 0 : i32
    %dma_start3A_12 = tpu.memref_slice %arg2[%dma_start3A_10, %dma_start3A_11] : memref<26000x128xf32, #tpu.memory_space<hbm>> -> memref<26000x128xf32, #tpu.memory_space<hbm>>
    tpu.enqueue_indirect_dma source(%dma_start3A_12 : memref<26000x128xf32, #tpu.memory_space<hbm>>) target(%dma_start3A_6 : memref<128x128xf32, #tpu.memory_space<vmem>>) offsets(%dma_start3A_9 : memref<128xi32, #tpu.memory_space<vmem>>) semaphore(%arg8 : memref<!tpu.dma_semaphore, #tpu.memory_space<semaphore_mem>>)
    %dma_wait3A = arith.constant 0 : i32
    %dma_wait3A_13 = arith.constant 0 : i32
    %dma_wait3A_14 = arith.constant 0 : i32
    %dma_wait3A_15 = arith.constant 0 : i32
    %dma_wait3A_16 = tpu.memref_slice %arg6[%dma_wait3A_14, %dma_wait3A_15] : memref<128x128xf32, #tpu.memory_space<vmem>> -> memref<128x128xf32, #tpu.memory_space<vmem>>
    %dma_wait3A_17 = arith.constant 0 : i32
    %dma_wait3A_18 = tpu.memref_slice %arg5[%dma_wait3A, %dma_wait3A_13, %dma_wait3A_17] : memref<13x1x128xi32, #tpu.memory_space<vmem>> -> memref<1x1x128xi32, #tpu.memory_space<vmem>>
    %dma_wait3A_19 = tpu.memref_squeeze %dma_wait3A_18 : memref<1x1x128xi32, #tpu.memory_space<vmem>> -> memref<128xi32, #tpu.memory_space<vmem>>
    %dma_wait3A_20 = arith.constant 0 : i32
    %dma_wait3A_21 = arith.constant 0 : i32
    %dma_wait3A_22 = tpu.memref_slice %arg2[%dma_wait3A_20, %dma_wait3A_21] : memref<26000x128xf32, #tpu.memory_space<hbm>> -> memref<26000x128xf32, #tpu.memory_space<hbm>>
    tpu.wait_indirect_dma semaphore(%arg8 : memref<!tpu.dma_semaphore, #tpu.memory_space<semaphore_mem>>) src(%dma_wait3A_22 : memref<26000x128xf32, #tpu.memory_space<hbm>>) dst(%dma_wait3A_16 : memref<128x128xf32, #tpu.memory_space<vmem>>)
    %dma_start3A_23 = arith.constant 1 : i32
    %dma_start3A_24 = arith.constant 0 : i32
    %dma_start3A_25 = arith.constant 0 : i32
    %dma_start3A_26 = arith.constant 0 : i32
    %dma_start3A_27 = tpu.memref_slice %arg7[%dma_start3A_25, %dma_start3A_26] : memref<128x128xf32, #tpu.memory_space<vmem>> -> memref<128x128xf32, #tpu.memory_space<vmem>>
    %dma_start3A_28 = arith.constant 0 : i32
    %dma_start3A_29 = tpu.memref_slice %arg5[%dma_start3A_23, %dma_start3A_24, %dma_start3A_28] : memref<13x1x128xi32, #tpu.memory_space<vmem>> -> memref<1x1x128xi32, #tpu.memory_space<vmem>>
    %dma_start3A_30 = tpu.memref_squeeze %dma_start3A_29 : memref<1x1x128xi32, #tpu.memory_space<vmem>> -> memref<128xi32, #tpu.memory_space<vmem>>
    %dma_start3A_31 = arith.constant 0 : i32
    %dma_start3A_32 = arith.constant 0 : i32
    %dma_start3A_33 = tpu.memref_slice %arg2[%dma_start3A_31, %dma_start3A_32] : memref<26000x128xf32, #tpu.memory_space<hbm>> -> memref<26000x128xf32, #tpu.memory_space<hbm>>
    tpu.enqueue_indirect_dma source(%dma_start3A_33 : memref<26000x128xf32, #tpu.memory_space<hbm>>) target(%dma_start3A_27 : memref<128x128xf32, #tpu.memory_space<vmem>>) offsets(%dma_start3A_30 : memref<128xi32, #tpu.memory_space<vmem>>) semaphore(%arg9 : memref<!tpu.dma_semaphore, #tpu.memory_space<semaphore_mem>>)
    %add3A_34 = arith.constant 0 : i32
    %add3A_35 = arith.addi %mul3A_2, %add3A_34 : i32
    %shift_right_arithmetic3A = arith.constant 4 : i32
    %shift_right_arithmetic3A_36 = arith.shrsi %add3A_35, %shift_right_arithmetic3A : i32
    %mul3A_37 = arith.constant 2048 : i32
    %mul3A_38 = arith.muli %shift_right_arithmetic3A_36, %mul3A_37 : i32
    %and3A = arith.constant 15 : i32
    %and3A_39 = arith.andi %add3A_35, %and3A : i32
    %mul3A_40 = arith.constant 128 : i32
    %mul3A_41 = arith.muli %and3A_39, %mul3A_40 : i32
    %add3A_42 = arith.addi %mul3A_38, %mul3A_41 : i32
    %multiple_of3A = tpu.assume_multiple %add3A_42, 128 : i32
    "tpu.region"() ({
      %run_scoped3A = tpu.sem_alloc : memref<!tpu.dma_semaphore, #tpu.memory_space<semaphore_mem>>
      %dma_start3A_440 = arith.constant 0 : i32
      %dma_start3A_441 = tpu.memref_slice %arg4[%multiple_of3A, %dma_start3A_440] : memref<53248x128xf32, #tpu.memory_space<hbm>> -> memref<128x128xf32, #tpu.memory_space<hbm>>
      %dma_start3A_442 = arith.constant 0 : i32
      %dma_start3A_443 = tpu.memref_slice %arg4[%multiple_of3A, %dma_start3A_442] : memref<53248x128xf32, #tpu.memory_space<hbm>> -> memref<128x128xf32, #tpu.memory_space<hbm>>
      tpu.enqueue_dma source(%arg6 : memref<128x128xf32, #tpu.memory_space<vmem>>) target(%dma_start3A_443 : memref<128x128xf32, #tpu.memory_space<hbm>>) target_semaphore(%run_scoped3A : memref<!tpu.dma_semaphore, #tpu.memory_space<semaphore_mem>>)
      %dma_wait3A_444 = arith.constant 0 : i32
      %dma_wait3A_445 = tpu.memref_slice %arg4[%multiple_of3A, %dma_wait3A_444] : memref<53248x128xf32, #tpu.memory_space<hbm>> -> memref<128x128xf32, #tpu.memory_space<hbm>>
      %dma_wait3A_446 = arith.constant 0 : i32
      %dma_wait3A_447 = tpu.memref_slice %arg4[%multiple_of3A, %dma_wait3A_446] : memref<53248x128xf32, #tpu.memory_space<hbm>> -> memref<128x128xf32, #tpu.memory_space<hbm>>
      tpu.wait_dma2 semaphore(%run_scoped3A : memref<!tpu.dma_semaphore, #tpu.memory_space<semaphore_mem>>) src(%arg6 : memref<128x128xf32, #tpu.memory_space<vmem>>) dst(%dma_wait3A_447 : memref<128x128xf32, #tpu.memory_space<hbm>>)
      tpu.yield
    }) : () -> ()
    %dma_wait3A_43 = arith.constant 1 : i32
    %dma_wait3A_44 = arith.constant 0 : i32
    %dma_wait3A_45 = arith.constant 0 : i32
    %dma_wait3A_46 = arith.constant 0 : i32
    %dma_wait3A_47 = tpu.memref_slice %arg7[%dma_wait3A_45, %dma_wait3A_46] : memref<128x128xf32, #tpu.memory_space<vmem>> -> memref<128x128xf32, #tpu.memory_space<vmem>>
    %dma_wait3A_48 = arith.constant 0 : i32
    %dma_wait3A_49 = tpu.memref_slice %arg5[%dma_wait3A_43, %dma_wait3A_44, %dma_wait3A_48] : memref<13x1x128xi32, #tpu.memory_space<vmem>> -> memref<1x1x128xi32, #tpu.memory_space<vmem>>
    %dma_wait3A_50 = tpu.memref_squeeze %dma_wait3A_49 : memref<1x1x128xi32, #tpu.memory_space<vmem>> -> memref<128xi32, #tpu.memory_space<vmem>>
    %dma_wait3A_51 = arith.constant 0 : i32
    %dma_wait3A_52 = arith.constant 0 : i32
    %dma_wait3A_53 = tpu.memref_slice %arg2[%dma_wait3A_51, %dma_wait3A_52] : memref<26000x128xf32, #tpu.memory_space<hbm>> -> memref<26000x128xf32, #tpu.memory_space<hbm>>
    tpu.wait_indirect_dma semaphore(%arg9 : memref<!tpu.dma_semaphore, #tpu.memory_space<semaphore_mem>>) src(%dma_wait3A_53 : memref<26000x128xf32, #tpu.memory_space<hbm>>) dst(%dma_wait3A_47 : memref<128x128xf32, #tpu.memory_space<vmem>>)
    %dma_start3A_54 = arith.constant 2 : i32
    %dma_start3A_55 = arith.constant 0 : i32
    %dma_start3A_56 = arith.constant 0 : i32
    %dma_start3A_57 = arith.constant 0 : i32
    %dma_start3A_58 = tpu.memref_slice %arg6[%dma_start3A_56, %dma_start3A_57] : memref<128x128xf32, #tpu.memory_space<vmem>> -> memref<128x128xf32, #tpu.memory_space<vmem>>
    %dma_start3A_59 = arith.constant 0 : i32
    %dma_start3A_60 = tpu.memref_slice %arg5[%dma_start3A_54, %dma_start3A_55, %dma_start3A_59] : memref<13x1x128xi32, #tpu.memory_space<vmem>> -> memref<1x1x128xi32, #tpu.memory_space<vmem>>
    %dma_start3A_61 = tpu.memref_squeeze %dma_start3A_60 : memref<1x1x128xi32, #tpu.memory_space<vmem>> -> memref<128xi32, #tpu.memory_space<vmem>>
    %dma_start3A_62 = arith.constant 0 : i32
    %dma_start3A_63 = arith.constant 0 : i32
    %dma_start3A_64 = tpu.memref_slice %arg2[%dma_start3A_62, %dma_start3A_63] : memref<26000x128xf32, #tpu.memory_space<hbm>> -> memref<26000x128xf32, #tpu.memory_space<hbm>>
    tpu.enqueue_indirect_dma source(%dma_start3A_64 : memref<26000x128xf32, #tpu.memory_space<hbm>>) target(%dma_start3A_58 : memref<128x128xf32, #tpu.memory_space<vmem>>) offsets(%dma_start3A_61 : memref<128xi32, #tpu.memory_space<vmem>>) semaphore(%arg8 : memref<!tpu.dma_semaphore, #tpu.memory_space<semaphore_mem>>)
    %add3A_65 = arith.constant 1 : i32
    %add3A_66 = arith.addi %mul3A_2, %add3A_65 : i32
    %shift_right_arithmetic3A_67 = arith.constant 4 : i32
    %shift_right_arithmetic3A_68 = arith.shrsi %add3A_66, %shift_right_arithmetic3A_67 : i32
    %mul3A_69 = arith.constant 2048 : i32
    %mul3A_70 = arith.muli %shift_right_arithmetic3A_68, %mul3A_69 : i32
    %and3A_71 = arith.constant 15 : i32
    %and3A_72 = arith.andi %add3A_66, %and3A_71 : i32
    %mul3A_73 = arith.constant 128 : i32
    %mul3A_74 = arith.muli %and3A_72, %mul3A_73 : i32
    %add3A_75 = arith.addi %mul3A_70, %mul3A_74 : i32
    %multiple_of3A_76 = tpu.assume_multiple %add3A_75, 128 : i32
    "tpu.region"() ({
      %run_scoped3A = tpu.sem_alloc : memref<!tpu.dma_semaphore, #tpu.memory_space<semaphore_mem>>
      %dma_start3A_440 = arith.constant 0 : i32
      %dma_start3A_441 = tpu.memref_slice %arg4[%multiple_of3A_76, %dma_start3A_440] : memref<53248x128xf32, #tpu.memory_space<hbm>> -> memref<128x128xf32, #tpu.memory_space<hbm>>
      %dma_start3A_442 = arith.constant 0 : i32
      %dma_start3A_443 = tpu.memref_slice %arg4[%multiple_of3A_76, %dma_start3A_442] : memref<53248x128xf32, #tpu.memory_space<hbm>> -> memref<128x128xf32, #tpu.memory_space<hbm>>
      tpu.enqueue_dma source(%arg7 : memref<128x128xf32, #tpu.memory_space<vmem>>) target(%dma_start3A_443 : memref<128x128xf32, #tpu.memory_space<hbm>>) target_semaphore(%run_scoped3A : memref<!tpu.dma_semaphore, #tpu.memory_space<semaphore_mem>>)
      %dma_wait3A_444 = arith.constant 0 : i32
      %dma_wait3A_445 = tpu.memref_slice %arg4[%multiple_of3A_76, %dma_wait3A_444] : memref<53248x128xf32, #tpu.memory_space<hbm>> -> memref<128x128xf32, #tpu.memory_space<hbm>>
      %dma_wait3A_446 = arith.constant 0 : i32
      %dma_wait3A_447 = tpu.memref_slice %arg4[%multiple_of3A_76, %dma_wait3A_446] : memref<53248x128xf32, #tpu.memory_space<hbm>> -> memref<128x128xf32, #tpu.memory_space<hbm>>
      tpu.wait_dma2 semaphore(%run_scoped3A : memref<!tpu.dma_semaphore, #tpu.memory_space<semaphore_mem>>) src(%arg7 : memref<128x128xf32, #tpu.memory_space<vmem>>) dst(%dma_wait3A_447 : memref<128x128xf32, #tpu.memory_space<hbm>>)
      tpu.yield
    }) : () -> ()
    %dma_wait3A_77 = arith.constant 2 : i32
    %dma_wait3A_78 = arith.constant 0 : i32
    %dma_wait3A_79 = arith.constant 0 : i32
    %dma_wait3A_80 = arith.constant 0 : i32
    %dma_wait3A_81 = tpu.memref_slice %arg6[%dma_wait3A_79, %dma_wait3A_80] : memref<128x128xf32, #tpu.memory_space<vmem>> -> memref<128x128xf32, #tpu.memory_space<vmem>>
    %dma_wait3A_82 = arith.constant 0 : i32
    %dma_wait3A_83 = tpu.memref_slice %arg5[%dma_wait3A_77, %dma_wait3A_78, %dma_wait3A_82] : memref<13x1x128xi32, #tpu.memory_space<vmem>> -> memref<1x1x128xi32, #tpu.memory_space<vmem>>
    %dma_wait3A_84 = tpu.memref_squeeze %dma_wait3A_83 : memref<1x1x128xi32, #tpu.memory_space<vmem>> -> memref<128xi32, #tpu.memory_space<vmem>>
    %dma_wait3A_85 = arith.constant 0 : i32
    %dma_wait3A_86 = arith.constant 0 : i32
    %dma_wait3A_87 = tpu.memref_slice %arg2[%dma_wait3A_85, %dma_wait3A_86] : memref<26000x128xf32, #tpu.memory_space<hbm>> -> memref<26000x128xf32, #tpu.memory_space<hbm>>
    tpu.wait_indirect_dma semaphore(%arg8 : memref<!tpu.dma_semaphore, #tpu.memory_space<semaphore_mem>>) src(%dma_wait3A_87 : memref<26000x128xf32, #tpu.memory_space<hbm>>) dst(%dma_wait3A_81 : memref<128x128xf32, #tpu.memory_space<vmem>>)
    %dma_start3A_88 = arith.constant 3 : i32
    %dma_start3A_89 = arith.constant 0 : i32
    %dma_start3A_90 = arith.constant 0 : i32
    %dma_start3A_91 = arith.constant 0 : i32
    %dma_start3A_92 = tpu.memref_slice %arg7[%dma_start3A_90, %dma_start3A_91] : memref<128x128xf32, #tpu.memory_space<vmem>> -> memref<128x128xf32, #tpu.memory_space<vmem>>
    %dma_start3A_93 = arith.constant 0 : i32
    %dma_start3A_94 = tpu.memref_slice %arg5[%dma_start3A_88, %dma_start3A_89, %dma_start3A_93] : memref<13x1x128xi32, #tpu.memory_space<vmem>> -> memref<1x1x128xi32, #tpu.memory_space<vmem>>
    %dma_start3A_95 = tpu.memref_squeeze %dma_start3A_94 : memref<1x1x128xi32, #tpu.memory_space<vmem>> -> memref<128xi32, #tpu.memory_space<vmem>>
    %dma_start3A_96 = arith.constant 0 : i32
    %dma_start3A_97 = arith.constant 0 : i32
    %dma_start3A_98 = tpu.memref_slice %arg2[%dma_start3A_96, %dma_start3A_97] : memref<26000x128xf32, #tpu.memory_space<hbm>> -> memref<26000x128xf32, #tpu.memory_space<hbm>>
    tpu.enqueue_indirect_dma source(%dma_start3A_98 : memref<26000x128xf32, #tpu.memory_space<hbm>>) target(%dma_start3A_92 : memref<128x128xf32, #tpu.memory_space<vmem>>) offsets(%dma_start3A_95 : memref<128xi32, #tpu.memory_space<vmem>>) semaphore(%arg9 : memref<!tpu.dma_semaphore, #tpu.memory_space<semaphore_mem>>)
    %add3A_99 = arith.constant 2 : i32
    %add3A_100 = arith.addi %mul3A_2, %add3A_99 : i32
    %shift_right_arithmetic3A_101 = arith.constant 4 : i32
    %shift_right_arithmetic3A_102 = arith.shrsi %add3A_100, %shift_right_arithmetic3A_101 : i32
    %mul3A_103 = arith.constant 2048 : i32
    %mul3A_104 = arith.muli %shift_right_arithmetic3A_102, %mul3A_103 : i32
    %and3A_105 = arith.constant 15 : i32
    %and3A_106 = arith.andi %add3A_100, %and3A_105 : i32
    %mul3A_107 = arith.constant 128 : i32
    %mul3A_108 = arith.muli %and3A_106, %mul3A_107 : i32
    %add3A_109 = arith.addi %mul3A_104, %mul3A_108 : i32
    %multiple_of3A_110 = tpu.assume_multiple %add3A_109, 128 : i32
    "tpu.region"() ({
      %run_scoped3A = tpu.sem_alloc : memref<!tpu.dma_semaphore, #tpu.memory_space<semaphore_mem>>
      %dma_start3A_440 = arith.constant 0 : i32
      %dma_start3A_441 = tpu.memref_slice %arg4[%multiple_of3A_110, %dma_start3A_440] : memref<53248x128xf32, #tpu.memory_space<hbm>> -> memref<128x128xf32, #tpu.memory_space<hbm>>
      %dma_start3A_442 = arith.constant 0 : i32
      %dma_start3A_443 = tpu.memref_slice %arg4[%multiple_of3A_110, %dma_start3A_442] : memref<53248x128xf32, #tpu.memory_space<hbm>> -> memref<128x128xf32, #tpu.memory_space<hbm>>
      tpu.enqueue_dma source(%arg6 : memref<128x128xf32, #tpu.memory_space<vmem>>) target(%dma_start3A_443 : memref<128x128xf32, #tpu.memory_space<hbm>>) target_semaphore(%run_scoped3A : memref<!tpu.dma_semaphore, #tpu.memory_space<semaphore_mem>>)
      %dma_wait3A_444 = arith.constant 0 : i32
      %dma_wait3A_445 = tpu.memref_slice %arg4[%multiple_of3A_110, %dma_wait3A_444] : memref<53248x128xf32, #tpu.memory_space<hbm>> -> memref<128x128xf32, #tpu.memory_space<hbm>>
      %dma_wait3A_446 = arith.constant 0 : i32
      %dma_wait3A_447 = tpu.memref_slice %arg4[%multiple_of3A_110, %dma_wait3A_446] : memref<53248x128xf32, #tpu.memory_space<hbm>> -> memref<128x128xf32, #tpu.memory_space<hbm>>
      tpu.wait_dma2 semaphore(%run_scoped3A : memref<!tpu.dma_semaphore, #tpu.memory_space<semaphore_mem>>) src(%arg6 : memref<128x128xf32, #tpu.memory_space<vmem>>) dst(%dma_wait3A_447 : memref<128x128xf32, #tpu.memory_space<hbm>>)
      tpu.yield
    }) : () -> ()
    %dma_wait3A_111 = arith.constant 3 : i32
    %dma_wait3A_112 = arith.constant 0 : i32
    %dma_wait3A_113 = arith.constant 0 : i32
    %dma_wait3A_114 = arith.constant 0 : i32
    %dma_wait3A_115 = tpu.memref_slice %arg7[%dma_wait3A_113, %dma_wait3A_114] : memref<128x128xf32, #tpu.memory_space<vmem>> -> memref<128x128xf32, #tpu.memory_space<vmem>>
    %dma_wait3A_116 = arith.constant 0 : i32
    %dma_wait3A_117 = tpu.memref_slice %arg5[%dma_wait3A_111, %dma_wait3A_112, %dma_wait3A_116] : memref<13x1x128xi32, #tpu.memory_space<vmem>> -> memref<1x1x128xi32, #tpu.memory_space<vmem>>
    %dma_wait3A_118 = tpu.memref_squeeze %dma_wait3A_117 : memref<1x1x128xi32, #tpu.memory_space<vmem>> -> memref<128xi32, #tpu.memory_space<vmem>>
    %dma_wait3A_119 = arith.constant 0 : i32
    %dma_wait3A_120 = arith.constant 0 : i32
    %dma_wait3A_121 = tpu.memref_slice %arg2[%dma_wait3A_119, %dma_wait3A_120] : memref<26000x128xf32, #tpu.memory_space<hbm>> -> memref<26000x128xf32, #tpu.memory_space<hbm>>
    tpu.wait_indirect_dma semaphore(%arg9 : memref<!tpu.dma_semaphore, #tpu.memory_space<semaphore_mem>>) src(%dma_wait3A_121 : memref<26000x128xf32, #tpu.memory_space<hbm>>) dst(%dma_wait3A_115 : memref<128x128xf32, #tpu.memory_space<vmem>>)
    %dma_start3A_122 = arith.constant 4 : i32
    %dma_start3A_123 = arith.constant 0 : i32
    %dma_start3A_124 = arith.constant 0 : i32
    %dma_start3A_125 = arith.constant 0 : i32
    %dma_start3A_126 = tpu.memref_slice %arg6[%dma_start3A_124, %dma_start3A_125] : memref<128x128xf32, #tpu.memory_space<vmem>> -> memref<128x128xf32, #tpu.memory_space<vmem>>
    %dma_start3A_127 = arith.constant 0 : i32
    %dma_start3A_128 = tpu.memref_slice %arg5[%dma_start3A_122, %dma_start3A_123, %dma_start3A_127] : memref<13x1x128xi32, #tpu.memory_space<vmem>> -> memref<1x1x128xi32, #tpu.memory_space<vmem>>
    %dma_start3A_129 = tpu.memref_squeeze %dma_start3A_128 : memref<1x1x128xi32, #tpu.memory_space<vmem>> -> memref<128xi32, #tpu.memory_space<vmem>>
    %dma_start3A_130 = arith.constant 0 : i32
    %dma_start3A_131 = arith.constant 0 : i32
    %dma_start3A_132 = tpu.memref_slice %arg2[%dma_start3A_130, %dma_start3A_131] : memref<26000x128xf32, #tpu.memory_space<hbm>> -> memref<26000x128xf32, #tpu.memory_space<hbm>>
    tpu.enqueue_indirect_dma source(%dma_start3A_132 : memref<26000x128xf32, #tpu.memory_space<hbm>>) target(%dma_start3A_126 : memref<128x128xf32, #tpu.memory_space<vmem>>) offsets(%dma_start3A_129 : memref<128xi32, #tpu.memory_space<vmem>>) semaphore(%arg8 : memref<!tpu.dma_semaphore, #tpu.memory_space<semaphore_mem>>)
    %add3A_133 = arith.constant 3 : i32
    %add3A_134 = arith.addi %mul3A_2, %add3A_133 : i32
    %shift_right_arithmetic3A_135 = arith.constant 4 : i32
    %shift_right_arithmetic3A_136 = arith.shrsi %add3A_134, %shift_right_arithmetic3A_135 : i32
    %mul3A_137 = arith.constant 2048 : i32
    %mul3A_138 = arith.muli %shift_right_arithmetic3A_136, %mul3A_137 : i32
    %and3A_139 = arith.constant 15 : i32
    %and3A_140 = arith.andi %add3A_134, %and3A_139 : i32
    %mul3A_141 = arith.constant 128 : i32
    %mul3A_142 = arith.muli %and3A_140, %mul3A_141 : i32
    %add3A_143 = arith.addi %mul3A_138, %mul3A_142 : i32
    %multiple_of3A_144 = tpu.assume_multiple %add3A_143, 128 : i32
    "tpu.region"() ({
      %run_scoped3A = tpu.sem_alloc : memref<!tpu.dma_semaphore, #tpu.memory_space<semaphore_mem>>
      %dma_start3A_440 = arith.constant 0 : i32
      %dma_start3A_441 = tpu.memref_slice %arg4[%multiple_of3A_144, %dma_start3A_440] : memref<53248x128xf32, #tpu.memory_space<hbm>> -> memref<128x128xf32, #tpu.memory_space<hbm>>
      %dma_start3A_442 = arith.constant 0 : i32
      %dma_start3A_443 = tpu.memref_slice %arg4[%multiple_of3A_144, %dma_start3A_442] : memref<53248x128xf32, #tpu.memory_space<hbm>> -> memref<128x128xf32, #tpu.memory_space<hbm>>
      tpu.enqueue_dma source(%arg7 : memref<128x128xf32, #tpu.memory_space<vmem>>) target(%dma_start3A_443 : memref<128x128xf32, #tpu.memory_space<hbm>>) target_semaphore(%run_scoped3A : memref<!tpu.dma_semaphore, #tpu.memory_space<semaphore_mem>>)
      %dma_wait3A_444 = arith.constant 0 : i32
      %dma_wait3A_445 = tpu.memref_slice %arg4[%multiple_of3A_144, %dma_wait3A_444] : memref<53248x128xf32, #tpu.memory_space<hbm>> -> memref<128x128xf32, #tpu.memory_space<hbm>>
      %dma_wait3A_446 = arith.constant 0 : i32
      %dma_wait3A_447 = tpu.memref_slice %arg4[%multiple_of3A_144, %dma_wait3A_446] : memref<53248x128xf32, #tpu.memory_space<hbm>> -> memref<128x128xf32, #tpu.memory_space<hbm>>
      tpu.wait_dma2 semaphore(%run_scoped3A : memref<!tpu.dma_semaphore, #tpu.memory_space<semaphore_mem>>) src(%arg7 : memref<128x128xf32, #tpu.memory_space<vmem>>) dst(%dma_wait3A_447 : memref<128x128xf32, #tpu.memory_space<hbm>>)
      tpu.yield
    }) : () -> ()
    %dma_wait3A_145 = arith.constant 4 : i32
    %dma_wait3A_146 = arith.constant 0 : i32
    %dma_wait3A_147 = arith.constant 0 : i32
    %dma_wait3A_148 = arith.constant 0 : i32
    %dma_wait3A_149 = tpu.memref_slice %arg6[%dma_wait3A_147, %dma_wait3A_148] : memref<128x128xf32, #tpu.memory_space<vmem>> -> memref<128x128xf32, #tpu.memory_space<vmem>>
    %dma_wait3A_150 = arith.constant 0 : i32
    %dma_wait3A_151 = tpu.memref_slice %arg5[%dma_wait3A_145, %dma_wait3A_146, %dma_wait3A_150] : memref<13x1x128xi32, #tpu.memory_space<vmem>> -> memref<1x1x128xi32, #tpu.memory_space<vmem>>
    %dma_wait3A_152 = tpu.memref_squeeze %dma_wait3A_151 : memref<1x1x128xi32, #tpu.memory_space<vmem>> -> memref<128xi32, #tpu.memory_space<vmem>>
    %dma_wait3A_153 = arith.constant 0 : i32
    %dma_wait3A_154 = arith.constant 0 : i32
    %dma_wait3A_155 = tpu.memref_slice %arg2[%dma_wait3A_153, %dma_wait3A_154] : memref<26000x128xf32, #tpu.memory_space<hbm>> -> memref<26000x128xf32, #tpu.memory_space<hbm>>
    tpu.wait_indirect_dma semaphore(%arg8 : memref<!tpu.dma_semaphore, #tpu.memory_space<semaphore_mem>>) src(%dma_wait3A_155 : memref<26000x128xf32, #tpu.memory_space<hbm>>) dst(%dma_wait3A_149 : memref<128x128xf32, #tpu.memory_space<vmem>>)
    %dma_start3A_156 = arith.constant 5 : i32
    %dma_start3A_157 = arith.constant 0 : i32
    %dma_start3A_158 = arith.constant 0 : i32
    %dma_start3A_159 = arith.constant 0 : i32
    %dma_start3A_160 = tpu.memref_slice %arg7[%dma_start3A_158, %dma_start3A_159] : memref<128x128xf32, #tpu.memory_space<vmem>> -> memref<128x128xf32, #tpu.memory_space<vmem>>
    %dma_start3A_161 = arith.constant 0 : i32
    %dma_start3A_162 = tpu.memref_slice %arg5[%dma_start3A_156, %dma_start3A_157, %dma_start3A_161] : memref<13x1x128xi32, #tpu.memory_space<vmem>> -> memref<1x1x128xi32, #tpu.memory_space<vmem>>
    %dma_start3A_163 = tpu.memref_squeeze %dma_start3A_162 : memref<1x1x128xi32, #tpu.memory_space<vmem>> -> memref<128xi32, #tpu.memory_space<vmem>>
    %dma_start3A_164 = arith.constant 0 : i32
    %dma_start3A_165 = arith.constant 0 : i32
    %dma_start3A_166 = tpu.memref_slice %arg2[%dma_start3A_164, %dma_start3A_165] : memref<26000x128xf32, #tpu.memory_space<hbm>> -> memref<26000x128xf32, #tpu.memory_space<hbm>>
    tpu.enqueue_indirect_dma source(%dma_start3A_166 : memref<26000x128xf32, #tpu.memory_space<hbm>>) target(%dma_start3A_160 : memref<128x128xf32, #tpu.memory_space<vmem>>) offsets(%dma_start3A_163 : memref<128xi32, #tpu.memory_space<vmem>>) semaphore(%arg9 : memref<!tpu.dma_semaphore, #tpu.memory_space<semaphore_mem>>)
    %add3A_167 = arith.constant 4 : i32
    %add3A_168 = arith.addi %mul3A_2, %add3A_167 : i32
    %shift_right_arithmetic3A_169 = arith.constant 4 : i32
    %shift_right_arithmetic3A_170 = arith.shrsi %add3A_168, %shift_right_arithmetic3A_169 : i32
    %mul3A_171 = arith.constant 2048 : i32
    %mul3A_172 = arith.muli %shift_right_arithmetic3A_170, %mul3A_171 : i32
    %and3A_173 = arith.constant 15 : i32
    %and3A_174 = arith.andi %add3A_168, %and3A_173 : i32
    %mul3A_175 = arith.constant 128 : i32
    %mul3A_176 = arith.muli %and3A_174, %mul3A_175 : i32
    %add3A_177 = arith.addi %mul3A_172, %mul3A_176 : i32
    %multiple_of3A_178 = tpu.assume_multiple %add3A_177, 128 : i32
    "tpu.region"() ({
      %run_scoped3A = tpu.sem_alloc : memref<!tpu.dma_semaphore, #tpu.memory_space<semaphore_mem>>
      %dma_start3A_440 = arith.constant 0 : i32
      %dma_start3A_441 = tpu.memref_slice %arg4[%multiple_of3A_178, %dma_start3A_440] : memref<53248x128xf32, #tpu.memory_space<hbm>> -> memref<128x128xf32, #tpu.memory_space<hbm>>
      %dma_start3A_442 = arith.constant 0 : i32
      %dma_start3A_443 = tpu.memref_slice %arg4[%multiple_of3A_178, %dma_start3A_442] : memref<53248x128xf32, #tpu.memory_space<hbm>> -> memref<128x128xf32, #tpu.memory_space<hbm>>
      tpu.enqueue_dma source(%arg6 : memref<128x128xf32, #tpu.memory_space<vmem>>) target(%dma_start3A_443 : memref<128x128xf32, #tpu.memory_space<hbm>>) target_semaphore(%run_scoped3A : memref<!tpu.dma_semaphore, #tpu.memory_space<semaphore_mem>>)
      %dma_wait3A_444 = arith.constant 0 : i32
      %dma_wait3A_445 = tpu.memref_slice %arg4[%multiple_of3A_178, %dma_wait3A_444] : memref<53248x128xf32, #tpu.memory_space<hbm>> -> memref<128x128xf32, #tpu.memory_space<hbm>>
      %dma_wait3A_446 = arith.constant 0 : i32
      %dma_wait3A_447 = tpu.memref_slice %arg4[%multiple_of3A_178, %dma_wait3A_446] : memref<53248x128xf32, #tpu.memory_space<hbm>> -> memref<128x128xf32, #tpu.memory_space<hbm>>
      tpu.wait_dma2 semaphore(%run_scoped3A : memref<!tpu.dma_semaphore, #tpu.memory_space<semaphore_mem>>) src(%arg6 : memref<128x128xf32, #tpu.memory_space<vmem>>) dst(%dma_wait3A_447 : memref<128x128xf32, #tpu.memory_space<hbm>>)
      tpu.yield
    }) : () -> ()
    %dma_wait3A_179 = arith.constant 5 : i32
    %dma_wait3A_180 = arith.constant 0 : i32
    %dma_wait3A_181 = arith.constant 0 : i32
    %dma_wait3A_182 = arith.constant 0 : i32
    %dma_wait3A_183 = tpu.memref_slice %arg7[%dma_wait3A_181, %dma_wait3A_182] : memref<128x128xf32, #tpu.memory_space<vmem>> -> memref<128x128xf32, #tpu.memory_space<vmem>>
    %dma_wait3A_184 = arith.constant 0 : i32
    %dma_wait3A_185 = tpu.memref_slice %arg5[%dma_wait3A_179, %dma_wait3A_180, %dma_wait3A_184] : memref<13x1x128xi32, #tpu.memory_space<vmem>> -> memref<1x1x128xi32, #tpu.memory_space<vmem>>
    %dma_wait3A_186 = tpu.memref_squeeze %dma_wait3A_185 : memref<1x1x128xi32, #tpu.memory_space<vmem>> -> memref<128xi32, #tpu.memory_space<vmem>>
    %dma_wait3A_187 = arith.constant 0 : i32
    %dma_wait3A_188 = arith.constant 0 : i32
    %dma_wait3A_189 = tpu.memref_slice %arg2[%dma_wait3A_187, %dma_wait3A_188] : memref<26000x128xf32, #tpu.memory_space<hbm>> -> memref<26000x128xf32, #tpu.memory_space<hbm>>
    tpu.wait_indirect_dma semaphore(%arg9 : memref<!tpu.dma_semaphore, #tpu.memory_space<semaphore_mem>>) src(%dma_wait3A_189 : memref<26000x128xf32, #tpu.memory_space<hbm>>) dst(%dma_wait3A_183 : memref<128x128xf32, #tpu.memory_space<vmem>>)
    %dma_start3A_190 = arith.constant 6 : i32
    %dma_start3A_191 = arith.constant 0 : i32
    %dma_start3A_192 = arith.constant 0 : i32
    %dma_start3A_193 = arith.constant 0 : i32
    %dma_start3A_194 = tpu.memref_slice %arg6[%dma_start3A_192, %dma_start3A_193] : memref<128x128xf32, #tpu.memory_space<vmem>> -> memref<128x128xf32, #tpu.memory_space<vmem>>
    %dma_start3A_195 = arith.constant 0 : i32
    %dma_start3A_196 = tpu.memref_slice %arg5[%dma_start3A_190, %dma_start3A_191, %dma_start3A_195] : memref<13x1x128xi32, #tpu.memory_space<vmem>> -> memref<1x1x128xi32, #tpu.memory_space<vmem>>
    %dma_start3A_197 = tpu.memref_squeeze %dma_start3A_196 : memref<1x1x128xi32, #tpu.memory_space<vmem>> -> memref<128xi32, #tpu.memory_space<vmem>>
    %dma_start3A_198 = arith.constant 0 : i32
    %dma_start3A_199 = arith.constant 0 : i32
    %dma_start3A_200 = tpu.memref_slice %arg2[%dma_start3A_198, %dma_start3A_199] : memref<26000x128xf32, #tpu.memory_space<hbm>> -> memref<26000x128xf32, #tpu.memory_space<hbm>>
    tpu.enqueue_indirect_dma source(%dma_start3A_200 : memref<26000x128xf32, #tpu.memory_space<hbm>>) target(%dma_start3A_194 : memref<128x128xf32, #tpu.memory_space<vmem>>) offsets(%dma_start3A_197 : memref<128xi32, #tpu.memory_space<vmem>>) semaphore(%arg8 : memref<!tpu.dma_semaphore, #tpu.memory_space<semaphore_mem>>)
    %add3A_201 = arith.constant 5 : i32
    %add3A_202 = arith.addi %mul3A_2, %add3A_201 : i32
    %shift_right_arithmetic3A_203 = arith.constant 4 : i32
    %shift_right_arithmetic3A_204 = arith.shrsi %add3A_202, %shift_right_arithmetic3A_203 : i32
    %mul3A_205 = arith.constant 2048 : i32
    %mul3A_206 = arith.muli %shift_right_arithmetic3A_204, %mul3A_205 : i32
    %and3A_207 = arith.constant 15 : i32
    %and3A_208 = arith.andi %add3A_202, %and3A_207 : i32
    %mul3A_209 = arith.constant 128 : i32
    %mul3A_210 = arith.muli %and3A_208, %mul3A_209 : i32
    %add3A_211 = arith.addi %mul3A_206, %mul3A_210 : i32
    %multiple_of3A_212 = tpu.assume_multiple %add3A_211, 128 : i32
    "tpu.region"() ({
      %run_scoped3A = tpu.sem_alloc : memref<!tpu.dma_semaphore, #tpu.memory_space<semaphore_mem>>
      %dma_start3A_440 = arith.constant 0 : i32
      %dma_start3A_441 = tpu.memref_slice %arg4[%multiple_of3A_212, %dma_start3A_440] : memref<53248x128xf32, #tpu.memory_space<hbm>> -> memref<128x128xf32, #tpu.memory_space<hbm>>
      %dma_start3A_442 = arith.constant 0 : i32
      %dma_start3A_443 = tpu.memref_slice %arg4[%multiple_of3A_212, %dma_start3A_442] : memref<53248x128xf32, #tpu.memory_space<hbm>> -> memref<128x128xf32, #tpu.memory_space<hbm>>
      tpu.enqueue_dma source(%arg7 : memref<128x128xf32, #tpu.memory_space<vmem>>) target(%dma_start3A_443 : memref<128x128xf32, #tpu.memory_space<hbm>>) target_semaphore(%run_scoped3A : memref<!tpu.dma_semaphore, #tpu.memory_space<semaphore_mem>>)
      %dma_wait3A_444 = arith.constant 0 : i32
      %dma_wait3A_445 = tpu.memref_slice %arg4[%multiple_of3A_212, %dma_wait3A_444] : memref<53248x128xf32, #tpu.memory_space<hbm>> -> memref<128x128xf32, #tpu.memory_space<hbm>>
      %dma_wait3A_446 = arith.constant 0 : i32
      %dma_wait3A_447 = tpu.memref_slice %arg4[%multiple_of3A_212, %dma_wait3A_446] : memref<53248x128xf32, #tpu.memory_space<hbm>> -> memref<128x128xf32, #tpu.memory_space<hbm>>
      tpu.wait_dma2 semaphore(%run_scoped3A : memref<!tpu.dma_semaphore, #tpu.memory_space<semaphore_mem>>) src(%arg7 : memref<128x128xf32, #tpu.memory_space<vmem>>) dst(%dma_wait3A_447 : memref<128x128xf32, #tpu.memory_space<hbm>>)
      tpu.yield
    }) : () -> ()
    %dma_wait3A_213 = arith.constant 6 : i32
    %dma_wait3A_214 = arith.constant 0 : i32
    %dma_wait3A_215 = arith.constant 0 : i32
    %dma_wait3A_216 = arith.constant 0 : i32
    %dma_wait3A_217 = tpu.memref_slice %arg6[%dma_wait3A_215, %dma_wait3A_216] : memref<128x128xf32, #tpu.memory_space<vmem>> -> memref<128x128xf32, #tpu.memory_space<vmem>>
    %dma_wait3A_218 = arith.constant 0 : i32
    %dma_wait3A_219 = tpu.memref_slice %arg5[%dma_wait3A_213, %dma_wait3A_214, %dma_wait3A_218] : memref<13x1x128xi32, #tpu.memory_space<vmem>> -> memref<1x1x128xi32, #tpu.memory_space<vmem>>
    %dma_wait3A_220 = tpu.memref_squeeze %dma_wait3A_219 : memref<1x1x128xi32, #tpu.memory_space<vmem>> -> memref<128xi32, #tpu.memory_space<vmem>>
    %dma_wait3A_221 = arith.constant 0 : i32
    %dma_wait3A_222 = arith.constant 0 : i32
    %dma_wait3A_223 = tpu.memref_slice %arg2[%dma_wait3A_221, %dma_wait3A_222] : memref<26000x128xf32, #tpu.memory_space<hbm>> -> memref<26000x128xf32, #tpu.memory_space<hbm>>
    tpu.wait_indirect_dma semaphore(%arg8 : memref<!tpu.dma_semaphore, #tpu.memory_space<semaphore_mem>>) src(%dma_wait3A_223 : memref<26000x128xf32, #tpu.memory_space<hbm>>) dst(%dma_wait3A_217 : memref<128x128xf32, #tpu.memory_space<vmem>>)
    %dma_start3A_224 = arith.constant 7 : i32
    %dma_start3A_225 = arith.constant 0 : i32
    %dma_start3A_226 = arith.constant 0 : i32
    %dma_start3A_227 = arith.constant 0 : i32
    %dma_start3A_228 = tpu.memref_slice %arg7[%dma_start3A_226, %dma_start3A_227] : memref<128x128xf32, #tpu.memory_space<vmem>> -> memref<128x128xf32, #tpu.memory_space<vmem>>
    %dma_start3A_229 = arith.constant 0 : i32
    %dma_start3A_230 = tpu.memref_slice %arg5[%dma_start3A_224, %dma_start3A_225, %dma_start3A_229] : memref<13x1x128xi32, #tpu.memory_space<vmem>> -> memref<1x1x128xi32, #tpu.memory_space<vmem>>
    %dma_start3A_231 = tpu.memref_squeeze %dma_start3A_230 : memref<1x1x128xi32, #tpu.memory_space<vmem>> -> memref<128xi32, #tpu.memory_space<vmem>>
    %dma_start3A_232 = arith.constant 0 : i32
    %dma_start3A_233 = arith.constant 0 : i32
    %dma_start3A_234 = tpu.memref_slice %arg2[%dma_start3A_232, %dma_start3A_233] : memref<26000x128xf32, #tpu.memory_space<hbm>> -> memref<26000x128xf32, #tpu.memory_space<hbm>>
    tpu.enqueue_indirect_dma source(%dma_start3A_234 : memref<26000x128xf32, #tpu.memory_space<hbm>>) target(%dma_start3A_228 : memref<128x128xf32, #tpu.memory_space<vmem>>) offsets(%dma_start3A_231 : memref<128xi32, #tpu.memory_space<vmem>>) semaphore(%arg9 : memref<!tpu.dma_semaphore, #tpu.memory_space<semaphore_mem>>)
    %add3A_235 = arith.constant 6 : i32
    %add3A_236 = arith.addi %mul3A_2, %add3A_235 : i32
    %shift_right_arithmetic3A_237 = arith.constant 4 : i32
    %shift_right_arithmetic3A_238 = arith.shrsi %add3A_236, %shift_right_arithmetic3A_237 : i32
    %mul3A_239 = arith.constant 2048 : i32
    %mul3A_240 = arith.muli %shift_right_arithmetic3A_238, %mul3A_239 : i32
    %and3A_241 = arith.constant 15 : i32
    %and3A_242 = arith.andi %add3A_236, %and3A_241 : i32
    %mul3A_243 = arith.constant 128 : i32
    %mul3A_244 = arith.muli %and3A_242, %mul3A_243 : i32
    %add3A_245 = arith.addi %mul3A_240, %mul3A_244 : i32
    %multiple_of3A_246 = tpu.assume_multiple %add3A_245, 128 : i32
    "tpu.region"() ({
      %run_scoped3A = tpu.sem_alloc : memref<!tpu.dma_semaphore, #tpu.memory_space<semaphore_mem>>
      %dma_start3A_440 = arith.constant 0 : i32
      %dma_start3A_441 = tpu.memref_slice %arg4[%multiple_of3A_246, %dma_start3A_440] : memref<53248x128xf32, #tpu.memory_space<hbm>> -> memref<128x128xf32, #tpu.memory_space<hbm>>
      %dma_start3A_442 = arith.constant 0 : i32
      %dma_start3A_443 = tpu.memref_slice %arg4[%multiple_of3A_246, %dma_start3A_442] : memref<53248x128xf32, #tpu.memory_space<hbm>> -> memref<128x128xf32, #tpu.memory_space<hbm>>
      tpu.enqueue_dma source(%arg6 : memref<128x128xf32, #tpu.memory_space<vmem>>) target(%dma_start3A_443 : memref<128x128xf32, #tpu.memory_space<hbm>>) target_semaphore(%run_scoped3A : memref<!tpu.dma_semaphore, #tpu.memory_space<semaphore_mem>>)
      %dma_wait3A_444 = arith.constant 0 : i32
      %dma_wait3A_445 = tpu.memref_slice %arg4[%multiple_of3A_246, %dma_wait3A_444] : memref<53248x128xf32, #tpu.memory_space<hbm>> -> memref<128x128xf32, #tpu.memory_space<hbm>>
      %dma_wait3A_446 = arith.constant 0 : i32
      %dma_wait3A_447 = tpu.memref_slice %arg4[%multiple_of3A_246, %dma_wait3A_446] : memref<53248x128xf32, #tpu.memory_space<hbm>> -> memref<128x128xf32, #tpu.memory_space<hbm>>
      tpu.wait_dma2 semaphore(%run_scoped3A : memref<!tpu.dma_semaphore, #tpu.memory_space<semaphore_mem>>) src(%arg6 : memref<128x128xf32, #tpu.memory_space<vmem>>) dst(%dma_wait3A_447 : memref<128x128xf32, #tpu.memory_space<hbm>>)
      tpu.yield
    }) : () -> ()
    %dma_wait3A_247 = arith.constant 7 : i32
    %dma_wait3A_248 = arith.constant 0 : i32
    %dma_wait3A_249 = arith.constant 0 : i32
    %dma_wait3A_250 = arith.constant 0 : i32
    %dma_wait3A_251 = tpu.memref_slice %arg7[%dma_wait3A_249, %dma_wait3A_250] : memref<128x128xf32, #tpu.memory_space<vmem>> -> memref<128x128xf32, #tpu.memory_space<vmem>>
    %dma_wait3A_252 = arith.constant 0 : i32
    %dma_wait3A_253 = tpu.memref_slice %arg5[%dma_wait3A_247, %dma_wait3A_248, %dma_wait3A_252] : memref<13x1x128xi32, #tpu.memory_space<vmem>> -> memref<1x1x128xi32, #tpu.memory_space<vmem>>
    %dma_wait3A_254 = tpu.memref_squeeze %dma_wait3A_253 : memref<1x1x128xi32, #tpu.memory_space<vmem>> -> memref<128xi32, #tpu.memory_space<vmem>>
    %dma_wait3A_255 = arith.constant 0 : i32
    %dma_wait3A_256 = arith.constant 0 : i32
    %dma_wait3A_257 = tpu.memref_slice %arg2[%dma_wait3A_255, %dma_wait3A_256] : memref<26000x128xf32, #tpu.memory_space<hbm>> -> memref<26000x128xf32, #tpu.memory_space<hbm>>
    tpu.wait_indirect_dma semaphore(%arg9 : memref<!tpu.dma_semaphore, #tpu.memory_space<semaphore_mem>>) src(%dma_wait3A_257 : memref<26000x128xf32, #tpu.memory_space<hbm>>) dst(%dma_wait3A_251 : memref<128x128xf32, #tpu.memory_space<vmem>>)
    %dma_start3A_258 = arith.constant 8 : i32
    %dma_start3A_259 = arith.constant 0 : i32
    %dma_start3A_260 = arith.constant 0 : i32
    %dma_start3A_261 = arith.constant 0 : i32
    %dma_start3A_262 = tpu.memref_slice %arg6[%dma_start3A_260, %dma_start3A_261] : memref<128x128xf32, #tpu.memory_space<vmem>> -> memref<128x128xf32, #tpu.memory_space<vmem>>
    %dma_start3A_263 = arith.constant 0 : i32
    %dma_start3A_264 = tpu.memref_slice %arg5[%dma_start3A_258, %dma_start3A_259, %dma_start3A_263] : memref<13x1x128xi32, #tpu.memory_space<vmem>> -> memref<1x1x128xi32, #tpu.memory_space<vmem>>
    %dma_start3A_265 = tpu.memref_squeeze %dma_start3A_264 : memref<1x1x128xi32, #tpu.memory_space<vmem>> -> memref<128xi32, #tpu.memory_space<vmem>>
    %dma_start3A_266 = arith.constant 0 : i32
    %dma_start3A_267 = arith.constant 0 : i32
    %dma_start3A_268 = tpu.memref_slice %arg2[%dma_start3A_266, %dma_start3A_267] : memref<26000x128xf32, #tpu.memory_space<hbm>> -> memref<26000x128xf32, #tpu.memory_space<hbm>>
    tpu.enqueue_indirect_dma source(%dma_start3A_268 : memref<26000x128xf32, #tpu.memory_space<hbm>>) target(%dma_start3A_262 : memref<128x128xf32, #tpu.memory_space<vmem>>) offsets(%dma_start3A_265 : memref<128xi32, #tpu.memory_space<vmem>>) semaphore(%arg8 : memref<!tpu.dma_semaphore, #tpu.memory_space<semaphore_mem>>)
    %add3A_269 = arith.constant 7 : i32
    %add3A_270 = arith.addi %mul3A_2, %add3A_269 : i32
    %shift_right_arithmetic3A_271 = arith.constant 4 : i32
    %shift_right_arithmetic3A_272 = arith.shrsi %add3A_270, %shift_right_arithmetic3A_271 : i32
    %mul3A_273 = arith.constant 2048 : i32
    %mul3A_274 = arith.muli %shift_right_arithmetic3A_272, %mul3A_273 : i32
    %and3A_275 = arith.constant 15 : i32
    %and3A_276 = arith.andi %add3A_270, %and3A_275 : i32
    %mul3A_277 = arith.constant 128 : i32
    %mul3A_278 = arith.muli %and3A_276, %mul3A_277 : i32
    %add3A_279 = arith.addi %mul3A_274, %mul3A_278 : i32
    %multiple_of3A_280 = tpu.assume_multiple %add3A_279, 128 : i32
    "tpu.region"() ({
      %run_scoped3A = tpu.sem_alloc : memref<!tpu.dma_semaphore, #tpu.memory_space<semaphore_mem>>
      %dma_start3A_440 = arith.constant 0 : i32
      %dma_start3A_441 = tpu.memref_slice %arg4[%multiple_of3A_280, %dma_start3A_440] : memref<53248x128xf32, #tpu.memory_space<hbm>> -> memref<128x128xf32, #tpu.memory_space<hbm>>
      %dma_start3A_442 = arith.constant 0 : i32
      %dma_start3A_443 = tpu.memref_slice %arg4[%multiple_of3A_280, %dma_start3A_442] : memref<53248x128xf32, #tpu.memory_space<hbm>> -> memref<128x128xf32, #tpu.memory_space<hbm>>
      tpu.enqueue_dma source(%arg7 : memref<128x128xf32, #tpu.memory_space<vmem>>) target(%dma_start3A_443 : memref<128x128xf32, #tpu.memory_space<hbm>>) target_semaphore(%run_scoped3A : memref<!tpu.dma_semaphore, #tpu.memory_space<semaphore_mem>>)
      %dma_wait3A_444 = arith.constant 0 : i32
      %dma_wait3A_445 = tpu.memref_slice %arg4[%multiple_of3A_280, %dma_wait3A_444] : memref<53248x128xf32, #tpu.memory_space<hbm>> -> memref<128x128xf32, #tpu.memory_space<hbm>>
      %dma_wait3A_446 = arith.constant 0 : i32
      %dma_wait3A_447 = tpu.memref_slice %arg4[%multiple_of3A_280, %dma_wait3A_446] : memref<53248x128xf32, #tpu.memory_space<hbm>> -> memref<128x128xf32, #tpu.memory_space<hbm>>
      tpu.wait_dma2 semaphore(%run_scoped3A : memref<!tpu.dma_semaphore, #tpu.memory_space<semaphore_mem>>) src(%arg7 : memref<128x128xf32, #tpu.memory_space<vmem>>) dst(%dma_wait3A_447 : memref<128x128xf32, #tpu.memory_space<hbm>>)
      tpu.yield
    }) : () -> ()
    %dma_wait3A_281 = arith.constant 8 : i32
    %dma_wait3A_282 = arith.constant 0 : i32
    %dma_wait3A_283 = arith.constant 0 : i32
    %dma_wait3A_284 = arith.constant 0 : i32
    %dma_wait3A_285 = tpu.memref_slice %arg6[%dma_wait3A_283, %dma_wait3A_284] : memref<128x128xf32, #tpu.memory_space<vmem>> -> memref<128x128xf32, #tpu.memory_space<vmem>>
    %dma_wait3A_286 = arith.constant 0 : i32
    %dma_wait3A_287 = tpu.memref_slice %arg5[%dma_wait3A_281, %dma_wait3A_282, %dma_wait3A_286] : memref<13x1x128xi32, #tpu.memory_space<vmem>> -> memref<1x1x128xi32, #tpu.memory_space<vmem>>
    %dma_wait3A_288 = tpu.memref_squeeze %dma_wait3A_287 : memref<1x1x128xi32, #tpu.memory_space<vmem>> -> memref<128xi32, #tpu.memory_space<vmem>>
    %dma_wait3A_289 = arith.constant 0 : i32
    %dma_wait3A_290 = arith.constant 0 : i32
    %dma_wait3A_291 = tpu.memref_slice %arg2[%dma_wait3A_289, %dma_wait3A_290] : memref<26000x128xf32, #tpu.memory_space<hbm>> -> memref<26000x128xf32, #tpu.memory_space<hbm>>
    tpu.wait_indirect_dma semaphore(%arg8 : memref<!tpu.dma_semaphore, #tpu.memory_space<semaphore_mem>>) src(%dma_wait3A_291 : memref<26000x128xf32, #tpu.memory_space<hbm>>) dst(%dma_wait3A_285 : memref<128x128xf32, #tpu.memory_space<vmem>>)
    %dma_start3A_292 = arith.constant 9 : i32
    %dma_start3A_293 = arith.constant 0 : i32
    %dma_start3A_294 = arith.constant 0 : i32
    %dma_start3A_295 = arith.constant 0 : i32
    %dma_start3A_296 = tpu.memref_slice %arg7[%dma_start3A_294, %dma_start3A_295] : memref<128x128xf32, #tpu.memory_space<vmem>> -> memref<128x128xf32, #tpu.memory_space<vmem>>
    %dma_start3A_297 = arith.constant 0 : i32
    %dma_start3A_298 = tpu.memref_slice %arg5[%dma_start3A_292, %dma_start3A_293, %dma_start3A_297] : memref<13x1x128xi32, #tpu.memory_space<vmem>> -> memref<1x1x128xi32, #tpu.memory_space<vmem>>
    %dma_start3A_299 = tpu.memref_squeeze %dma_start3A_298 : memref<1x1x128xi32, #tpu.memory_space<vmem>> -> memref<128xi32, #tpu.memory_space<vmem>>
    %dma_start3A_300 = arith.constant 0 : i32
    %dma_start3A_301 = arith.constant 0 : i32
    %dma_start3A_302 = tpu.memref_slice %arg2[%dma_start3A_300, %dma_start3A_301] : memref<26000x128xf32, #tpu.memory_space<hbm>> -> memref<26000x128xf32, #tpu.memory_space<hbm>>
    tpu.enqueue_indirect_dma source(%dma_start3A_302 : memref<26000x128xf32, #tpu.memory_space<hbm>>) target(%dma_start3A_296 : memref<128x128xf32, #tpu.memory_space<vmem>>) offsets(%dma_start3A_299 : memref<128xi32, #tpu.memory_space<vmem>>) semaphore(%arg9 : memref<!tpu.dma_semaphore, #tpu.memory_space<semaphore_mem>>)
    %add3A_303 = arith.constant 8 : i32
    %add3A_304 = arith.addi %mul3A_2, %add3A_303 : i32
    %shift_right_arithmetic3A_305 = arith.constant 4 : i32
    %shift_right_arithmetic3A_306 = arith.shrsi %add3A_304, %shift_right_arithmetic3A_305 : i32
    %mul3A_307 = arith.constant 2048 : i32
    %mul3A_308 = arith.muli %shift_right_arithmetic3A_306, %mul3A_307 : i32
    %and3A_309 = arith.constant 15 : i32
    %and3A_310 = arith.andi %add3A_304, %and3A_309 : i32
    %mul3A_311 = arith.constant 128 : i32
    %mul3A_312 = arith.muli %and3A_310, %mul3A_311 : i32
    %add3A_313 = arith.addi %mul3A_308, %mul3A_312 : i32
    %multiple_of3A_314 = tpu.assume_multiple %add3A_313, 128 : i32
    "tpu.region"() ({
      %run_scoped3A = tpu.sem_alloc : memref<!tpu.dma_semaphore, #tpu.memory_space<semaphore_mem>>
      %dma_start3A_440 = arith.constant 0 : i32
      %dma_start3A_441 = tpu.memref_slice %arg4[%multiple_of3A_314, %dma_start3A_440] : memref<53248x128xf32, #tpu.memory_space<hbm>> -> memref<128x128xf32, #tpu.memory_space<hbm>>
      %dma_start3A_442 = arith.constant 0 : i32
      %dma_start3A_443 = tpu.memref_slice %arg4[%multiple_of3A_314, %dma_start3A_442] : memref<53248x128xf32, #tpu.memory_space<hbm>> -> memref<128x128xf32, #tpu.memory_space<hbm>>
      tpu.enqueue_dma source(%arg6 : memref<128x128xf32, #tpu.memory_space<vmem>>) target(%dma_start3A_443 : memref<128x128xf32, #tpu.memory_space<hbm>>) target_semaphore(%run_scoped3A : memref<!tpu.dma_semaphore, #tpu.memory_space<semaphore_mem>>)
      %dma_wait3A_444 = arith.constant 0 : i32
      %dma_wait3A_445 = tpu.memref_slice %arg4[%multiple_of3A_314, %dma_wait3A_444] : memref<53248x128xf32, #tpu.memory_space<hbm>> -> memref<128x128xf32, #tpu.memory_space<hbm>>
      %dma_wait3A_446 = arith.constant 0 : i32
      %dma_wait3A_447 = tpu.memref_slice %arg4[%multiple_of3A_314, %dma_wait3A_446] : memref<53248x128xf32, #tpu.memory_space<hbm>> -> memref<128x128xf32, #tpu.memory_space<hbm>>
      tpu.wait_dma2 semaphore(%run_scoped3A : memref<!tpu.dma_semaphore, #tpu.memory_space<semaphore_mem>>) src(%arg6 : memref<128x128xf32, #tpu.memory_space<vmem>>) dst(%dma_wait3A_447 : memref<128x128xf32, #tpu.memory_space<hbm>>)
      tpu.yield
    }) : () -> ()
    %dma_wait3A_315 = arith.constant 9 : i32
    %dma_wait3A_316 = arith.constant 0 : i32
    %dma_wait3A_317 = arith.constant 0 : i32
    %dma_wait3A_318 = arith.constant 0 : i32
    %dma_wait3A_319 = tpu.memref_slice %arg7[%dma_wait3A_317, %dma_wait3A_318] : memref<128x128xf32, #tpu.memory_space<vmem>> -> memref<128x128xf32, #tpu.memory_space<vmem>>
    %dma_wait3A_320 = arith.constant 0 : i32
    %dma_wait3A_321 = tpu.memref_slice %arg5[%dma_wait3A_315, %dma_wait3A_316, %dma_wait3A_320] : memref<13x1x128xi32, #tpu.memory_space<vmem>> -> memref<1x1x128xi32, #tpu.memory_space<vmem>>
    %dma_wait3A_322 = tpu.memref_squeeze %dma_wait3A_321 : memref<1x1x128xi32, #tpu.memory_space<vmem>> -> memref<128xi32, #tpu.memory_space<vmem>>
    %dma_wait3A_323 = arith.constant 0 : i32
    %dma_wait3A_324 = arith.constant 0 : i32
    %dma_wait3A_325 = tpu.memref_slice %arg2[%dma_wait3A_323, %dma_wait3A_324] : memref<26000x128xf32, #tpu.memory_space<hbm>> -> memref<26000x128xf32, #tpu.memory_space<hbm>>
    tpu.wait_indirect_dma semaphore(%arg9 : memref<!tpu.dma_semaphore, #tpu.memory_space<semaphore_mem>>) src(%dma_wait3A_325 : memref<26000x128xf32, #tpu.memory_space<hbm>>) dst(%dma_wait3A_319 : memref<128x128xf32, #tpu.memory_space<vmem>>)
    %dma_start3A_326 = arith.constant 10 : i32
    %dma_start3A_327 = arith.constant 0 : i32
    %dma_start3A_328 = arith.constant 0 : i32
    %dma_start3A_329 = arith.constant 0 : i32
    %dma_start3A_330 = tpu.memref_slice %arg6[%dma_start3A_328, %dma_start3A_329] : memref<128x128xf32, #tpu.memory_space<vmem>> -> memref<128x128xf32, #tpu.memory_space<vmem>>
    %dma_start3A_331 = arith.constant 0 : i32
    %dma_start3A_332 = tpu.memref_slice %arg5[%dma_start3A_326, %dma_start3A_327, %dma_start3A_331] : memref<13x1x128xi32, #tpu.memory_space<vmem>> -> memref<1x1x128xi32, #tpu.memory_space<vmem>>
    %dma_start3A_333 = tpu.memref_squeeze %dma_start3A_332 : memref<1x1x128xi32, #tpu.memory_space<vmem>> -> memref<128xi32, #tpu.memory_space<vmem>>
    %dma_start3A_334 = arith.constant 0 : i32
    %dma_start3A_335 = arith.constant 0 : i32
    %dma_start3A_336 = tpu.memref_slice %arg2[%dma_start3A_334, %dma_start3A_335] : memref<26000x128xf32, #tpu.memory_space<hbm>> -> memref<26000x128xf32, #tpu.memory_space<hbm>>
    tpu.enqueue_indirect_dma source(%dma_start3A_336 : memref<26000x128xf32, #tpu.memory_space<hbm>>) target(%dma_start3A_330 : memref<128x128xf32, #tpu.memory_space<vmem>>) offsets(%dma_start3A_333 : memref<128xi32, #tpu.memory_space<vmem>>) semaphore(%arg8 : memref<!tpu.dma_semaphore, #tpu.memory_space<semaphore_mem>>)
    %add3A_337 = arith.constant 9 : i32
    %add3A_338 = arith.addi %mul3A_2, %add3A_337 : i32
    %shift_right_arithmetic3A_339 = arith.constant 4 : i32
    %shift_right_arithmetic3A_340 = arith.shrsi %add3A_338, %shift_right_arithmetic3A_339 : i32
    %mul3A_341 = arith.constant 2048 : i32
    %mul3A_342 = arith.muli %shift_right_arithmetic3A_340, %mul3A_341 : i32
    %and3A_343 = arith.constant 15 : i32
    %and3A_344 = arith.andi %add3A_338, %and3A_343 : i32
    %mul3A_345 = arith.constant 128 : i32
    %mul3A_346 = arith.muli %and3A_344, %mul3A_345 : i32
    %add3A_347 = arith.addi %mul3A_342, %mul3A_346 : i32
    %multiple_of3A_348 = tpu.assume_multiple %add3A_347, 128 : i32
    "tpu.region"() ({
      %run_scoped3A = tpu.sem_alloc : memref<!tpu.dma_semaphore, #tpu.memory_space<semaphore_mem>>
      %dma_start3A_440 = arith.constant 0 : i32
      %dma_start3A_441 = tpu.memref_slice %arg4[%multiple_of3A_348, %dma_start3A_440] : memref<53248x128xf32, #tpu.memory_space<hbm>> -> memref<128x128xf32, #tpu.memory_space<hbm>>
      %dma_start3A_442 = arith.constant 0 : i32
      %dma_start3A_443 = tpu.memref_slice %arg4[%multiple_of3A_348, %dma_start3A_442] : memref<53248x128xf32, #tpu.memory_space<hbm>> -> memref<128x128xf32, #tpu.memory_space<hbm>>
      tpu.enqueue_dma source(%arg7 : memref<128x128xf32, #tpu.memory_space<vmem>>) target(%dma_start3A_443 : memref<128x128xf32, #tpu.memory_space<hbm>>) target_semaphore(%run_scoped3A : memref<!tpu.dma_semaphore, #tpu.memory_space<semaphore_mem>>)
      %dma_wait3A_444 = arith.constant 0 : i32
      %dma_wait3A_445 = tpu.memref_slice %arg4[%multiple_of3A_348, %dma_wait3A_444] : memref<53248x128xf32, #tpu.memory_space<hbm>> -> memref<128x128xf32, #tpu.memory_space<hbm>>
      %dma_wait3A_446 = arith.constant 0 : i32
      %dma_wait3A_447 = tpu.memref_slice %arg4[%multiple_of3A_348, %dma_wait3A_446] : memref<53248x128xf32, #tpu.memory_space<hbm>> -> memref<128x128xf32, #tpu.memory_space<hbm>>
      tpu.wait_dma2 semaphore(%run_scoped3A : memref<!tpu.dma_semaphore, #tpu.memory_space<semaphore_mem>>) src(%arg7 : memref<128x128xf32, #tpu.memory_space<vmem>>) dst(%dma_wait3A_447 : memref<128x128xf32, #tpu.memory_space<hbm>>)
      tpu.yield
    }) : () -> ()
    %dma_wait3A_349 = arith.constant 10 : i32
    %dma_wait3A_350 = arith.constant 0 : i32
    %dma_wait3A_351 = arith.constant 0 : i32
    %dma_wait3A_352 = arith.constant 0 : i32
    %dma_wait3A_353 = tpu.memref_slice %arg6[%dma_wait3A_351, %dma_wait3A_352] : memref<128x128xf32, #tpu.memory_space<vmem>> -> memref<128x128xf32, #tpu.memory_space<vmem>>
    %dma_wait3A_354 = arith.constant 0 : i32
    %dma_wait3A_355 = tpu.memref_slice %arg5[%dma_wait3A_349, %dma_wait3A_350, %dma_wait3A_354] : memref<13x1x128xi32, #tpu.memory_space<vmem>> -> memref<1x1x128xi32, #tpu.memory_space<vmem>>
    %dma_wait3A_356 = tpu.memref_squeeze %dma_wait3A_355 : memref<1x1x128xi32, #tpu.memory_space<vmem>> -> memref<128xi32, #tpu.memory_space<vmem>>
    %dma_wait3A_357 = arith.constant 0 : i32
    %dma_wait3A_358 = arith.constant 0 : i32
    %dma_wait3A_359 = tpu.memref_slice %arg2[%dma_wait3A_357, %dma_wait3A_358] : memref<26000x128xf32, #tpu.memory_space<hbm>> -> memref<26000x128xf32, #tpu.memory_space<hbm>>
    tpu.wait_indirect_dma semaphore(%arg8 : memref<!tpu.dma_semaphore, #tpu.memory_space<semaphore_mem>>) src(%dma_wait3A_359 : memref<26000x128xf32, #tpu.memory_space<hbm>>) dst(%dma_wait3A_353 : memref<128x128xf32, #tpu.memory_space<vmem>>)
    %dma_start3A_360 = arith.constant 11 : i32
    %dma_start3A_361 = arith.constant 0 : i32
    %dma_start3A_362 = arith.constant 0 : i32
    %dma_start3A_363 = arith.constant 0 : i32
    %dma_start3A_364 = tpu.memref_slice %arg7[%dma_start3A_362, %dma_start3A_363] : memref<128x128xf32, #tpu.memory_space<vmem>> -> memref<128x128xf32, #tpu.memory_space<vmem>>
    %dma_start3A_365 = arith.constant 0 : i32
    %dma_start3A_366 = tpu.memref_slice %arg5[%dma_start3A_360, %dma_start3A_361, %dma_start3A_365] : memref<13x1x128xi32, #tpu.memory_space<vmem>> -> memref<1x1x128xi32, #tpu.memory_space<vmem>>
    %dma_start3A_367 = tpu.memref_squeeze %dma_start3A_366 : memref<1x1x128xi32, #tpu.memory_space<vmem>> -> memref<128xi32, #tpu.memory_space<vmem>>
    %dma_start3A_368 = arith.constant 0 : i32
    %dma_start3A_369 = arith.constant 0 : i32
    %dma_start3A_370 = tpu.memref_slice %arg2[%dma_start3A_368, %dma_start3A_369] : memref<26000x128xf32, #tpu.memory_space<hbm>> -> memref<26000x128xf32, #tpu.memory_space<hbm>>
    tpu.enqueue_indirect_dma source(%dma_start3A_370 : memref<26000x128xf32, #tpu.memory_space<hbm>>) target(%dma_start3A_364 : memref<128x128xf32, #tpu.memory_space<vmem>>) offsets(%dma_start3A_367 : memref<128xi32, #tpu.memory_space<vmem>>) semaphore(%arg9 : memref<!tpu.dma_semaphore, #tpu.memory_space<semaphore_mem>>)
    %add3A_371 = arith.constant 10 : i32
    %add3A_372 = arith.addi %mul3A_2, %add3A_371 : i32
    %shift_right_arithmetic3A_373 = arith.constant 4 : i32
    %shift_right_arithmetic3A_374 = arith.shrsi %add3A_372, %shift_right_arithmetic3A_373 : i32
    %mul3A_375 = arith.constant 2048 : i32
    %mul3A_376 = arith.muli %shift_right_arithmetic3A_374, %mul3A_375 : i32
    %and3A_377 = arith.constant 15 : i32
    %and3A_378 = arith.andi %add3A_372, %and3A_377 : i32
    %mul3A_379 = arith.constant 128 : i32
    %mul3A_380 = arith.muli %and3A_378, %mul3A_379 : i32
    %add3A_381 = arith.addi %mul3A_376, %mul3A_380 : i32
    %multiple_of3A_382 = tpu.assume_multiple %add3A_381, 128 : i32
    "tpu.region"() ({
      %run_scoped3A = tpu.sem_alloc : memref<!tpu.dma_semaphore, #tpu.memory_space<semaphore_mem>>
      %dma_start3A_440 = arith.constant 0 : i32
      %dma_start3A_441 = tpu.memref_slice %arg4[%multiple_of3A_382, %dma_start3A_440] : memref<53248x128xf32, #tpu.memory_space<hbm>> -> memref<128x128xf32, #tpu.memory_space<hbm>>
      %dma_start3A_442 = arith.constant 0 : i32
      %dma_start3A_443 = tpu.memref_slice %arg4[%multiple_of3A_382, %dma_start3A_442] : memref<53248x128xf32, #tpu.memory_space<hbm>> -> memref<128x128xf32, #tpu.memory_space<hbm>>
      tpu.enqueue_dma source(%arg6 : memref<128x128xf32, #tpu.memory_space<vmem>>) target(%dma_start3A_443 : memref<128x128xf32, #tpu.memory_space<hbm>>) target_semaphore(%run_scoped3A : memref<!tpu.dma_semaphore, #tpu.memory_space<semaphore_mem>>)
      %dma_wait3A_444 = arith.constant 0 : i32
      %dma_wait3A_445 = tpu.memref_slice %arg4[%multiple_of3A_382, %dma_wait3A_444] : memref<53248x128xf32, #tpu.memory_space<hbm>> -> memref<128x128xf32, #tpu.memory_space<hbm>>
      %dma_wait3A_446 = arith.constant 0 : i32
      %dma_wait3A_447 = tpu.memref_slice %arg4[%multiple_of3A_382, %dma_wait3A_446] : memref<53248x128xf32, #tpu.memory_space<hbm>> -> memref<128x128xf32, #tpu.memory_space<hbm>>
      tpu.wait_dma2 semaphore(%run_scoped3A : memref<!tpu.dma_semaphore, #tpu.memory_space<semaphore_mem>>) src(%arg6 : memref<128x128xf32, #tpu.memory_space<vmem>>) dst(%dma_wait3A_447 : memref<128x128xf32, #tpu.memory_space<hbm>>)
      tpu.yield
    }) : () -> ()
    %dma_wait3A_383 = arith.constant 11 : i32
    %dma_wait3A_384 = arith.constant 0 : i32
    %dma_wait3A_385 = arith.constant 0 : i32
    %dma_wait3A_386 = arith.constant 0 : i32
    %dma_wait3A_387 = tpu.memref_slice %arg7[%dma_wait3A_385, %dma_wait3A_386] : memref<128x128xf32, #tpu.memory_space<vmem>> -> memref<128x128xf32, #tpu.memory_space<vmem>>
    %dma_wait3A_388 = arith.constant 0 : i32
    %dma_wait3A_389 = tpu.memref_slice %arg5[%dma_wait3A_383, %dma_wait3A_384, %dma_wait3A_388] : memref<13x1x128xi32, #tpu.memory_space<vmem>> -> memref<1x1x128xi32, #tpu.memory_space<vmem>>
    %dma_wait3A_390 = tpu.memref_squeeze %dma_wait3A_389 : memref<1x1x128xi32, #tpu.memory_space<vmem>> -> memref<128xi32, #tpu.memory_space<vmem>>
    %dma_wait3A_391 = arith.constant 0 : i32
    %dma_wait3A_392 = arith.constant 0 : i32
    %dma_wait3A_393 = tpu.memref_slice %arg2[%dma_wait3A_391, %dma_wait3A_392] : memref<26000x128xf32, #tpu.memory_space<hbm>> -> memref<26000x128xf32, #tpu.memory_space<hbm>>
    tpu.wait_indirect_dma semaphore(%arg9 : memref<!tpu.dma_semaphore, #tpu.memory_space<semaphore_mem>>) src(%dma_wait3A_393 : memref<26000x128xf32, #tpu.memory_space<hbm>>) dst(%dma_wait3A_387 : memref<128x128xf32, #tpu.memory_space<vmem>>)
    %dma_start3A_394 = arith.constant 12 : i32
    %dma_start3A_395 = arith.constant 0 : i32
    %dma_start3A_396 = arith.constant 0 : i32
    %dma_start3A_397 = arith.constant 0 : i32
    %dma_start3A_398 = tpu.memref_slice %arg6[%dma_start3A_396, %dma_start3A_397] : memref<128x128xf32, #tpu.memory_space<vmem>> -> memref<128x128xf32, #tpu.memory_space<vmem>>
    %dma_start3A_399 = arith.constant 0 : i32
    %dma_start3A_400 = tpu.memref_slice %arg5[%dma_start3A_394, %dma_start3A_395, %dma_start3A_399] : memref<13x1x128xi32, #tpu.memory_space<vmem>> -> memref<1x1x128xi32, #tpu.memory_space<vmem>>
    %dma_start3A_401 = tpu.memref_squeeze %dma_start3A_400 : memref<1x1x128xi32, #tpu.memory_space<vmem>> -> memref<128xi32, #tpu.memory_space<vmem>>
    %dma_start3A_402 = arith.constant 0 : i32
    %dma_start3A_403 = arith.constant 0 : i32
    %dma_start3A_404 = tpu.memref_slice %arg2[%dma_start3A_402, %dma_start3A_403] : memref<26000x128xf32, #tpu.memory_space<hbm>> -> memref<26000x128xf32, #tpu.memory_space<hbm>>
    tpu.enqueue_indirect_dma source(%dma_start3A_404 : memref<26000x128xf32, #tpu.memory_space<hbm>>) target(%dma_start3A_398 : memref<128x128xf32, #tpu.memory_space<vmem>>) offsets(%dma_start3A_401 : memref<128xi32, #tpu.memory_space<vmem>>) semaphore(%arg8 : memref<!tpu.dma_semaphore, #tpu.memory_space<semaphore_mem>>)
    %add3A_405 = arith.constant 11 : i32
    %add3A_406 = arith.addi %mul3A_2, %add3A_405 : i32
    %shift_right_arithmetic3A_407 = arith.constant 4 : i32
    %shift_right_arithmetic3A_408 = arith.shrsi %add3A_406, %shift_right_arithmetic3A_407 : i32
    %mul3A_409 = arith.constant 2048 : i32
    %mul3A_410 = arith.muli %shift_right_arithmetic3A_408, %mul3A_409 : i32
    %and3A_411 = arith.constant 15 : i32
    %and3A_412 = arith.andi %add3A_406, %and3A_411 : i32
    %mul3A_413 = arith.constant 128 : i32
    %mul3A_414 = arith.muli %and3A_412, %mul3A_413 : i32
    %add3A_415 = arith.addi %mul3A_410, %mul3A_414 : i32
    %multiple_of3A_416 = tpu.assume_multiple %add3A_415, 128 : i32
    "tpu.region"() ({
      %run_scoped3A = tpu.sem_alloc : memref<!tpu.dma_semaphore, #tpu.memory_space<semaphore_mem>>
      %dma_start3A_440 = arith.constant 0 : i32
      %dma_start3A_441 = tpu.memref_slice %arg4[%multiple_of3A_416, %dma_start3A_440] : memref<53248x128xf32, #tpu.memory_space<hbm>> -> memref<128x128xf32, #tpu.memory_space<hbm>>
      %dma_start3A_442 = arith.constant 0 : i32
      %dma_start3A_443 = tpu.memref_slice %arg4[%multiple_of3A_416, %dma_start3A_442] : memref<53248x128xf32, #tpu.memory_space<hbm>> -> memref<128x128xf32, #tpu.memory_space<hbm>>
      tpu.enqueue_dma source(%arg7 : memref<128x128xf32, #tpu.memory_space<vmem>>) target(%dma_start3A_443 : memref<128x128xf32, #tpu.memory_space<hbm>>) target_semaphore(%run_scoped3A : memref<!tpu.dma_semaphore, #tpu.memory_space<semaphore_mem>>)
      %dma_wait3A_444 = arith.constant 0 : i32
      %dma_wait3A_445 = tpu.memref_slice %arg4[%multiple_of3A_416, %dma_wait3A_444] : memref<53248x128xf32, #tpu.memory_space<hbm>> -> memref<128x128xf32, #tpu.memory_space<hbm>>
      %dma_wait3A_446 = arith.constant 0 : i32
      %dma_wait3A_447 = tpu.memref_slice %arg4[%multiple_of3A_416, %dma_wait3A_446] : memref<53248x128xf32, #tpu.memory_space<hbm>> -> memref<128x128xf32, #tpu.memory_space<hbm>>
      tpu.wait_dma2 semaphore(%run_scoped3A : memref<!tpu.dma_semaphore, #tpu.memory_space<semaphore_mem>>) src(%arg7 : memref<128x128xf32, #tpu.memory_space<vmem>>) dst(%dma_wait3A_447 : memref<128x128xf32, #tpu.memory_space<hbm>>)
      tpu.yield
    }) : () -> ()
    %dma_wait3A_417 = arith.constant 12 : i32
    %dma_wait3A_418 = arith.constant 0 : i32
    %dma_wait3A_419 = arith.constant 0 : i32
    %dma_wait3A_420 = arith.constant 0 : i32
    %dma_wait3A_421 = tpu.memref_slice %arg6[%dma_wait3A_419, %dma_wait3A_420] : memref<128x128xf32, #tpu.memory_space<vmem>> -> memref<128x128xf32, #tpu.memory_space<vmem>>
    %dma_wait3A_422 = arith.constant 0 : i32
    %dma_wait3A_423 = tpu.memref_slice %arg5[%dma_wait3A_417, %dma_wait3A_418, %dma_wait3A_422] : memref<13x1x128xi32, #tpu.memory_space<vmem>> -> memref<1x1x128xi32, #tpu.memory_space<vmem>>
    %dma_wait3A_424 = tpu.memref_squeeze %dma_wait3A_423 : memref<1x1x128xi32, #tpu.memory_space<vmem>> -> memref<128xi32, #tpu.memory_space<vmem>>
    %dma_wait3A_425 = arith.constant 0 : i32
    %dma_wait3A_426 = arith.constant 0 : i32
    %dma_wait3A_427 = tpu.memref_slice %arg2[%dma_wait3A_425, %dma_wait3A_426] : memref<26000x128xf32, #tpu.memory_space<hbm>> -> memref<26000x128xf32, #tpu.memory_space<hbm>>
    tpu.wait_indirect_dma semaphore(%arg8 : memref<!tpu.dma_semaphore, #tpu.memory_space<semaphore_mem>>) src(%dma_wait3A_427 : memref<26000x128xf32, #tpu.memory_space<hbm>>) dst(%dma_wait3A_421 : memref<128x128xf32, #tpu.memory_space<vmem>>)
    %add3A_428 = arith.constant 12 : i32
    %add3A_429 = arith.addi %mul3A_2, %add3A_428 : i32
    %shift_right_arithmetic3A_430 = arith.constant 4 : i32
    %shift_right_arithmetic3A_431 = arith.shrsi %add3A_429, %shift_right_arithmetic3A_430 : i32
    %mul3A_432 = arith.constant 2048 : i32
    %mul3A_433 = arith.muli %shift_right_arithmetic3A_431, %mul3A_432 : i32
    %and3A_434 = arith.constant 15 : i32
    %and3A_435 = arith.andi %add3A_429, %and3A_434 : i32
    %mul3A_436 = arith.constant 128 : i32
    %mul3A_437 = arith.muli %and3A_435, %mul3A_436 : i32
    %add3A_438 = arith.addi %mul3A_433, %mul3A_437 : i32
    %multiple_of3A_439 = tpu.assume_multiple %add3A_438, 128 : i32
    "tpu.region"() ({
      %run_scoped3A = tpu.sem_alloc : memref<!tpu.dma_semaphore, #tpu.memory_space<semaphore_mem>>
      %dma_start3A_440 = arith.constant 0 : i32
      %dma_start3A_441 = tpu.memref_slice %arg4[%multiple_of3A_439, %dma_start3A_440] : memref<53248x128xf32, #tpu.memory_space<hbm>> -> memref<128x128xf32, #tpu.memory_space<hbm>>
      %dma_start3A_442 = arith.constant 0 : i32
      %dma_start3A_443 = tpu.memref_slice %arg4[%multiple_of3A_439, %dma_start3A_442] : memref<53248x128xf32, #tpu.memory_space<hbm>> -> memref<128x128xf32, #tpu.memory_space<hbm>>
      tpu.enqueue_dma source(%arg6 : memref<128x128xf32, #tpu.memory_space<vmem>>) target(%dma_start3A_443 : memref<128x128xf32, #tpu.memory_space<hbm>>) target_semaphore(%run_scoped3A : memref<!tpu.dma_semaphore, #tpu.memory_space<semaphore_mem>>)
      %dma_wait3A_444 = arith.constant 0 : i32
      %dma_wait3A_445 = tpu.memref_slice %arg4[%multiple_of3A_439, %dma_wait3A_444] : memref<53248x128xf32, #tpu.memory_space<hbm>> -> memref<128x128xf32, #tpu.memory_space<hbm>>
      %dma_wait3A_446 = arith.constant 0 : i32
      %dma_wait3A_447 = tpu.memref_slice %arg4[%multiple_of3A_439, %dma_wait3A_446] : memref<53248x128xf32, #tpu.memory_space<hbm>> -> memref<128x128xf32, #tpu.memory_space<hbm>>
      tpu.wait_dma2 semaphore(%run_scoped3A : memref<!tpu.dma_semaphore, #tpu.memory_space<semaphore_mem>>) src(%arg6 : memref<128x128xf32, #tpu.memory_space<vmem>>) dst(%dma_wait3A_447 : memref<128x128xf32, #tpu.memory_space<hbm>>)
      tpu.yield
    }) : () -> ()
    return
  }
}

#map = affine_map<(d0, d1) -> (0, 0)>
#map1 = affine_map<(d0, d1) -> (0, 0, 0, 0)>
module attributes {stable_mosaic.version = 14 : i64} {
  func.func @_sc_gather_body(%arg0: i32, %arg1: i32, %arg2: memref<26000x128xf32, #tpu.memory_space<hbm>>, %arg3: memref<32x13x1x128xi32, #tpu.memory_space<hbm>>, %arg4: memref<53248x128xf32, #tpu.memory_space<hbm>>, %arg5: memref<13x1x128xi32, #tpu.memory_space<vmem>>, %arg6: memref<128x128xf32, #tpu.memory_space<vmem>>, %arg7: memref<128x128xf32, #tpu.memory_space<vmem>>, %arg8: memref<!tpu.dma_semaphore, #tpu.memory_space<semaphore_mem>>, %arg9: memref<!tpu.dma_semaphore, #tpu.memory_space<semaphore_mem>>) attributes {dimension_semantics = [#tpu.dimension_semantics<core_parallel>, #tpu.dimension_semantics<subcore_parallel>], iteration_bounds = array<i64: 2, 16>, scalar_prefetch = 0 : i64, scratch_operands = 5 : i64, tpu.core_type = #tpu.core_type<sc_vector_subcore>, window_params = [{transform_indices = #map}, {transform_indices = #map1}, {transform_indices = #map}]} {
    %mul3A = arith.constant 2 : i32
    %mul3A_0 = arith.muli %arg1, %mul3A : i32
    %add3A = arith.addi %mul3A_0, %arg0 : i32
    %mul3A_1 = arith.constant 13 : i32
    %mul3A_2 = arith.muli %add3A, %mul3A_1 : i32
    "tpu.region"() ({
      %run_scoped3A = tpu.sem_alloc : memref<!tpu.dma_semaphore, #tpu.memory_space<semaphore_mem>>
      %dma_start3A_440 = arith.constant 0 : i32
      %dma_start3A_441 = arith.constant 0 : i32
      %dma_start3A_442 = arith.constant 0 : i32
      %dma_start3A_443 = tpu.memref_slice %arg3[%add3A, %dma_start3A_440, %dma_start3A_441, %dma_start3A_442] : memref<32x13x1x128xi32, #tpu.memory_space<hbm>> -> memref<1x13x1x128xi32, #tpu.memory_space<hbm>>
      %dma_start3A_444 = tpu.memref_squeeze %dma_start3A_443 : memref<1x13x1x128xi32, #tpu.memory_space<hbm>> -> memref<13x1x128xi32, #tpu.memory_space<hbm>>
      %dma_start3A_445 = arith.constant 0 : i32
      %dma_start3A_446 = arith.constant 0 : i32
      %dma_start3A_447 = arith.constant 0 : i32
      %dma_start3A_448 = tpu.memref_slice %arg3[%add3A, %dma_start3A_445, %dma_start3A_446, %dma_start3A_447] : memref<32x13x1x128xi32, #tpu.memory_space<hbm>> -> memref<1x13x1x128xi32, #tpu.memory_space<hbm>>
      %dma_start3A_449 = tpu.memref_squeeze %dma_start3A_448 : memref<1x13x1x128xi32, #tpu.memory_space<hbm>> -> memref<13x1x128xi32, #tpu.memory_space<hbm>>
      tpu.enqueue_dma source(%dma_start3A_449 : memref<13x1x128xi32, #tpu.memory_space<hbm>>) target(%arg5 : memref<13x1x128xi32, #tpu.memory_space<vmem>>) target_semaphore(%run_scoped3A : memref<!tpu.dma_semaphore, #tpu.memory_space<semaphore_mem>>)
      %dma_wait3A_450 = arith.constant 0 : i32
      %dma_wait3A_451 = arith.constant 0 : i32
      %dma_wait3A_452 = arith.constant 0 : i32
      %dma_wait3A_453 = tpu.memref_slice %arg3[%add3A, %dma_wait3A_450, %dma_wait3A_451, %dma_wait3A_452] : memref<32x13x1x128xi32, #tpu.memory_space<hbm>> -> memref<1x13x1x128xi32, #tpu.memory_space<hbm>>
      %dma_wait3A_454 = tpu.memref_squeeze %dma_wait3A_453 : memref<1x13x1x128xi32, #tpu.memory_space<hbm>> -> memref<13x1x128xi32, #tpu.memory_space<hbm>>
      %dma_wait3A_455 = arith.constant 0 : i32
      %dma_wait3A_456 = arith.constant 0 : i32
      %dma_wait3A_457 = arith.constant 0 : i32
      %dma_wait3A_458 = tpu.memref_slice %arg3[%add3A, %dma_wait3A_455, %dma_wait3A_456, %dma_wait3A_457] : memref<32x13x1x128xi32, #tpu.memory_space<hbm>> -> memref<1x13x1x128xi32, #tpu.memory_space<hbm>>
      %dma_wait3A_459 = tpu.memref_squeeze %dma_wait3A_458 : memref<1x13x1x128xi32, #tpu.memory_space<hbm>> -> memref<13x1x128xi32, #tpu.memory_space<hbm>>
      tpu.wait_dma2 semaphore(%run_scoped3A : memref<!tpu.dma_semaphore, #tpu.memory_space<semaphore_mem>>) src(%dma_wait3A_459 : memref<13x1x128xi32, #tpu.memory_space<hbm>>) dst(%arg5 : memref<13x1x128xi32, #tpu.memory_space<vmem>>)
      tpu.yield
    }) : () -> ()
    %dma_start3A = arith.constant 0 : i32
    %dma_start3A_3 = arith.constant 0 : i32
    %dma_start3A_4 = arith.constant 0 : i32
    %dma_start3A_5 = arith.constant 0 : i32
    %dma_start3A_6 = tpu.memref_slice %arg6[%dma_start3A_4, %dma_start3A_5] : memref<128x128xf32, #tpu.memory_space<vmem>> -> memref<128x128xf32, #tpu.memory_space<vmem>>
    %dma_start3A_7 = arith.constant 0 : i32
    %dma_start3A_8 = tpu.memref_slice %arg5[%dma_start3A, %dma_start3A_3, %dma_start3A_7] : memref<13x1x128xi32, #tpu.memory_space<vmem>> -> memref<1x1x128xi32, #tpu.memory_space<vmem>>
    %dma_start3A_9 = tpu.memref_squeeze %dma_start3A_8 : memref<1x1x128xi32, #tpu.memory_space<vmem>> -> memref<128xi32, #tpu.memory_space<vmem>>
    %dma_start3A_10 = arith.constant 0 : i32
    %dma_start3A_11 = arith.constant 0 : i32
    %dma_start3A_12 = tpu.memref_slice %arg2[%dma_start3A_10, %dma_start3A_11] : memref<26000x128xf32, #tpu.memory_space<hbm>> -> memref<26000x128xf32, #tpu.memory_space<hbm>>
    tpu.enqueue_indirect_dma source(%dma_start3A_12 : memref<26000x128xf32, #tpu.memory_space<hbm>>) target(%dma_start3A_6 : memref<128x128xf32, #tpu.memory_space<vmem>>) offsets(%dma_start3A_9 : memref<128xi32, #tpu.memory_space<vmem>>) semaphore(%arg8 : memref<!tpu.dma_semaphore, #tpu.memory_space<semaphore_mem>>)
    %dma_wait3A = arith.constant 0 : i32
    %dma_wait3A_13 = arith.constant 0 : i32
    %dma_wait3A_14 = arith.constant 0 : i32
    %dma_wait3A_15 = arith.constant 0 : i32
    %dma_wait3A_16 = tpu.memref_slice %arg6[%dma_wait3A_14, %dma_wait3A_15] : memref<128x128xf32, #tpu.memory_space<vmem>> -> memref<128x128xf32, #tpu.memory_space<vmem>>
    %dma_wait3A_17 = arith.constant 0 : i32
    %dma_wait3A_18 = tpu.memref_slice %arg5[%dma_wait3A, %dma_wait3A_13, %dma_wait3A_17] : memref<13x1x128xi32, #tpu.memory_space<vmem>> -> memref<1x1x128xi32, #tpu.memory_space<vmem>>
    %dma_wait3A_19 = tpu.memref_squeeze %dma_wait3A_18 : memref<1x1x128xi32, #tpu.memory_space<vmem>> -> memref<128xi32, #tpu.memory_space<vmem>>
    %dma_wait3A_20 = arith.constant 0 : i32
    %dma_wait3A_21 = arith.constant 0 : i32
    %dma_wait3A_22 = tpu.memref_slice %arg2[%dma_wait3A_20, %dma_wait3A_21] : memref<26000x128xf32, #tpu.memory_space<hbm>> -> memref<26000x128xf32, #tpu.memory_space<hbm>>
    tpu.wait_indirect_dma semaphore(%arg8 : memref<!tpu.dma_semaphore, #tpu.memory_space<semaphore_mem>>) src(%dma_wait3A_22 : memref<26000x128xf32, #tpu.memory_space<hbm>>) dst(%dma_wait3A_16 : memref<128x128xf32, #tpu.memory_space<vmem>>)
    %dma_start3A_23 = arith.constant 1 : i32
    %dma_start3A_24 = arith.constant 0 : i32
    %dma_start3A_25 = arith.constant 0 : i32
    %dma_start3A_26 = arith.constant 0 : i32
    %dma_start3A_27 = tpu.memref_slice %arg7[%dma_start3A_25, %dma_start3A_26] : memref<128x128xf32, #tpu.memory_space<vmem>> -> memref<128x128xf32, #tpu.memory_space<vmem>>
    %dma_start3A_28 = arith.constant 0 : i32
    %dma_start3A_29 = tpu.memref_slice %arg5[%dma_start3A_23, %dma_start3A_24, %dma_start3A_28] : memref<13x1x128xi32, #tpu.memory_space<vmem>> -> memref<1x1x128xi32, #tpu.memory_space<vmem>>
    %dma_start3A_30 = tpu.memref_squeeze %dma_start3A_29 : memref<1x1x128xi32, #tpu.memory_space<vmem>> -> memref<128xi32, #tpu.memory_space<vmem>>
    %dma_start3A_31 = arith.constant 0 : i32
    %dma_start3A_32 = arith.constant 0 : i32
    %dma_start3A_33 = tpu.memref_slice %arg2[%dma_start3A_31, %dma_start3A_32] : memref<26000x128xf32, #tpu.memory_space<hbm>> -> memref<26000x128xf32, #tpu.memory_space<hbm>>
    tpu.enqueue_indirect_dma source(%dma_start3A_33 : memref<26000x128xf32, #tpu.memory_space<hbm>>) target(%dma_start3A_27 : memref<128x128xf32, #tpu.memory_space<vmem>>) offsets(%dma_start3A_30 : memref<128xi32, #tpu.memory_space<vmem>>) semaphore(%arg9 : memref<!tpu.dma_semaphore, #tpu.memory_space<semaphore_mem>>)
    %add3A_34 = arith.constant 0 : i32
    %add3A_35 = arith.addi %mul3A_2, %add3A_34 : i32
    %shift_right_arithmetic3A = arith.constant 4 : i32
    %shift_right_arithmetic3A_36 = arith.shrsi %add3A_35, %shift_right_arithmetic3A : i32
    %mul3A_37 = arith.constant 2048 : i32
    %mul3A_38 = arith.muli %shift_right_arithmetic3A_36, %mul3A_37 : i32
    %and3A = arith.constant 15 : i32
    %and3A_39 = arith.andi %add3A_35, %and3A : i32
    %mul3A_40 = arith.constant 128 : i32
    %mul3A_41 = arith.muli %and3A_39, %mul3A_40 : i32
    %add3A_42 = arith.addi %mul3A_38, %mul3A_41 : i32
    %multiple_of3A = tpu.assume_multiple %add3A_42, 128 : i32
    "tpu.region"() ({
      %run_scoped3A = tpu.sem_alloc : memref<!tpu.dma_semaphore, #tpu.memory_space<semaphore_mem>>
      %dma_start3A_440 = arith.constant 0 : i32
      %dma_start3A_441 = tpu.memref_slice %arg4[%multiple_of3A, %dma_start3A_440] : memref<53248x128xf32, #tpu.memory_space<hbm>> -> memref<128x128xf32, #tpu.memory_space<hbm>>
      %dma_start3A_442 = arith.constant 0 : i32
      %dma_start3A_443 = tpu.memref_slice %arg4[%multiple_of3A, %dma_start3A_442] : memref<53248x128xf32, #tpu.memory_space<hbm>> -> memref<128x128xf32, #tpu.memory_space<hbm>>
      tpu.enqueue_dma source(%arg6 : memref<128x128xf32, #tpu.memory_space<vmem>>) target(%dma_start3A_443 : memref<128x128xf32, #tpu.memory_space<hbm>>) target_semaphore(%run_scoped3A : memref<!tpu.dma_semaphore, #tpu.memory_space<semaphore_mem>>)
      %dma_wait3A_444 = arith.constant 0 : i32
      %dma_wait3A_445 = tpu.memref_slice %arg4[%multiple_of3A, %dma_wait3A_444] : memref<53248x128xf32, #tpu.memory_space<hbm>> -> memref<128x128xf32, #tpu.memory_space<hbm>>
      %dma_wait3A_446 = arith.constant 0 : i32
      %dma_wait3A_447 = tpu.memref_slice %arg4[%multiple_of3A, %dma_wait3A_446] : memref<53248x128xf32, #tpu.memory_space<hbm>> -> memref<128x128xf32, #tpu.memory_space<hbm>>
      tpu.wait_dma2 semaphore(%run_scoped3A : memref<!tpu.dma_semaphore, #tpu.memory_space<semaphore_mem>>) src(%arg6 : memref<128x128xf32, #tpu.memory_space<vmem>>) dst(%dma_wait3A_447 : memref<128x128xf32, #tpu.memory_space<hbm>>)
      tpu.yield
    }) : () -> ()
    %dma_wait3A_43 = arith.constant 1 : i32
    %dma_wait3A_44 = arith.constant 0 : i32
    %dma_wait3A_45 = arith.constant 0 : i32
    %dma_wait3A_46 = arith.constant 0 : i32
    %dma_wait3A_47 = tpu.memref_slice %arg7[%dma_wait3A_45, %dma_wait3A_46] : memref<128x128xf32, #tpu.memory_space<vmem>> -> memref<128x128xf32, #tpu.memory_space<vmem>>
    %dma_wait3A_48 = arith.constant 0 : i32
    %dma_wait3A_49 = tpu.memref_slice %arg5[%dma_wait3A_43, %dma_wait3A_44, %dma_wait3A_48] : memref<13x1x128xi32, #tpu.memory_space<vmem>> -> memref<1x1x128xi32, #tpu.memory_space<vmem>>
    %dma_wait3A_50 = tpu.memref_squeeze %dma_wait3A_49 : memref<1x1x128xi32, #tpu.memory_space<vmem>> -> memref<128xi32, #tpu.memory_space<vmem>>
    %dma_wait3A_51 = arith.constant 0 : i32
    %dma_wait3A_52 = arith.constant 0 : i32
    %dma_wait3A_53 = tpu.memref_slice %arg2[%dma_wait3A_51, %dma_wait3A_52] : memref<26000x128xf32, #tpu.memory_space<hbm>> -> memref<26000x128xf32, #tpu.memory_space<hbm>>
    tpu.wait_indirect_dma semaphore(%arg9 : memref<!tpu.dma_semaphore, #tpu.memory_space<semaphore_mem>>) src(%dma_wait3A_53 : memref<26000x128xf32, #tpu.memory_space<hbm>>) dst(%dma_wait3A_47 : memref<128x128xf32, #tpu.memory_space<vmem>>)
    %dma_start3A_54 = arith.constant 2 : i32
    %dma_start3A_55 = arith.constant 0 : i32
    %dma_start3A_56 = arith.constant 0 : i32
    %dma_start3A_57 = arith.constant 0 : i32
    %dma_start3A_58 = tpu.memref_slice %arg6[%dma_start3A_56, %dma_start3A_57] : memref<128x128xf32, #tpu.memory_space<vmem>> -> memref<128x128xf32, #tpu.memory_space<vmem>>
    %dma_start3A_59 = arith.constant 0 : i32
    %dma_start3A_60 = tpu.memref_slice %arg5[%dma_start3A_54, %dma_start3A_55, %dma_start3A_59] : memref<13x1x128xi32, #tpu.memory_space<vmem>> -> memref<1x1x128xi32, #tpu.memory_space<vmem>>
    %dma_start3A_61 = tpu.memref_squeeze %dma_start3A_60 : memref<1x1x128xi32, #tpu.memory_space<vmem>> -> memref<128xi32, #tpu.memory_space<vmem>>
    %dma_start3A_62 = arith.constant 0 : i32
    %dma_start3A_63 = arith.constant 0 : i32
    %dma_start3A_64 = tpu.memref_slice %arg2[%dma_start3A_62, %dma_start3A_63] : memref<26000x128xf32, #tpu.memory_space<hbm>> -> memref<26000x128xf32, #tpu.memory_space<hbm>>
    tpu.enqueue_indirect_dma source(%dma_start3A_64 : memref<26000x128xf32, #tpu.memory_space<hbm>>) target(%dma_start3A_58 : memref<128x128xf32, #tpu.memory_space<vmem>>) offsets(%dma_start3A_61 : memref<128xi32, #tpu.memory_space<vmem>>) semaphore(%arg8 : memref<!tpu.dma_semaphore, #tpu.memory_space<semaphore_mem>>)
    %add3A_65 = arith.constant 1 : i32
    %add3A_66 = arith.addi %mul3A_2, %add3A_65 : i32
    %shift_right_arithmetic3A_67 = arith.constant 4 : i32
    %shift_right_arithmetic3A_68 = arith.shrsi %add3A_66, %shift_right_arithmetic3A_67 : i32
    %mul3A_69 = arith.constant 2048 : i32
    %mul3A_70 = arith.muli %shift_right_arithmetic3A_68, %mul3A_69 : i32
    %and3A_71 = arith.constant 15 : i32
    %and3A_72 = arith.andi %add3A_66, %and3A_71 : i32
    %mul3A_73 = arith.constant 128 : i32
    %mul3A_74 = arith.muli %and3A_72, %mul3A_73 : i32
    %add3A_75 = arith.addi %mul3A_70, %mul3A_74 : i32
    %multiple_of3A_76 = tpu.assume_multiple %add3A_75, 128 : i32
    "tpu.region"() ({
      %run_scoped3A = tpu.sem_alloc : memref<!tpu.dma_semaphore, #tpu.memory_space<semaphore_mem>>
      %dma_start3A_440 = arith.constant 0 : i32
      %dma_start3A_441 = tpu.memref_slice %arg4[%multiple_of3A_76, %dma_start3A_440] : memref<53248x128xf32, #tpu.memory_space<hbm>> -> memref<128x128xf32, #tpu.memory_space<hbm>>
      %dma_start3A_442 = arith.constant 0 : i32
      %dma_start3A_443 = tpu.memref_slice %arg4[%multiple_of3A_76, %dma_start3A_442] : memref<53248x128xf32, #tpu.memory_space<hbm>> -> memref<128x128xf32, #tpu.memory_space<hbm>>
      tpu.enqueue_dma source(%arg7 : memref<128x128xf32, #tpu.memory_space<vmem>>) target(%dma_start3A_443 : memref<128x128xf32, #tpu.memory_space<hbm>>) target_semaphore(%run_scoped3A : memref<!tpu.dma_semaphore, #tpu.memory_space<semaphore_mem>>)
      %dma_wait3A_444 = arith.constant 0 : i32
      %dma_wait3A_445 = tpu.memref_slice %arg4[%multiple_of3A_76, %dma_wait3A_444] : memref<53248x128xf32, #tpu.memory_space<hbm>> -> memref<128x128xf32, #tpu.memory_space<hbm>>
      %dma_wait3A_446 = arith.constant 0 : i32
      %dma_wait3A_447 = tpu.memref_slice %arg4[%multiple_of3A_76, %dma_wait3A_446] : memref<53248x128xf32, #tpu.memory_space<hbm>> -> memref<128x128xf32, #tpu.memory_space<hbm>>
      tpu.wait_dma2 semaphore(%run_scoped3A : memref<!tpu.dma_semaphore, #tpu.memory_space<semaphore_mem>>) src(%arg7 : memref<128x128xf32, #tpu.memory_space<vmem>>) dst(%dma_wait3A_447 : memref<128x128xf32, #tpu.memory_space<hbm>>)
      tpu.yield
    }) : () -> ()
    %dma_wait3A_77 = arith.constant 2 : i32
    %dma_wait3A_78 = arith.constant 0 : i32
    %dma_wait3A_79 = arith.constant 0 : i32
    %dma_wait3A_80 = arith.constant 0 : i32
    %dma_wait3A_81 = tpu.memref_slice %arg6[%dma_wait3A_79, %dma_wait3A_80] : memref<128x128xf32, #tpu.memory_space<vmem>> -> memref<128x128xf32, #tpu.memory_space<vmem>>
    %dma_wait3A_82 = arith.constant 0 : i32
    %dma_wait3A_83 = tpu.memref_slice %arg5[%dma_wait3A_77, %dma_wait3A_78, %dma_wait3A_82] : memref<13x1x128xi32, #tpu.memory_space<vmem>> -> memref<1x1x128xi32, #tpu.memory_space<vmem>>
    %dma_wait3A_84 = tpu.memref_squeeze %dma_wait3A_83 : memref<1x1x128xi32, #tpu.memory_space<vmem>> -> memref<128xi32, #tpu.memory_space<vmem>>
    %dma_wait3A_85 = arith.constant 0 : i32
    %dma_wait3A_86 = arith.constant 0 : i32
    %dma_wait3A_87 = tpu.memref_slice %arg2[%dma_wait3A_85, %dma_wait3A_86] : memref<26000x128xf32, #tpu.memory_space<hbm>> -> memref<26000x128xf32, #tpu.memory_space<hbm>>
    tpu.wait_indirect_dma semaphore(%arg8 : memref<!tpu.dma_semaphore, #tpu.memory_space<semaphore_mem>>) src(%dma_wait3A_87 : memref<26000x128xf32, #tpu.memory_space<hbm>>) dst(%dma_wait3A_81 : memref<128x128xf32, #tpu.memory_space<vmem>>)
    %dma_start3A_88 = arith.constant 3 : i32
    %dma_start3A_89 = arith.constant 0 : i32
    %dma_start3A_90 = arith.constant 0 : i32
    %dma_start3A_91 = arith.constant 0 : i32
    %dma_start3A_92 = tpu.memref_slice %arg7[%dma_start3A_90, %dma_start3A_91] : memref<128x128xf32, #tpu.memory_space<vmem>> -> memref<128x128xf32, #tpu.memory_space<vmem>>
    %dma_start3A_93 = arith.constant 0 : i32
    %dma_start3A_94 = tpu.memref_slice %arg5[%dma_start3A_88, %dma_start3A_89, %dma_start3A_93] : memref<13x1x128xi32, #tpu.memory_space<vmem>> -> memref<1x1x128xi32, #tpu.memory_space<vmem>>
    %dma_start3A_95 = tpu.memref_squeeze %dma_start3A_94 : memref<1x1x128xi32, #tpu.memory_space<vmem>> -> memref<128xi32, #tpu.memory_space<vmem>>
    %dma_start3A_96 = arith.constant 0 : i32
    %dma_start3A_97 = arith.constant 0 : i32
    %dma_start3A_98 = tpu.memref_slice %arg2[%dma_start3A_96, %dma_start3A_97] : memref<26000x128xf32, #tpu.memory_space<hbm>> -> memref<26000x128xf32, #tpu.memory_space<hbm>>
    tpu.enqueue_indirect_dma source(%dma_start3A_98 : memref<26000x128xf32, #tpu.memory_space<hbm>>) target(%dma_start3A_92 : memref<128x128xf32, #tpu.memory_space<vmem>>) offsets(%dma_start3A_95 : memref<128xi32, #tpu.memory_space<vmem>>) semaphore(%arg9 : memref<!tpu.dma_semaphore, #tpu.memory_space<semaphore_mem>>)
    %add3A_99 = arith.constant 2 : i32
    %add3A_100 = arith.addi %mul3A_2, %add3A_99 : i32
    %shift_right_arithmetic3A_101 = arith.constant 4 : i32
    %shift_right_arithmetic3A_102 = arith.shrsi %add3A_100, %shift_right_arithmetic3A_101 : i32
    %mul3A_103 = arith.constant 2048 : i32
    %mul3A_104 = arith.muli %shift_right_arithmetic3A_102, %mul3A_103 : i32
    %and3A_105 = arith.constant 15 : i32
    %and3A_106 = arith.andi %add3A_100, %and3A_105 : i32
    %mul3A_107 = arith.constant 128 : i32
    %mul3A_108 = arith.muli %and3A_106, %mul3A_107 : i32
    %add3A_109 = arith.addi %mul3A_104, %mul3A_108 : i32
    %multiple_of3A_110 = tpu.assume_multiple %add3A_109, 128 : i32
    "tpu.region"() ({
      %run_scoped3A = tpu.sem_alloc : memref<!tpu.dma_semaphore, #tpu.memory_space<semaphore_mem>>
      %dma_start3A_440 = arith.constant 0 : i32
      %dma_start3A_441 = tpu.memref_slice %arg4[%multiple_of3A_110, %dma_start3A_440] : memref<53248x128xf32, #tpu.memory_space<hbm>> -> memref<128x128xf32, #tpu.memory_space<hbm>>
      %dma_start3A_442 = arith.constant 0 : i32
      %dma_start3A_443 = tpu.memref_slice %arg4[%multiple_of3A_110, %dma_start3A_442] : memref<53248x128xf32, #tpu.memory_space<hbm>> -> memref<128x128xf32, #tpu.memory_space<hbm>>
      tpu.enqueue_dma source(%arg6 : memref<128x128xf32, #tpu.memory_space<vmem>>) target(%dma_start3A_443 : memref<128x128xf32, #tpu.memory_space<hbm>>) target_semaphore(%run_scoped3A : memref<!tpu.dma_semaphore, #tpu.memory_space<semaphore_mem>>)
      %dma_wait3A_444 = arith.constant 0 : i32
      %dma_wait3A_445 = tpu.memref_slice %arg4[%multiple_of3A_110, %dma_wait3A_444] : memref<53248x128xf32, #tpu.memory_space<hbm>> -> memref<128x128xf32, #tpu.memory_space<hbm>>
      %dma_wait3A_446 = arith.constant 0 : i32
      %dma_wait3A_447 = tpu.memref_slice %arg4[%multiple_of3A_110, %dma_wait3A_446] : memref<53248x128xf32, #tpu.memory_space<hbm>> -> memref<128x128xf32, #tpu.memory_space<hbm>>
      tpu.wait_dma2 semaphore(%run_scoped3A : memref<!tpu.dma_semaphore, #tpu.memory_space<semaphore_mem>>) src(%arg6 : memref<128x128xf32, #tpu.memory_space<vmem>>) dst(%dma_wait3A_447 : memref<128x128xf32, #tpu.memory_space<hbm>>)
      tpu.yield
    }) : () -> ()
    %dma_wait3A_111 = arith.constant 3 : i32
    %dma_wait3A_112 = arith.constant 0 : i32
    %dma_wait3A_113 = arith.constant 0 : i32
    %dma_wait3A_114 = arith.constant 0 : i32
    %dma_wait3A_115 = tpu.memref_slice %arg7[%dma_wait3A_113, %dma_wait3A_114] : memref<128x128xf32, #tpu.memory_space<vmem>> -> memref<128x128xf32, #tpu.memory_space<vmem>>
    %dma_wait3A_116 = arith.constant 0 : i32
    %dma_wait3A_117 = tpu.memref_slice %arg5[%dma_wait3A_111, %dma_wait3A_112, %dma_wait3A_116] : memref<13x1x128xi32, #tpu.memory_space<vmem>> -> memref<1x1x128xi32, #tpu.memory_space<vmem>>
    %dma_wait3A_118 = tpu.memref_squeeze %dma_wait3A_117 : memref<1x1x128xi32, #tpu.memory_space<vmem>> -> memref<128xi32, #tpu.memory_space<vmem>>
    %dma_wait3A_119 = arith.constant 0 : i32
    %dma_wait3A_120 = arith.constant 0 : i32
    %dma_wait3A_121 = tpu.memref_slice %arg2[%dma_wait3A_119, %dma_wait3A_120] : memref<26000x128xf32, #tpu.memory_space<hbm>> -> memref<26000x128xf32, #tpu.memory_space<hbm>>
    tpu.wait_indirect_dma semaphore(%arg9 : memref<!tpu.dma_semaphore, #tpu.memory_space<semaphore_mem>>) src(%dma_wait3A_121 : memref<26000x128xf32, #tpu.memory_space<hbm>>) dst(%dma_wait3A_115 : memref<128x128xf32, #tpu.memory_space<vmem>>)
    %dma_start3A_122 = arith.constant 4 : i32
    %dma_start3A_123 = arith.constant 0 : i32
    %dma_start3A_124 = arith.constant 0 : i32
    %dma_start3A_125 = arith.constant 0 : i32
    %dma_start3A_126 = tpu.memref_slice %arg6[%dma_start3A_124, %dma_start3A_125] : memref<128x128xf32, #tpu.memory_space<vmem>> -> memref<128x128xf32, #tpu.memory_space<vmem>>
    %dma_start3A_127 = arith.constant 0 : i32
    %dma_start3A_128 = tpu.memref_slice %arg5[%dma_start3A_122, %dma_start3A_123, %dma_start3A_127] : memref<13x1x128xi32, #tpu.memory_space<vmem>> -> memref<1x1x128xi32, #tpu.memory_space<vmem>>
    %dma_start3A_129 = tpu.memref_squeeze %dma_start3A_128 : memref<1x1x128xi32, #tpu.memory_space<vmem>> -> memref<128xi32, #tpu.memory_space<vmem>>
    %dma_start3A_130 = arith.constant 0 : i32
    %dma_start3A_131 = arith.constant 0 : i32
    %dma_start3A_132 = tpu.memref_slice %arg2[%dma_start3A_130, %dma_start3A_131] : memref<26000x128xf32, #tpu.memory_space<hbm>> -> memref<26000x128xf32, #tpu.memory_space<hbm>>
    tpu.enqueue_indirect_dma source(%dma_start3A_132 : memref<26000x128xf32, #tpu.memory_space<hbm>>) target(%dma_start3A_126 : memref<128x128xf32, #tpu.memory_space<vmem>>) offsets(%dma_start3A_129 : memref<128xi32, #tpu.memory_space<vmem>>) semaphore(%arg8 : memref<!tpu.dma_semaphore, #tpu.memory_space<semaphore_mem>>)
    %add3A_133 = arith.constant 3 : i32
    %add3A_134 = arith.addi %mul3A_2, %add3A_133 : i32
    %shift_right_arithmetic3A_135 = arith.constant 4 : i32
    %shift_right_arithmetic3A_136 = arith.shrsi %add3A_134, %shift_right_arithmetic3A_135 : i32
    %mul3A_137 = arith.constant 2048 : i32
    %mul3A_138 = arith.muli %shift_right_arithmetic3A_136, %mul3A_137 : i32
    %and3A_139 = arith.constant 15 : i32
    %and3A_140 = arith.andi %add3A_134, %and3A_139 : i32
    %mul3A_141 = arith.constant 128 : i32
    %mul3A_142 = arith.muli %and3A_140, %mul3A_141 : i32
    %add3A_143 = arith.addi %mul3A_138, %mul3A_142 : i32
    %multiple_of3A_144 = tpu.assume_multiple %add3A_143, 128 : i32
    "tpu.region"() ({
      %run_scoped3A = tpu.sem_alloc : memref<!tpu.dma_semaphore, #tpu.memory_space<semaphore_mem>>
      %dma_start3A_440 = arith.constant 0 : i32
      %dma_start3A_441 = tpu.memref_slice %arg4[%multiple_of3A_144, %dma_start3A_440] : memref<53248x128xf32, #tpu.memory_space<hbm>> -> memref<128x128xf32, #tpu.memory_space<hbm>>
      %dma_start3A_442 = arith.constant 0 : i32
      %dma_start3A_443 = tpu.memref_slice %arg4[%multiple_of3A_144, %dma_start3A_442] : memref<53248x128xf32, #tpu.memory_space<hbm>> -> memref<128x128xf32, #tpu.memory_space<hbm>>
      tpu.enqueue_dma source(%arg7 : memref<128x128xf32, #tpu.memory_space<vmem>>) target(%dma_start3A_443 : memref<128x128xf32, #tpu.memory_space<hbm>>) target_semaphore(%run_scoped3A : memref<!tpu.dma_semaphore, #tpu.memory_space<semaphore_mem>>)
      %dma_wait3A_444 = arith.constant 0 : i32
      %dma_wait3A_445 = tpu.memref_slice %arg4[%multiple_of3A_144, %dma_wait3A_444] : memref<53248x128xf32, #tpu.memory_space<hbm>> -> memref<128x128xf32, #tpu.memory_space<hbm>>
      %dma_wait3A_446 = arith.constant 0 : i32
      %dma_wait3A_447 = tpu.memref_slice %arg4[%multiple_of3A_144, %dma_wait3A_446] : memref<53248x128xf32, #tpu.memory_space<hbm>> -> memref<128x128xf32, #tpu.memory_space<hbm>>
      tpu.wait_dma2 semaphore(%run_scoped3A : memref<!tpu.dma_semaphore, #tpu.memory_space<semaphore_mem>>) src(%arg7 : memref<128x128xf32, #tpu.memory_space<vmem>>) dst(%dma_wait3A_447 : memref<128x128xf32, #tpu.memory_space<hbm>>)
      tpu.yield
    }) : () -> ()
    %dma_wait3A_145 = arith.constant 4 : i32
    %dma_wait3A_146 = arith.constant 0 : i32
    %dma_wait3A_147 = arith.constant 0 : i32
    %dma_wait3A_148 = arith.constant 0 : i32
    %dma_wait3A_149 = tpu.memref_slice %arg6[%dma_wait3A_147, %dma_wait3A_148] : memref<128x128xf32, #tpu.memory_space<vmem>> -> memref<128x128xf32, #tpu.memory_space<vmem>>
    %dma_wait3A_150 = arith.constant 0 : i32
    %dma_wait3A_151 = tpu.memref_slice %arg5[%dma_wait3A_145, %dma_wait3A_146, %dma_wait3A_150] : memref<13x1x128xi32, #tpu.memory_space<vmem>> -> memref<1x1x128xi32, #tpu.memory_space<vmem>>
    %dma_wait3A_152 = tpu.memref_squeeze %dma_wait3A_151 : memref<1x1x128xi32, #tpu.memory_space<vmem>> -> memref<128xi32, #tpu.memory_space<vmem>>
    %dma_wait3A_153 = arith.constant 0 : i32
    %dma_wait3A_154 = arith.constant 0 : i32
    %dma_wait3A_155 = tpu.memref_slice %arg2[%dma_wait3A_153, %dma_wait3A_154] : memref<26000x128xf32, #tpu.memory_space<hbm>> -> memref<26000x128xf32, #tpu.memory_space<hbm>>
    tpu.wait_indirect_dma semaphore(%arg8 : memref<!tpu.dma_semaphore, #tpu.memory_space<semaphore_mem>>) src(%dma_wait3A_155 : memref<26000x128xf32, #tpu.memory_space<hbm>>) dst(%dma_wait3A_149 : memref<128x128xf32, #tpu.memory_space<vmem>>)
    %dma_start3A_156 = arith.constant 5 : i32
    %dma_start3A_157 = arith.constant 0 : i32
    %dma_start3A_158 = arith.constant 0 : i32
    %dma_start3A_159 = arith.constant 0 : i32
    %dma_start3A_160 = tpu.memref_slice %arg7[%dma_start3A_158, %dma_start3A_159] : memref<128x128xf32, #tpu.memory_space<vmem>> -> memref<128x128xf32, #tpu.memory_space<vmem>>
    %dma_start3A_161 = arith.constant 0 : i32
    %dma_start3A_162 = tpu.memref_slice %arg5[%dma_start3A_156, %dma_start3A_157, %dma_start3A_161] : memref<13x1x128xi32, #tpu.memory_space<vmem>> -> memref<1x1x128xi32, #tpu.memory_space<vmem>>
    %dma_start3A_163 = tpu.memref_squeeze %dma_start3A_162 : memref<1x1x128xi32, #tpu.memory_space<vmem>> -> memref<128xi32, #tpu.memory_space<vmem>>
    %dma_start3A_164 = arith.constant 0 : i32
    %dma_start3A_165 = arith.constant 0 : i32
    %dma_start3A_166 = tpu.memref_slice %arg2[%dma_start3A_164, %dma_start3A_165] : memref<26000x128xf32, #tpu.memory_space<hbm>> -> memref<26000x128xf32, #tpu.memory_space<hbm>>
    tpu.enqueue_indirect_dma source(%dma_start3A_166 : memref<26000x128xf32, #tpu.memory_space<hbm>>) target(%dma_start3A_160 : memref<128x128xf32, #tpu.memory_space<vmem>>) offsets(%dma_start3A_163 : memref<128xi32, #tpu.memory_space<vmem>>) semaphore(%arg9 : memref<!tpu.dma_semaphore, #tpu.memory_space<semaphore_mem>>)
    %add3A_167 = arith.constant 4 : i32
    %add3A_168 = arith.addi %mul3A_2, %add3A_167 : i32
    %shift_right_arithmetic3A_169 = arith.constant 4 : i32
    %shift_right_arithmetic3A_170 = arith.shrsi %add3A_168, %shift_right_arithmetic3A_169 : i32
    %mul3A_171 = arith.constant 2048 : i32
    %mul3A_172 = arith.muli %shift_right_arithmetic3A_170, %mul3A_171 : i32
    %and3A_173 = arith.constant 15 : i32
    %and3A_174 = arith.andi %add3A_168, %and3A_173 : i32
    %mul3A_175 = arith.constant 128 : i32
    %mul3A_176 = arith.muli %and3A_174, %mul3A_175 : i32
    %add3A_177 = arith.addi %mul3A_172, %mul3A_176 : i32
    %multiple_of3A_178 = tpu.assume_multiple %add3A_177, 128 : i32
    "tpu.region"() ({
      %run_scoped3A = tpu.sem_alloc : memref<!tpu.dma_semaphore, #tpu.memory_space<semaphore_mem>>
      %dma_start3A_440 = arith.constant 0 : i32
      %dma_start3A_441 = tpu.memref_slice %arg4[%multiple_of3A_178, %dma_start3A_440] : memref<53248x128xf32, #tpu.memory_space<hbm>> -> memref<128x128xf32, #tpu.memory_space<hbm>>
      %dma_start3A_442 = arith.constant 0 : i32
      %dma_start3A_443 = tpu.memref_slice %arg4[%multiple_of3A_178, %dma_start3A_442] : memref<53248x128xf32, #tpu.memory_space<hbm>> -> memref<128x128xf32, #tpu.memory_space<hbm>>
      tpu.enqueue_dma source(%arg6 : memref<128x128xf32, #tpu.memory_space<vmem>>) target(%dma_start3A_443 : memref<128x128xf32, #tpu.memory_space<hbm>>) target_semaphore(%run_scoped3A : memref<!tpu.dma_semaphore, #tpu.memory_space<semaphore_mem>>)
      %dma_wait3A_444 = arith.constant 0 : i32
      %dma_wait3A_445 = tpu.memref_slice %arg4[%multiple_of3A_178, %dma_wait3A_444] : memref<53248x128xf32, #tpu.memory_space<hbm>> -> memref<128x128xf32, #tpu.memory_space<hbm>>
      %dma_wait3A_446 = arith.constant 0 : i32
      %dma_wait3A_447 = tpu.memref_slice %arg4[%multiple_of3A_178, %dma_wait3A_446] : memref<53248x128xf32, #tpu.memory_space<hbm>> -> memref<128x128xf32, #tpu.memory_space<hbm>>
      tpu.wait_dma2 semaphore(%run_scoped3A : memref<!tpu.dma_semaphore, #tpu.memory_space<semaphore_mem>>) src(%arg6 : memref<128x128xf32, #tpu.memory_space<vmem>>) dst(%dma_wait3A_447 : memref<128x128xf32, #tpu.memory_space<hbm>>)
      tpu.yield
    }) : () -> ()
    %dma_wait3A_179 = arith.constant 5 : i32
    %dma_wait3A_180 = arith.constant 0 : i32
    %dma_wait3A_181 = arith.constant 0 : i32
    %dma_wait3A_182 = arith.constant 0 : i32
    %dma_wait3A_183 = tpu.memref_slice %arg7[%dma_wait3A_181, %dma_wait3A_182] : memref<128x128xf32, #tpu.memory_space<vmem>> -> memref<128x128xf32, #tpu.memory_space<vmem>>
    %dma_wait3A_184 = arith.constant 0 : i32
    %dma_wait3A_185 = tpu.memref_slice %arg5[%dma_wait3A_179, %dma_wait3A_180, %dma_wait3A_184] : memref<13x1x128xi32, #tpu.memory_space<vmem>> -> memref<1x1x128xi32, #tpu.memory_space<vmem>>
    %dma_wait3A_186 = tpu.memref_squeeze %dma_wait3A_185 : memref<1x1x128xi32, #tpu.memory_space<vmem>> -> memref<128xi32, #tpu.memory_space<vmem>>
    %dma_wait3A_187 = arith.constant 0 : i32
    %dma_wait3A_188 = arith.constant 0 : i32
    %dma_wait3A_189 = tpu.memref_slice %arg2[%dma_wait3A_187, %dma_wait3A_188] : memref<26000x128xf32, #tpu.memory_space<hbm>> -> memref<26000x128xf32, #tpu.memory_space<hbm>>
    tpu.wait_indirect_dma semaphore(%arg9 : memref<!tpu.dma_semaphore, #tpu.memory_space<semaphore_mem>>) src(%dma_wait3A_189 : memref<26000x128xf32, #tpu.memory_space<hbm>>) dst(%dma_wait3A_183 : memref<128x128xf32, #tpu.memory_space<vmem>>)
    %dma_start3A_190 = arith.constant 6 : i32
    %dma_start3A_191 = arith.constant 0 : i32
    %dma_start3A_192 = arith.constant 0 : i32
    %dma_start3A_193 = arith.constant 0 : i32
    %dma_start3A_194 = tpu.memref_slice %arg6[%dma_start3A_192, %dma_start3A_193] : memref<128x128xf32, #tpu.memory_space<vmem>> -> memref<128x128xf32, #tpu.memory_space<vmem>>
    %dma_start3A_195 = arith.constant 0 : i32
    %dma_start3A_196 = tpu.memref_slice %arg5[%dma_start3A_190, %dma_start3A_191, %dma_start3A_195] : memref<13x1x128xi32, #tpu.memory_space<vmem>> -> memref<1x1x128xi32, #tpu.memory_space<vmem>>
    %dma_start3A_197 = tpu.memref_squeeze %dma_start3A_196 : memref<1x1x128xi32, #tpu.memory_space<vmem>> -> memref<128xi32, #tpu.memory_space<vmem>>
    %dma_start3A_198 = arith.constant 0 : i32
    %dma_start3A_199 = arith.constant 0 : i32
    %dma_start3A_200 = tpu.memref_slice %arg2[%dma_start3A_198, %dma_start3A_199] : memref<26000x128xf32, #tpu.memory_space<hbm>> -> memref<26000x128xf32, #tpu.memory_space<hbm>>
    tpu.enqueue_indirect_dma source(%dma_start3A_200 : memref<26000x128xf32, #tpu.memory_space<hbm>>) target(%dma_start3A_194 : memref<128x128xf32, #tpu.memory_space<vmem>>) offsets(%dma_start3A_197 : memref<128xi32, #tpu.memory_space<vmem>>) semaphore(%arg8 : memref<!tpu.dma_semaphore, #tpu.memory_space<semaphore_mem>>)
    %add3A_201 = arith.constant 5 : i32
    %add3A_202 = arith.addi %mul3A_2, %add3A_201 : i32
    %shift_right_arithmetic3A_203 = arith.constant 4 : i32
    %shift_right_arithmetic3A_204 = arith.shrsi %add3A_202, %shift_right_arithmetic3A_203 : i32
    %mul3A_205 = arith.constant 2048 : i32
    %mul3A_206 = arith.muli %shift_right_arithmetic3A_204, %mul3A_205 : i32
    %and3A_207 = arith.constant 15 : i32
    %and3A_208 = arith.andi %add3A_202, %and3A_207 : i32
    %mul3A_209 = arith.constant 128 : i32
    %mul3A_210 = arith.muli %and3A_208, %mul3A_209 : i32
    %add3A_211 = arith.addi %mul3A_206, %mul3A_210 : i32
    %multiple_of3A_212 = tpu.assume_multiple %add3A_211, 128 : i32
    "tpu.region"() ({
      %run_scoped3A = tpu.sem_alloc : memref<!tpu.dma_semaphore, #tpu.memory_space<semaphore_mem>>
      %dma_start3A_440 = arith.constant 0 : i32
      %dma_start3A_441 = tpu.memref_slice %arg4[%multiple_of3A_212, %dma_start3A_440] : memref<53248x128xf32, #tpu.memory_space<hbm>> -> memref<128x128xf32, #tpu.memory_space<hbm>>
      %dma_start3A_442 = arith.constant 0 : i32
      %dma_start3A_443 = tpu.memref_slice %arg4[%multiple_of3A_212, %dma_start3A_442] : memref<53248x128xf32, #tpu.memory_space<hbm>> -> memref<128x128xf32, #tpu.memory_space<hbm>>
      tpu.enqueue_dma source(%arg7 : memref<128x128xf32, #tpu.memory_space<vmem>>) target(%dma_start3A_443 : memref<128x128xf32, #tpu.memory_space<hbm>>) target_semaphore(%run_scoped3A : memref<!tpu.dma_semaphore, #tpu.memory_space<semaphore_mem>>)
      %dma_wait3A_444 = arith.constant 0 : i32
      %dma_wait3A_445 = tpu.memref_slice %arg4[%multiple_of3A_212, %dma_wait3A_444] : memref<53248x128xf32, #tpu.memory_space<hbm>> -> memref<128x128xf32, #tpu.memory_space<hbm>>
      %dma_wait3A_446 = arith.constant 0 : i32
      %dma_wait3A_447 = tpu.memref_slice %arg4[%multiple_of3A_212, %dma_wait3A_446] : memref<53248x128xf32, #tpu.memory_space<hbm>> -> memref<128x128xf32, #tpu.memory_space<hbm>>
      tpu.wait_dma2 semaphore(%run_scoped3A : memref<!tpu.dma_semaphore, #tpu.memory_space<semaphore_mem>>) src(%arg7 : memref<128x128xf32, #tpu.memory_space<vmem>>) dst(%dma_wait3A_447 : memref<128x128xf32, #tpu.memory_space<hbm>>)
      tpu.yield
    }) : () -> ()
    %dma_wait3A_213 = arith.constant 6 : i32
    %dma_wait3A_214 = arith.constant 0 : i32
    %dma_wait3A_215 = arith.constant 0 : i32
    %dma_wait3A_216 = arith.constant 0 : i32
    %dma_wait3A_217 = tpu.memref_slice %arg6[%dma_wait3A_215, %dma_wait3A_216] : memref<128x128xf32, #tpu.memory_space<vmem>> -> memref<128x128xf32, #tpu.memory_space<vmem>>
    %dma_wait3A_218 = arith.constant 0 : i32
    %dma_wait3A_219 = tpu.memref_slice %arg5[%dma_wait3A_213, %dma_wait3A_214, %dma_wait3A_218] : memref<13x1x128xi32, #tpu.memory_space<vmem>> -> memref<1x1x128xi32, #tpu.memory_space<vmem>>
    %dma_wait3A_220 = tpu.memref_squeeze %dma_wait3A_219 : memref<1x1x128xi32, #tpu.memory_space<vmem>> -> memref<128xi32, #tpu.memory_space<vmem>>
    %dma_wait3A_221 = arith.constant 0 : i32
    %dma_wait3A_222 = arith.constant 0 : i32
    %dma_wait3A_223 = tpu.memref_slice %arg2[%dma_wait3A_221, %dma_wait3A_222] : memref<26000x128xf32, #tpu.memory_space<hbm>> -> memref<26000x128xf32, #tpu.memory_space<hbm>>
    tpu.wait_indirect_dma semaphore(%arg8 : memref<!tpu.dma_semaphore, #tpu.memory_space<semaphore_mem>>) src(%dma_wait3A_223 : memref<26000x128xf32, #tpu.memory_space<hbm>>) dst(%dma_wait3A_217 : memref<128x128xf32, #tpu.memory_space<vmem>>)
    %dma_start3A_224 = arith.constant 7 : i32
    %dma_start3A_225 = arith.constant 0 : i32
    %dma_start3A_226 = arith.constant 0 : i32
    %dma_start3A_227 = arith.constant 0 : i32
    %dma_start3A_228 = tpu.memref_slice %arg7[%dma_start3A_226, %dma_start3A_227] : memref<128x128xf32, #tpu.memory_space<vmem>> -> memref<128x128xf32, #tpu.memory_space<vmem>>
    %dma_start3A_229 = arith.constant 0 : i32
    %dma_start3A_230 = tpu.memref_slice %arg5[%dma_start3A_224, %dma_start3A_225, %dma_start3A_229] : memref<13x1x128xi32, #tpu.memory_space<vmem>> -> memref<1x1x128xi32, #tpu.memory_space<vmem>>
    %dma_start3A_231 = tpu.memref_squeeze %dma_start3A_230 : memref<1x1x128xi32, #tpu.memory_space<vmem>> -> memref<128xi32, #tpu.memory_space<vmem>>
    %dma_start3A_232 = arith.constant 0 : i32
    %dma_start3A_233 = arith.constant 0 : i32
    %dma_start3A_234 = tpu.memref_slice %arg2[%dma_start3A_232, %dma_start3A_233] : memref<26000x128xf32, #tpu.memory_space<hbm>> -> memref<26000x128xf32, #tpu.memory_space<hbm>>
    tpu.enqueue_indirect_dma source(%dma_start3A_234 : memref<26000x128xf32, #tpu.memory_space<hbm>>) target(%dma_start3A_228 : memref<128x128xf32, #tpu.memory_space<vmem>>) offsets(%dma_start3A_231 : memref<128xi32, #tpu.memory_space<vmem>>) semaphore(%arg9 : memref<!tpu.dma_semaphore, #tpu.memory_space<semaphore_mem>>)
    %add3A_235 = arith.constant 6 : i32
    %add3A_236 = arith.addi %mul3A_2, %add3A_235 : i32
    %shift_right_arithmetic3A_237 = arith.constant 4 : i32
    %shift_right_arithmetic3A_238 = arith.shrsi %add3A_236, %shift_right_arithmetic3A_237 : i32
    %mul3A_239 = arith.constant 2048 : i32
    %mul3A_240 = arith.muli %shift_right_arithmetic3A_238, %mul3A_239 : i32
    %and3A_241 = arith.constant 15 : i32
    %and3A_242 = arith.andi %add3A_236, %and3A_241 : i32
    %mul3A_243 = arith.constant 128 : i32
    %mul3A_244 = arith.muli %and3A_242, %mul3A_243 : i32
    %add3A_245 = arith.addi %mul3A_240, %mul3A_244 : i32
    %multiple_of3A_246 = tpu.assume_multiple %add3A_245, 128 : i32
    "tpu.region"() ({
      %run_scoped3A = tpu.sem_alloc : memref<!tpu.dma_semaphore, #tpu.memory_space<semaphore_mem>>
      %dma_start3A_440 = arith.constant 0 : i32
      %dma_start3A_441 = tpu.memref_slice %arg4[%multiple_of3A_246, %dma_start3A_440] : memref<53248x128xf32, #tpu.memory_space<hbm>> -> memref<128x128xf32, #tpu.memory_space<hbm>>
      %dma_start3A_442 = arith.constant 0 : i32
      %dma_start3A_443 = tpu.memref_slice %arg4[%multiple_of3A_246, %dma_start3A_442] : memref<53248x128xf32, #tpu.memory_space<hbm>> -> memref<128x128xf32, #tpu.memory_space<hbm>>
      tpu.enqueue_dma source(%arg6 : memref<128x128xf32, #tpu.memory_space<vmem>>) target(%dma_start3A_443 : memref<128x128xf32, #tpu.memory_space<hbm>>) target_semaphore(%run_scoped3A : memref<!tpu.dma_semaphore, #tpu.memory_space<semaphore_mem>>)
      %dma_wait3A_444 = arith.constant 0 : i32
      %dma_wait3A_445 = tpu.memref_slice %arg4[%multiple_of3A_246, %dma_wait3A_444] : memref<53248x128xf32, #tpu.memory_space<hbm>> -> memref<128x128xf32, #tpu.memory_space<hbm>>
      %dma_wait3A_446 = arith.constant 0 : i32
      %dma_wait3A_447 = tpu.memref_slice %arg4[%multiple_of3A_246, %dma_wait3A_446] : memref<53248x128xf32, #tpu.memory_space<hbm>> -> memref<128x128xf32, #tpu.memory_space<hbm>>
      tpu.wait_dma2 semaphore(%run_scoped3A : memref<!tpu.dma_semaphore, #tpu.memory_space<semaphore_mem>>) src(%arg6 : memref<128x128xf32, #tpu.memory_space<vmem>>) dst(%dma_wait3A_447 : memref<128x128xf32, #tpu.memory_space<hbm>>)
      tpu.yield
    }) : () -> ()
    %dma_wait3A_247 = arith.constant 7 : i32
    %dma_wait3A_248 = arith.constant 0 : i32
    %dma_wait3A_249 = arith.constant 0 : i32
    %dma_wait3A_250 = arith.constant 0 : i32
    %dma_wait3A_251 = tpu.memref_slice %arg7[%dma_wait3A_249, %dma_wait3A_250] : memref<128x128xf32, #tpu.memory_space<vmem>> -> memref<128x128xf32, #tpu.memory_space<vmem>>
    %dma_wait3A_252 = arith.constant 0 : i32
    %dma_wait3A_253 = tpu.memref_slice %arg5[%dma_wait3A_247, %dma_wait3A_248, %dma_wait3A_252] : memref<13x1x128xi32, #tpu.memory_space<vmem>> -> memref<1x1x128xi32, #tpu.memory_space<vmem>>
    %dma_wait3A_254 = tpu.memref_squeeze %dma_wait3A_253 : memref<1x1x128xi32, #tpu.memory_space<vmem>> -> memref<128xi32, #tpu.memory_space<vmem>>
    %dma_wait3A_255 = arith.constant 0 : i32
    %dma_wait3A_256 = arith.constant 0 : i32
    %dma_wait3A_257 = tpu.memref_slice %arg2[%dma_wait3A_255, %dma_wait3A_256] : memref<26000x128xf32, #tpu.memory_space<hbm>> -> memref<26000x128xf32, #tpu.memory_space<hbm>>
    tpu.wait_indirect_dma semaphore(%arg9 : memref<!tpu.dma_semaphore, #tpu.memory_space<semaphore_mem>>) src(%dma_wait3A_257 : memref<26000x128xf32, #tpu.memory_space<hbm>>) dst(%dma_wait3A_251 : memref<128x128xf32, #tpu.memory_space<vmem>>)
    %dma_start3A_258 = arith.constant 8 : i32
    %dma_start3A_259 = arith.constant 0 : i32
    %dma_start3A_260 = arith.constant 0 : i32
    %dma_start3A_261 = arith.constant 0 : i32
    %dma_start3A_262 = tpu.memref_slice %arg6[%dma_start3A_260, %dma_start3A_261] : memref<128x128xf32, #tpu.memory_space<vmem>> -> memref<128x128xf32, #tpu.memory_space<vmem>>
    %dma_start3A_263 = arith.constant 0 : i32
    %dma_start3A_264 = tpu.memref_slice %arg5[%dma_start3A_258, %dma_start3A_259, %dma_start3A_263] : memref<13x1x128xi32, #tpu.memory_space<vmem>> -> memref<1x1x128xi32, #tpu.memory_space<vmem>>
    %dma_start3A_265 = tpu.memref_squeeze %dma_start3A_264 : memref<1x1x128xi32, #tpu.memory_space<vmem>> -> memref<128xi32, #tpu.memory_space<vmem>>
    %dma_start3A_266 = arith.constant 0 : i32
    %dma_start3A_267 = arith.constant 0 : i32
    %dma_start3A_268 = tpu.memref_slice %arg2[%dma_start3A_266, %dma_start3A_267] : memref<26000x128xf32, #tpu.memory_space<hbm>> -> memref<26000x128xf32, #tpu.memory_space<hbm>>
    tpu.enqueue_indirect_dma source(%dma_start3A_268 : memref<26000x128xf32, #tpu.memory_space<hbm>>) target(%dma_start3A_262 : memref<128x128xf32, #tpu.memory_space<vmem>>) offsets(%dma_start3A_265 : memref<128xi32, #tpu.memory_space<vmem>>) semaphore(%arg8 : memref<!tpu.dma_semaphore, #tpu.memory_space<semaphore_mem>>)
    %add3A_269 = arith.constant 7 : i32
    %add3A_270 = arith.addi %mul3A_2, %add3A_269 : i32
    %shift_right_arithmetic3A_271 = arith.constant 4 : i32
    %shift_right_arithmetic3A_272 = arith.shrsi %add3A_270, %shift_right_arithmetic3A_271 : i32
    %mul3A_273 = arith.constant 2048 : i32
    %mul3A_274 = arith.muli %shift_right_arithmetic3A_272, %mul3A_273 : i32
    %and3A_275 = arith.constant 15 : i32
    %and3A_276 = arith.andi %add3A_270, %and3A_275 : i32
    %mul3A_277 = arith.constant 128 : i32
    %mul3A_278 = arith.muli %and3A_276, %mul3A_277 : i32
    %add3A_279 = arith.addi %mul3A_274, %mul3A_278 : i32
    %multiple_of3A_280 = tpu.assume_multiple %add3A_279, 128 : i32
    "tpu.region"() ({
      %run_scoped3A = tpu.sem_alloc : memref<!tpu.dma_semaphore, #tpu.memory_space<semaphore_mem>>
      %dma_start3A_440 = arith.constant 0 : i32
      %dma_start3A_441 = tpu.memref_slice %arg4[%multiple_of3A_280, %dma_start3A_440] : memref<53248x128xf32, #tpu.memory_space<hbm>> -> memref<128x128xf32, #tpu.memory_space<hbm>>
      %dma_start3A_442 = arith.constant 0 : i32
      %dma_start3A_443 = tpu.memref_slice %arg4[%multiple_of3A_280, %dma_start3A_442] : memref<53248x128xf32, #tpu.memory_space<hbm>> -> memref<128x128xf32, #tpu.memory_space<hbm>>
      tpu.enqueue_dma source(%arg7 : memref<128x128xf32, #tpu.memory_space<vmem>>) target(%dma_start3A_443 : memref<128x128xf32, #tpu.memory_space<hbm>>) target_semaphore(%run_scoped3A : memref<!tpu.dma_semaphore, #tpu.memory_space<semaphore_mem>>)
      %dma_wait3A_444 = arith.constant 0 : i32
      %dma_wait3A_445 = tpu.memref_slice %arg4[%multiple_of3A_280, %dma_wait3A_444] : memref<53248x128xf32, #tpu.memory_space<hbm>> -> memref<128x128xf32, #tpu.memory_space<hbm>>
      %dma_wait3A_446 = arith.constant 0 : i32
      %dma_wait3A_447 = tpu.memref_slice %arg4[%multiple_of3A_280, %dma_wait3A_446] : memref<53248x128xf32, #tpu.memory_space<hbm>> -> memref<128x128xf32, #tpu.memory_space<hbm>>
      tpu.wait_dma2 semaphore(%run_scoped3A : memref<!tpu.dma_semaphore, #tpu.memory_space<semaphore_mem>>) src(%arg7 : memref<128x128xf32, #tpu.memory_space<vmem>>) dst(%dma_wait3A_447 : memref<128x128xf32, #tpu.memory_space<hbm>>)
      tpu.yield
    }) : () -> ()
    %dma_wait3A_281 = arith.constant 8 : i32
    %dma_wait3A_282 = arith.constant 0 : i32
    %dma_wait3A_283 = arith.constant 0 : i32
    %dma_wait3A_284 = arith.constant 0 : i32
    %dma_wait3A_285 = tpu.memref_slice %arg6[%dma_wait3A_283, %dma_wait3A_284] : memref<128x128xf32, #tpu.memory_space<vmem>> -> memref<128x128xf32, #tpu.memory_space<vmem>>
    %dma_wait3A_286 = arith.constant 0 : i32
    %dma_wait3A_287 = tpu.memref_slice %arg5[%dma_wait3A_281, %dma_wait3A_282, %dma_wait3A_286] : memref<13x1x128xi32, #tpu.memory_space<vmem>> -> memref<1x1x128xi32, #tpu.memory_space<vmem>>
    %dma_wait3A_288 = tpu.memref_squeeze %dma_wait3A_287 : memref<1x1x128xi32, #tpu.memory_space<vmem>> -> memref<128xi32, #tpu.memory_space<vmem>>
    %dma_wait3A_289 = arith.constant 0 : i32
    %dma_wait3A_290 = arith.constant 0 : i32
    %dma_wait3A_291 = tpu.memref_slice %arg2[%dma_wait3A_289, %dma_wait3A_290] : memref<26000x128xf32, #tpu.memory_space<hbm>> -> memref<26000x128xf32, #tpu.memory_space<hbm>>
    tpu.wait_indirect_dma semaphore(%arg8 : memref<!tpu.dma_semaphore, #tpu.memory_space<semaphore_mem>>) src(%dma_wait3A_291 : memref<26000x128xf32, #tpu.memory_space<hbm>>) dst(%dma_wait3A_285 : memref<128x128xf32, #tpu.memory_space<vmem>>)
    %dma_start3A_292 = arith.constant 9 : i32
    %dma_start3A_293 = arith.constant 0 : i32
    %dma_start3A_294 = arith.constant 0 : i32
    %dma_start3A_295 = arith.constant 0 : i32
    %dma_start3A_296 = tpu.memref_slice %arg7[%dma_start3A_294, %dma_start3A_295] : memref<128x128xf32, #tpu.memory_space<vmem>> -> memref<128x128xf32, #tpu.memory_space<vmem>>
    %dma_start3A_297 = arith.constant 0 : i32
    %dma_start3A_298 = tpu.memref_slice %arg5[%dma_start3A_292, %dma_start3A_293, %dma_start3A_297] : memref<13x1x128xi32, #tpu.memory_space<vmem>> -> memref<1x1x128xi32, #tpu.memory_space<vmem>>
    %dma_start3A_299 = tpu.memref_squeeze %dma_start3A_298 : memref<1x1x128xi32, #tpu.memory_space<vmem>> -> memref<128xi32, #tpu.memory_space<vmem>>
    %dma_start3A_300 = arith.constant 0 : i32
    %dma_start3A_301 = arith.constant 0 : i32
    %dma_start3A_302 = tpu.memref_slice %arg2[%dma_start3A_300, %dma_start3A_301] : memref<26000x128xf32, #tpu.memory_space<hbm>> -> memref<26000x128xf32, #tpu.memory_space<hbm>>
    tpu.enqueue_indirect_dma source(%dma_start3A_302 : memref<26000x128xf32, #tpu.memory_space<hbm>>) target(%dma_start3A_296 : memref<128x128xf32, #tpu.memory_space<vmem>>) offsets(%dma_start3A_299 : memref<128xi32, #tpu.memory_space<vmem>>) semaphore(%arg9 : memref<!tpu.dma_semaphore, #tpu.memory_space<semaphore_mem>>)
    %add3A_303 = arith.constant 8 : i32
    %add3A_304 = arith.addi %mul3A_2, %add3A_303 : i32
    %shift_right_arithmetic3A_305 = arith.constant 4 : i32
    %shift_right_arithmetic3A_306 = arith.shrsi %add3A_304, %shift_right_arithmetic3A_305 : i32
    %mul3A_307 = arith.constant 2048 : i32
    %mul3A_308 = arith.muli %shift_right_arithmetic3A_306, %mul3A_307 : i32
    %and3A_309 = arith.constant 15 : i32
    %and3A_310 = arith.andi %add3A_304, %and3A_309 : i32
    %mul3A_311 = arith.constant 128 : i32
    %mul3A_312 = arith.muli %and3A_310, %mul3A_311 : i32
    %add3A_313 = arith.addi %mul3A_308, %mul3A_312 : i32
    %multiple_of3A_314 = tpu.assume_multiple %add3A_313, 128 : i32
    "tpu.region"() ({
      %run_scoped3A = tpu.sem_alloc : memref<!tpu.dma_semaphore, #tpu.memory_space<semaphore_mem>>
      %dma_start3A_440 = arith.constant 0 : i32
      %dma_start3A_441 = tpu.memref_slice %arg4[%multiple_of3A_314, %dma_start3A_440] : memref<53248x128xf32, #tpu.memory_space<hbm>> -> memref<128x128xf32, #tpu.memory_space<hbm>>
      %dma_start3A_442 = arith.constant 0 : i32
      %dma_start3A_443 = tpu.memref_slice %arg4[%multiple_of3A_314, %dma_start3A_442] : memref<53248x128xf32, #tpu.memory_space<hbm>> -> memref<128x128xf32, #tpu.memory_space<hbm>>
      tpu.enqueue_dma source(%arg6 : memref<128x128xf32, #tpu.memory_space<vmem>>) target(%dma_start3A_443 : memref<128x128xf32, #tpu.memory_space<hbm>>) target_semaphore(%run_scoped3A : memref<!tpu.dma_semaphore, #tpu.memory_space<semaphore_mem>>)
      %dma_wait3A_444 = arith.constant 0 : i32
      %dma_wait3A_445 = tpu.memref_slice %arg4[%multiple_of3A_314, %dma_wait3A_444] : memref<53248x128xf32, #tpu.memory_space<hbm>> -> memref<128x128xf32, #tpu.memory_space<hbm>>
      %dma_wait3A_446 = arith.constant 0 : i32
      %dma_wait3A_447 = tpu.memref_slice %arg4[%multiple_of3A_314, %dma_wait3A_446] : memref<53248x128xf32, #tpu.memory_space<hbm>> -> memref<128x128xf32, #tpu.memory_space<hbm>>
      tpu.wait_dma2 semaphore(%run_scoped3A : memref<!tpu.dma_semaphore, #tpu.memory_space<semaphore_mem>>) src(%arg6 : memref<128x128xf32, #tpu.memory_space<vmem>>) dst(%dma_wait3A_447 : memref<128x128xf32, #tpu.memory_space<hbm>>)
      tpu.yield
    }) : () -> ()
    %dma_wait3A_315 = arith.constant 9 : i32
    %dma_wait3A_316 = arith.constant 0 : i32
    %dma_wait3A_317 = arith.constant 0 : i32
    %dma_wait3A_318 = arith.constant 0 : i32
    %dma_wait3A_319 = tpu.memref_slice %arg7[%dma_wait3A_317, %dma_wait3A_318] : memref<128x128xf32, #tpu.memory_space<vmem>> -> memref<128x128xf32, #tpu.memory_space<vmem>>
    %dma_wait3A_320 = arith.constant 0 : i32
    %dma_wait3A_321 = tpu.memref_slice %arg5[%dma_wait3A_315, %dma_wait3A_316, %dma_wait3A_320] : memref<13x1x128xi32, #tpu.memory_space<vmem>> -> memref<1x1x128xi32, #tpu.memory_space<vmem>>
    %dma_wait3A_322 = tpu.memref_squeeze %dma_wait3A_321 : memref<1x1x128xi32, #tpu.memory_space<vmem>> -> memref<128xi32, #tpu.memory_space<vmem>>
    %dma_wait3A_323 = arith.constant 0 : i32
    %dma_wait3A_324 = arith.constant 0 : i32
    %dma_wait3A_325 = tpu.memref_slice %arg2[%dma_wait3A_323, %dma_wait3A_324] : memref<26000x128xf32, #tpu.memory_space<hbm>> -> memref<26000x128xf32, #tpu.memory_space<hbm>>
    tpu.wait_indirect_dma semaphore(%arg9 : memref<!tpu.dma_semaphore, #tpu.memory_space<semaphore_mem>>) src(%dma_wait3A_325 : memref<26000x128xf32, #tpu.memory_space<hbm>>) dst(%dma_wait3A_319 : memref<128x128xf32, #tpu.memory_space<vmem>>)
    %dma_start3A_326 = arith.constant 10 : i32
    %dma_start3A_327 = arith.constant 0 : i32
    %dma_start3A_328 = arith.constant 0 : i32
    %dma_start3A_329 = arith.constant 0 : i32
    %dma_start3A_330 = tpu.memref_slice %arg6[%dma_start3A_328, %dma_start3A_329] : memref<128x128xf32, #tpu.memory_space<vmem>> -> memref<128x128xf32, #tpu.memory_space<vmem>>
    %dma_start3A_331 = arith.constant 0 : i32
    %dma_start3A_332 = tpu.memref_slice %arg5[%dma_start3A_326, %dma_start3A_327, %dma_start3A_331] : memref<13x1x128xi32, #tpu.memory_space<vmem>> -> memref<1x1x128xi32, #tpu.memory_space<vmem>>
    %dma_start3A_333 = tpu.memref_squeeze %dma_start3A_332 : memref<1x1x128xi32, #tpu.memory_space<vmem>> -> memref<128xi32, #tpu.memory_space<vmem>>
    %dma_start3A_334 = arith.constant 0 : i32
    %dma_start3A_335 = arith.constant 0 : i32
    %dma_start3A_336 = tpu.memref_slice %arg2[%dma_start3A_334, %dma_start3A_335] : memref<26000x128xf32, #tpu.memory_space<hbm>> -> memref<26000x128xf32, #tpu.memory_space<hbm>>
    tpu.enqueue_indirect_dma source(%dma_start3A_336 : memref<26000x128xf32, #tpu.memory_space<hbm>>) target(%dma_start3A_330 : memref<128x128xf32, #tpu.memory_space<vmem>>) offsets(%dma_start3A_333 : memref<128xi32, #tpu.memory_space<vmem>>) semaphore(%arg8 : memref<!tpu.dma_semaphore, #tpu.memory_space<semaphore_mem>>)
    %add3A_337 = arith.constant 9 : i32
    %add3A_338 = arith.addi %mul3A_2, %add3A_337 : i32
    %shift_right_arithmetic3A_339 = arith.constant 4 : i32
    %shift_right_arithmetic3A_340 = arith.shrsi %add3A_338, %shift_right_arithmetic3A_339 : i32
    %mul3A_341 = arith.constant 2048 : i32
    %mul3A_342 = arith.muli %shift_right_arithmetic3A_340, %mul3A_341 : i32
    %and3A_343 = arith.constant 15 : i32
    %and3A_344 = arith.andi %add3A_338, %and3A_343 : i32
    %mul3A_345 = arith.constant 128 : i32
    %mul3A_346 = arith.muli %and3A_344, %mul3A_345 : i32
    %add3A_347 = arith.addi %mul3A_342, %mul3A_346 : i32
    %multiple_of3A_348 = tpu.assume_multiple %add3A_347, 128 : i32
    "tpu.region"() ({
      %run_scoped3A = tpu.sem_alloc : memref<!tpu.dma_semaphore, #tpu.memory_space<semaphore_mem>>
      %dma_start3A_440 = arith.constant 0 : i32
      %dma_start3A_441 = tpu.memref_slice %arg4[%multiple_of3A_348, %dma_start3A_440] : memref<53248x128xf32, #tpu.memory_space<hbm>> -> memref<128x128xf32, #tpu.memory_space<hbm>>
      %dma_start3A_442 = arith.constant 0 : i32
      %dma_start3A_443 = tpu.memref_slice %arg4[%multiple_of3A_348, %dma_start3A_442] : memref<53248x128xf32, #tpu.memory_space<hbm>> -> memref<128x128xf32, #tpu.memory_space<hbm>>
      tpu.enqueue_dma source(%arg7 : memref<128x128xf32, #tpu.memory_space<vmem>>) target(%dma_start3A_443 : memref<128x128xf32, #tpu.memory_space<hbm>>) target_semaphore(%run_scoped3A : memref<!tpu.dma_semaphore, #tpu.memory_space<semaphore_mem>>)
      %dma_wait3A_444 = arith.constant 0 : i32
      %dma_wait3A_445 = tpu.memref_slice %arg4[%multiple_of3A_348, %dma_wait3A_444] : memref<53248x128xf32, #tpu.memory_space<hbm>> -> memref<128x128xf32, #tpu.memory_space<hbm>>
      %dma_wait3A_446 = arith.constant 0 : i32
      %dma_wait3A_447 = tpu.memref_slice %arg4[%multiple_of3A_348, %dma_wait3A_446] : memref<53248x128xf32, #tpu.memory_space<hbm>> -> memref<128x128xf32, #tpu.memory_space<hbm>>
      tpu.wait_dma2 semaphore(%run_scoped3A : memref<!tpu.dma_semaphore, #tpu.memory_space<semaphore_mem>>) src(%arg7 : memref<128x128xf32, #tpu.memory_space<vmem>>) dst(%dma_wait3A_447 : memref<128x128xf32, #tpu.memory_space<hbm>>)
      tpu.yield
    }) : () -> ()
    %dma_wait3A_349 = arith.constant 10 : i32
    %dma_wait3A_350 = arith.constant 0 : i32
    %dma_wait3A_351 = arith.constant 0 : i32
    %dma_wait3A_352 = arith.constant 0 : i32
    %dma_wait3A_353 = tpu.memref_slice %arg6[%dma_wait3A_351, %dma_wait3A_352] : memref<128x128xf32, #tpu.memory_space<vmem>> -> memref<128x128xf32, #tpu.memory_space<vmem>>
    %dma_wait3A_354 = arith.constant 0 : i32
    %dma_wait3A_355 = tpu.memref_slice %arg5[%dma_wait3A_349, %dma_wait3A_350, %dma_wait3A_354] : memref<13x1x128xi32, #tpu.memory_space<vmem>> -> memref<1x1x128xi32, #tpu.memory_space<vmem>>
    %dma_wait3A_356 = tpu.memref_squeeze %dma_wait3A_355 : memref<1x1x128xi32, #tpu.memory_space<vmem>> -> memref<128xi32, #tpu.memory_space<vmem>>
    %dma_wait3A_357 = arith.constant 0 : i32
    %dma_wait3A_358 = arith.constant 0 : i32
    %dma_wait3A_359 = tpu.memref_slice %arg2[%dma_wait3A_357, %dma_wait3A_358] : memref<26000x128xf32, #tpu.memory_space<hbm>> -> memref<26000x128xf32, #tpu.memory_space<hbm>>
    tpu.wait_indirect_dma semaphore(%arg8 : memref<!tpu.dma_semaphore, #tpu.memory_space<semaphore_mem>>) src(%dma_wait3A_359 : memref<26000x128xf32, #tpu.memory_space<hbm>>) dst(%dma_wait3A_353 : memref<128x128xf32, #tpu.memory_space<vmem>>)
    %dma_start3A_360 = arith.constant 11 : i32
    %dma_start3A_361 = arith.constant 0 : i32
    %dma_start3A_362 = arith.constant 0 : i32
    %dma_start3A_363 = arith.constant 0 : i32
    %dma_start3A_364 = tpu.memref_slice %arg7[%dma_start3A_362, %dma_start3A_363] : memref<128x128xf32, #tpu.memory_space<vmem>> -> memref<128x128xf32, #tpu.memory_space<vmem>>
    %dma_start3A_365 = arith.constant 0 : i32
    %dma_start3A_366 = tpu.memref_slice %arg5[%dma_start3A_360, %dma_start3A_361, %dma_start3A_365] : memref<13x1x128xi32, #tpu.memory_space<vmem>> -> memref<1x1x128xi32, #tpu.memory_space<vmem>>
    %dma_start3A_367 = tpu.memref_squeeze %dma_start3A_366 : memref<1x1x128xi32, #tpu.memory_space<vmem>> -> memref<128xi32, #tpu.memory_space<vmem>>
    %dma_start3A_368 = arith.constant 0 : i32
    %dma_start3A_369 = arith.constant 0 : i32
    %dma_start3A_370 = tpu.memref_slice %arg2[%dma_start3A_368, %dma_start3A_369] : memref<26000x128xf32, #tpu.memory_space<hbm>> -> memref<26000x128xf32, #tpu.memory_space<hbm>>
    tpu.enqueue_indirect_dma source(%dma_start3A_370 : memref<26000x128xf32, #tpu.memory_space<hbm>>) target(%dma_start3A_364 : memref<128x128xf32, #tpu.memory_space<vmem>>) offsets(%dma_start3A_367 : memref<128xi32, #tpu.memory_space<vmem>>) semaphore(%arg9 : memref<!tpu.dma_semaphore, #tpu.memory_space<semaphore_mem>>)
    %add3A_371 = arith.constant 10 : i32
    %add3A_372 = arith.addi %mul3A_2, %add3A_371 : i32
    %shift_right_arithmetic3A_373 = arith.constant 4 : i32
    %shift_right_arithmetic3A_374 = arith.shrsi %add3A_372, %shift_right_arithmetic3A_373 : i32
    %mul3A_375 = arith.constant 2048 : i32
    %mul3A_376 = arith.muli %shift_right_arithmetic3A_374, %mul3A_375 : i32
    %and3A_377 = arith.constant 15 : i32
    %and3A_378 = arith.andi %add3A_372, %and3A_377 : i32
    %mul3A_379 = arith.constant 128 : i32
    %mul3A_380 = arith.muli %and3A_378, %mul3A_379 : i32
    %add3A_381 = arith.addi %mul3A_376, %mul3A_380 : i32
    %multiple_of3A_382 = tpu.assume_multiple %add3A_381, 128 : i32
    "tpu.region"() ({
      %run_scoped3A = tpu.sem_alloc : memref<!tpu.dma_semaphore, #tpu.memory_space<semaphore_mem>>
      %dma_start3A_440 = arith.constant 0 : i32
      %dma_start3A_441 = tpu.memref_slice %arg4[%multiple_of3A_382, %dma_start3A_440] : memref<53248x128xf32, #tpu.memory_space<hbm>> -> memref<128x128xf32, #tpu.memory_space<hbm>>
      %dma_start3A_442 = arith.constant 0 : i32
      %dma_start3A_443 = tpu.memref_slice %arg4[%multiple_of3A_382, %dma_start3A_442] : memref<53248x128xf32, #tpu.memory_space<hbm>> -> memref<128x128xf32, #tpu.memory_space<hbm>>
      tpu.enqueue_dma source(%arg6 : memref<128x128xf32, #tpu.memory_space<vmem>>) target(%dma_start3A_443 : memref<128x128xf32, #tpu.memory_space<hbm>>) target_semaphore(%run_scoped3A : memref<!tpu.dma_semaphore, #tpu.memory_space<semaphore_mem>>)
      %dma_wait3A_444 = arith.constant 0 : i32
      %dma_wait3A_445 = tpu.memref_slice %arg4[%multiple_of3A_382, %dma_wait3A_444] : memref<53248x128xf32, #tpu.memory_space<hbm>> -> memref<128x128xf32, #tpu.memory_space<hbm>>
      %dma_wait3A_446 = arith.constant 0 : i32
      %dma_wait3A_447 = tpu.memref_slice %arg4[%multiple_of3A_382, %dma_wait3A_446] : memref<53248x128xf32, #tpu.memory_space<hbm>> -> memref<128x128xf32, #tpu.memory_space<hbm>>
      tpu.wait_dma2 semaphore(%run_scoped3A : memref<!tpu.dma_semaphore, #tpu.memory_space<semaphore_mem>>) src(%arg6 : memref<128x128xf32, #tpu.memory_space<vmem>>) dst(%dma_wait3A_447 : memref<128x128xf32, #tpu.memory_space<hbm>>)
      tpu.yield
    }) : () -> ()
    %dma_wait3A_383 = arith.constant 11 : i32
    %dma_wait3A_384 = arith.constant 0 : i32
    %dma_wait3A_385 = arith.constant 0 : i32
    %dma_wait3A_386 = arith.constant 0 : i32
    %dma_wait3A_387 = tpu.memref_slice %arg7[%dma_wait3A_385, %dma_wait3A_386] : memref<128x128xf32, #tpu.memory_space<vmem>> -> memref<128x128xf32, #tpu.memory_space<vmem>>
    %dma_wait3A_388 = arith.constant 0 : i32
    %dma_wait3A_389 = tpu.memref_slice %arg5[%dma_wait3A_383, %dma_wait3A_384, %dma_wait3A_388] : memref<13x1x128xi32, #tpu.memory_space<vmem>> -> memref<1x1x128xi32, #tpu.memory_space<vmem>>
    %dma_wait3A_390 = tpu.memref_squeeze %dma_wait3A_389 : memref<1x1x128xi32, #tpu.memory_space<vmem>> -> memref<128xi32, #tpu.memory_space<vmem>>
    %dma_wait3A_391 = arith.constant 0 : i32
    %dma_wait3A_392 = arith.constant 0 : i32
    %dma_wait3A_393 = tpu.memref_slice %arg2[%dma_wait3A_391, %dma_wait3A_392] : memref<26000x128xf32, #tpu.memory_space<hbm>> -> memref<26000x128xf32, #tpu.memory_space<hbm>>
    tpu.wait_indirect_dma semaphore(%arg9 : memref<!tpu.dma_semaphore, #tpu.memory_space<semaphore_mem>>) src(%dma_wait3A_393 : memref<26000x128xf32, #tpu.memory_space<hbm>>) dst(%dma_wait3A_387 : memref<128x128xf32, #tpu.memory_space<vmem>>)
    %dma_start3A_394 = arith.constant 12 : i32
    %dma_start3A_395 = arith.constant 0 : i32
    %dma_start3A_396 = arith.constant 0 : i32
    %dma_start3A_397 = arith.constant 0 : i32
    %dma_start3A_398 = tpu.memref_slice %arg6[%dma_start3A_396, %dma_start3A_397] : memref<128x128xf32, #tpu.memory_space<vmem>> -> memref<128x128xf32, #tpu.memory_space<vmem>>
    %dma_start3A_399 = arith.constant 0 : i32
    %dma_start3A_400 = tpu.memref_slice %arg5[%dma_start3A_394, %dma_start3A_395, %dma_start3A_399] : memref<13x1x128xi32, #tpu.memory_space<vmem>> -> memref<1x1x128xi32, #tpu.memory_space<vmem>>
    %dma_start3A_401 = tpu.memref_squeeze %dma_start3A_400 : memref<1x1x128xi32, #tpu.memory_space<vmem>> -> memref<128xi32, #tpu.memory_space<vmem>>
    %dma_start3A_402 = arith.constant 0 : i32
    %dma_start3A_403 = arith.constant 0 : i32
    %dma_start3A_404 = tpu.memref_slice %arg2[%dma_start3A_402, %dma_start3A_403] : memref<26000x128xf32, #tpu.memory_space<hbm>> -> memref<26000x128xf32, #tpu.memory_space<hbm>>
    tpu.enqueue_indirect_dma source(%dma_start3A_404 : memref<26000x128xf32, #tpu.memory_space<hbm>>) target(%dma_start3A_398 : memref<128x128xf32, #tpu.memory_space<vmem>>) offsets(%dma_start3A_401 : memref<128xi32, #tpu.memory_space<vmem>>) semaphore(%arg8 : memref<!tpu.dma_semaphore, #tpu.memory_space<semaphore_mem>>)
    %add3A_405 = arith.constant 11 : i32
    %add3A_406 = arith.addi %mul3A_2, %add3A_405 : i32
    %shift_right_arithmetic3A_407 = arith.constant 4 : i32
    %shift_right_arithmetic3A_408 = arith.shrsi %add3A_406, %shift_right_arithmetic3A_407 : i32
    %mul3A_409 = arith.constant 2048 : i32
    %mul3A_410 = arith.muli %shift_right_arithmetic3A_408, %mul3A_409 : i32
    %and3A_411 = arith.constant 15 : i32
    %and3A_412 = arith.andi %add3A_406, %and3A_411 : i32
    %mul3A_413 = arith.constant 128 : i32
    %mul3A_414 = arith.muli %and3A_412, %mul3A_413 : i32
    %add3A_415 = arith.addi %mul3A_410, %mul3A_414 : i32
    %multiple_of3A_416 = tpu.assume_multiple %add3A_415, 128 : i32
    "tpu.region"() ({
      %run_scoped3A = tpu.sem_alloc : memref<!tpu.dma_semaphore, #tpu.memory_space<semaphore_mem>>
      %dma_start3A_440 = arith.constant 0 : i32
      %dma_start3A_441 = tpu.memref_slice %arg4[%multiple_of3A_416, %dma_start3A_440] : memref<53248x128xf32, #tpu.memory_space<hbm>> -> memref<128x128xf32, #tpu.memory_space<hbm>>
      %dma_start3A_442 = arith.constant 0 : i32
      %dma_start3A_443 = tpu.memref_slice %arg4[%multiple_of3A_416, %dma_start3A_442] : memref<53248x128xf32, #tpu.memory_space<hbm>> -> memref<128x128xf32, #tpu.memory_space<hbm>>
      tpu.enqueue_dma source(%arg7 : memref<128x128xf32, #tpu.memory_space<vmem>>) target(%dma_start3A_443 : memref<128x128xf32, #tpu.memory_space<hbm>>) target_semaphore(%run_scoped3A : memref<!tpu.dma_semaphore, #tpu.memory_space<semaphore_mem>>)
      %dma_wait3A_444 = arith.constant 0 : i32
      %dma_wait3A_445 = tpu.memref_slice %arg4[%multiple_of3A_416, %dma_wait3A_444] : memref<53248x128xf32, #tpu.memory_space<hbm>> -> memref<128x128xf32, #tpu.memory_space<hbm>>
      %dma_wait3A_446 = arith.constant 0 : i32
      %dma_wait3A_447 = tpu.memref_slice %arg4[%multiple_of3A_416, %dma_wait3A_446] : memref<53248x128xf32, #tpu.memory_space<hbm>> -> memref<128x128xf32, #tpu.memory_space<hbm>>
      tpu.wait_dma2 semaphore(%run_scoped3A : memref<!tpu.dma_semaphore, #tpu.memory_space<semaphore_mem>>) src(%arg7 : memref<128x128xf32, #tpu.memory_space<vmem>>) dst(%dma_wait3A_447 : memref<128x128xf32, #tpu.memory_space<hbm>>)
      tpu.yield
    }) : () -> ()
    %dma_wait3A_417 = arith.constant 12 : i32
    %dma_wait3A_418 = arith.constant 0 : i32
    %dma_wait3A_419 = arith.constant 0 : i32
    %dma_wait3A_420 = arith.constant 0 : i32
    %dma_wait3A_421 = tpu.memref_slice %arg6[%dma_wait3A_419, %dma_wait3A_420] : memref<128x128xf32, #tpu.memory_space<vmem>> -> memref<128x128xf32, #tpu.memory_space<vmem>>
    %dma_wait3A_422 = arith.constant 0 : i32
    %dma_wait3A_423 = tpu.memref_slice %arg5[%dma_wait3A_417, %dma_wait3A_418, %dma_wait3A_422] : memref<13x1x128xi32, #tpu.memory_space<vmem>> -> memref<1x1x128xi32, #tpu.memory_space<vmem>>
    %dma_wait3A_424 = tpu.memref_squeeze %dma_wait3A_423 : memref<1x1x128xi32, #tpu.memory_space<vmem>> -> memref<128xi32, #tpu.memory_space<vmem>>
    %dma_wait3A_425 = arith.constant 0 : i32
    %dma_wait3A_426 = arith.constant 0 : i32
    %dma_wait3A_427 = tpu.memref_slice %arg2[%dma_wait3A_425, %dma_wait3A_426] : memref<26000x128xf32, #tpu.memory_space<hbm>> -> memref<26000x128xf32, #tpu.memory_space<hbm>>
    tpu.wait_indirect_dma semaphore(%arg8 : memref<!tpu.dma_semaphore, #tpu.memory_space<semaphore_mem>>) src(%dma_wait3A_427 : memref<26000x128xf32, #tpu.memory_space<hbm>>) dst(%dma_wait3A_421 : memref<128x128xf32, #tpu.memory_space<vmem>>)
    %add3A_428 = arith.constant 12 : i32
    %add3A_429 = arith.addi %mul3A_2, %add3A_428 : i32
    %shift_right_arithmetic3A_430 = arith.constant 4 : i32
    %shift_right_arithmetic3A_431 = arith.shrsi %add3A_429, %shift_right_arithmetic3A_430 : i32
    %mul3A_432 = arith.constant 2048 : i32
    %mul3A_433 = arith.muli %shift_right_arithmetic3A_431, %mul3A_432 : i32
    %and3A_434 = arith.constant 15 : i32
    %and3A_435 = arith.andi %add3A_429, %and3A_434 : i32
    %mul3A_436 = arith.constant 128 : i32
    %mul3A_437 = arith.muli %and3A_435, %mul3A_436 : i32
    %add3A_438 = arith.addi %mul3A_433, %mul3A_437 : i32
    %multiple_of3A_439 = tpu.assume_multiple %add3A_438, 128 : i32
    "tpu.region"() ({
      %run_scoped3A = tpu.sem_alloc : memref<!tpu.dma_semaphore, #tpu.memory_space<semaphore_mem>>
      %dma_start3A_440 = arith.constant 0 : i32
      %dma_start3A_441 = tpu.memref_slice %arg4[%multiple_of3A_439, %dma_start3A_440] : memref<53248x128xf32, #tpu.memory_space<hbm>> -> memref<128x128xf32, #tpu.memory_space<hbm>>
      %dma_start3A_442 = arith.constant 0 : i32
      %dma_start3A_443 = tpu.memref_slice %arg4[%multiple_of3A_439, %dma_start3A_442] : memref<53248x128xf32, #tpu.memory_space<hbm>> -> memref<128x128xf32, #tpu.memory_space<hbm>>
      tpu.enqueue_dma source(%arg6 : memref<128x128xf32, #tpu.memory_space<vmem>>) target(%dma_start3A_443 : memref<128x128xf32, #tpu.memory_space<hbm>>) target_semaphore(%run_scoped3A : memref<!tpu.dma_semaphore, #tpu.memory_space<semaphore_mem>>)
      %dma_wait3A_444 = arith.constant 0 : i32
      %dma_wait3A_445 = tpu.memref_slice %arg4[%multiple_of3A_439, %dma_wait3A_444] : memref<53248x128xf32, #tpu.memory_space<hbm>> -> memref<128x128xf32, #tpu.memory_space<hbm>>
      %dma_wait3A_446 = arith.constant 0 : i32
      %dma_wait3A_447 = tpu.memref_slice %arg4[%multiple_of3A_439, %dma_wait3A_446] : memref<53248x128xf32, #tpu.memory_space<hbm>> -> memref<128x128xf32, #tpu.memory_space<hbm>>
      tpu.wait_dma2 semaphore(%run_scoped3A : memref<!tpu.dma_semaphore, #tpu.memory_space<semaphore_mem>>) src(%arg6 : memref<128x128xf32, #tpu.memory_space<vmem>>) dst(%dma_wait3A_447 : memref<128x128xf32, #tpu.memory_space<hbm>>)
      tpu.yield
    }) : () -> ()
    return
  }
}

module attributes {stable_mosaic.version = 14 : i64} {
  func.func @_tc_body(%arg0: i32, %arg1: memref<512x143xf32, #tpu.memory_space<vmem>>, %arg2: memref<512x13xf32, #tpu.memory_space<vmem>>, %arg3: memref<143x1xf32, #tpu.memory_space<vmem>>, %arg4: memref<13x1xf32, #tpu.memory_space<vmem>>, %arg5: memref<3484x1024xbf16, #tpu.memory_space<vmem>>, %arg6: memref<1x1024xf32, #tpu.memory_space<vmem>>, %arg7: memref<1024x512xbf16, #tpu.memory_space<vmem>>, %arg8: memref<1x512xf32, #tpu.memory_space<vmem>>, %arg9: memref<512x256xbf16, #tpu.memory_space<vmem>>, %arg10: memref<1x256xf32, #tpu.memory_space<vmem>>, %arg11: memref<256x1xbf16, #tpu.memory_space<vmem>>, %arg12: memref<1x1xf32, #tpu.memory_space<vmem>>, %arg13: memref<512x128xf32, #tpu.memory_space<vmem>>, %arg14: memref<512x128xf32, #tpu.memory_space<vmem>>, %arg15: memref<512x128xf32, #tpu.memory_space<vmem>>, %arg16: memref<512x128xf32, #tpu.memory_space<vmem>>, %arg17: memref<512x128xf32, #tpu.memory_space<vmem>>, %arg18: memref<512x128xf32, #tpu.memory_space<vmem>>, %arg19: memref<512x128xf32, #tpu.memory_space<vmem>>, %arg20: memref<512x128xf32, #tpu.memory_space<vmem>>, %arg21: memref<512x128xf32, #tpu.memory_space<vmem>>, %arg22: memref<512x128xf32, #tpu.memory_space<vmem>>, %arg23: memref<512x128xf32, #tpu.memory_space<vmem>>, %arg24: memref<512x128xf32, #tpu.memory_space<vmem>>, %arg25: memref<512x128xf32, #tpu.memory_space<vmem>>, %arg26: memref<512x128xf32, #tpu.memory_space<vmem>>, %arg27: memref<512x128xf32, #tpu.memory_space<vmem>>, %arg28: memref<512x128xf32, #tpu.memory_space<vmem>>, %arg29: memref<512x128xf32, #tpu.memory_space<vmem>>, %arg30: memref<512x128xf32, #tpu.memory_space<vmem>>, %arg31: memref<512x128xf32, #tpu.memory_space<vmem>>, %arg32: memref<512x128xf32, #tpu.memory_space<vmem>>, %arg33: memref<512x128xf32, #tpu.memory_space<vmem>>, %arg34: memref<512x128xf32, #tpu.memory_space<vmem>>, %arg35: memref<512x128xf32, #tpu.memory_space<vmem>>, %arg36: memref<512x128xf32, #tpu.memory_space<vmem>>, %arg37: memref<512x128xf32, #tpu.memory_space<vmem>>, %arg38: memref<512x128xf32, #tpu.memory_space<vmem>>, %arg39: memref<4096x1xf32, #tpu.memory_space<any>>, %arg40: memref<512x1xf32, #tpu.memory_space<vmem>>) attributes {dimension_semantics = [#tpu.dimension_semantics<arbitrary>], iteration_bounds = array<i64: 4>, scalar_prefetch = 0 : i64, scratch_operands = 0 : i64, tpu.core_type = #tpu.core_type<tc>, window_params = [{transform_indices = @transform_0, window_bounds = array<i64: 512, 143>}, {transform_indices = @transform_1, window_bounds = array<i64: 512, 13>}, {pipeline_mode = #tpu.pipeline_mode<synchronous>, transform_indices = @transform_2, window_bounds = array<i64: 143, 1>}, {pipeline_mode = #tpu.pipeline_mode<synchronous>, transform_indices = @transform_3, window_bounds = array<i64: 13, 1>}, {pipeline_mode = #tpu.pipeline_mode<synchronous>, transform_indices = @transform_4, window_bounds = array<i64: 3484, 1024>}, {pipeline_mode = #tpu.pipeline_mode<synchronous>, transform_indices = @transform_5, window_bounds = array<i64: 1, 1024>}, {pipeline_mode = #tpu.pipeline_mode<synchronous>, transform_indices = @transform_6, window_bounds = array<i64: 1024, 512>}, {pipeline_mode = #tpu.pipeline_mode<synchronous>, transform_indices = @transform_7, window_bounds = array<i64: 1, 512>}, {pipeline_mode = #tpu.pipeline_mode<synchronous>, transform_indices = @transform_8, window_bounds = array<i64: 512, 256>}, {pipeline_mode = #tpu.pipeline_mode<synchronous>, transform_indices = @transform_9, window_bounds = array<i64: 1, 256>}, {pipeline_mode = #tpu.pipeline_mode<synchronous>, transform_indices = @transform_10, window_bounds = array<i64: 256, 1>}, {pipeline_mode = #tpu.pipeline_mode<synchronous>, transform_indices = @transform_11, window_bounds = array<i64: 1, 1>}, {transform_indices = @transform_12, window_bounds = array<i64: 512, 128>}, {transform_indices = @transform_13, window_bounds = array<i64: 512, 128>}, {transform_indices = @transform_14, window_bounds = array<i64: 512, 128>}, {transform_indices = @transform_15, window_bounds = array<i64: 512, 128>}, {transform_indices = @transform_16, window_bounds = array<i64: 512, 128>}, {transform_indices = @transform_17, window_bounds = array<i64: 512, 128>}, {transform_indices = @transform_18, window_bounds = array<i64: 512, 128>}, {transform_indices = @transform_19, window_bounds = array<i64: 512, 128>}, {transform_indices = @transform_20, window_bounds = array<i64: 512, 128>}, {transform_indices = @transform_21, window_bounds = array<i64: 512, 128>}, {transform_indices = @transform_22, window_bounds = array<i64: 512, 128>}, {transform_indices = @transform_23, window_bounds = array<i64: 512, 128>}, {transform_indices = @transform_24, window_bounds = array<i64: 512, 128>}, {transform_indices = @transform_25, window_bounds = array<i64: 512, 128>}, {transform_indices = @transform_26, window_bounds = array<i64: 512, 128>}, {transform_indices = @transform_27, window_bounds = array<i64: 512, 128>}, {transform_indices = @transform_28, window_bounds = array<i64: 512, 128>}, {transform_indices = @transform_29, window_bounds = array<i64: 512, 128>}, {transform_indices = @transform_30, window_bounds = array<i64: 512, 128>}, {transform_indices = @transform_31, window_bounds = array<i64: 512, 128>}, {transform_indices = @transform_32, window_bounds = array<i64: 512, 128>}, {transform_indices = @transform_33, window_bounds = array<i64: 512, 128>}, {transform_indices = @transform_34, window_bounds = array<i64: 512, 128>}, {transform_indices = @transform_35, window_bounds = array<i64: 512, 128>}, {transform_indices = @transform_36, window_bounds = array<i64: 512, 128>}, {transform_indices = @transform_37, window_bounds = array<i64: 512, 128>}, {}, {transform_indices = @transform_39, window_bounds = array<i64: 512, 1>}]} {
    %get3A = arith.constant 0 : index
    %get3A_0 = arith.constant 0 : index
    %get3A_1 = vector.load %arg13[%get3A, %get3A_0] : memref<512x128xf32, #tpu.memory_space<vmem>>, vector<512x128xf32>
    %get3A_2 = arith.constant 0 : index
    %get3A_3 = arith.constant 0 : index
    %get3A_4 = vector.load %arg14[%get3A_2, %get3A_3] : memref<512x128xf32, #tpu.memory_space<vmem>>, vector<512x128xf32>
    %get3A_5 = arith.constant 0 : index
    %get3A_6 = arith.constant 0 : index
    %get3A_7 = vector.load %arg15[%get3A_5, %get3A_6] : memref<512x128xf32, #tpu.memory_space<vmem>>, vector<512x128xf32>
    %get3A_8 = arith.constant 0 : index
    %get3A_9 = arith.constant 0 : index
    %get3A_10 = vector.load %arg16[%get3A_8, %get3A_9] : memref<512x128xf32, #tpu.memory_space<vmem>>, vector<512x128xf32>
    %get3A_11 = arith.constant 0 : index
    %get3A_12 = arith.constant 0 : index
    %get3A_13 = vector.load %arg17[%get3A_11, %get3A_12] : memref<512x128xf32, #tpu.memory_space<vmem>>, vector<512x128xf32>
    %get3A_14 = arith.constant 0 : index
    %get3A_15 = arith.constant 0 : index
    %get3A_16 = vector.load %arg18[%get3A_14, %get3A_15] : memref<512x128xf32, #tpu.memory_space<vmem>>, vector<512x128xf32>
    %get3A_17 = arith.constant 0 : index
    %get3A_18 = arith.constant 0 : index
    %get3A_19 = vector.load %arg19[%get3A_17, %get3A_18] : memref<512x128xf32, #tpu.memory_space<vmem>>, vector<512x128xf32>
    %get3A_20 = arith.constant 0 : index
    %get3A_21 = arith.constant 0 : index
    %get3A_22 = vector.load %arg20[%get3A_20, %get3A_21] : memref<512x128xf32, #tpu.memory_space<vmem>>, vector<512x128xf32>
    %get3A_23 = arith.constant 0 : index
    %get3A_24 = arith.constant 0 : index
    %get3A_25 = vector.load %arg21[%get3A_23, %get3A_24] : memref<512x128xf32, #tpu.memory_space<vmem>>, vector<512x128xf32>
    %get3A_26 = arith.constant 0 : index
    %get3A_27 = arith.constant 0 : index
    %get3A_28 = vector.load %arg22[%get3A_26, %get3A_27] : memref<512x128xf32, #tpu.memory_space<vmem>>, vector<512x128xf32>
    %get3A_29 = arith.constant 0 : index
    %get3A_30 = arith.constant 0 : index
    %get3A_31 = vector.load %arg23[%get3A_29, %get3A_30] : memref<512x128xf32, #tpu.memory_space<vmem>>, vector<512x128xf32>
    %get3A_32 = arith.constant 0 : index
    %get3A_33 = arith.constant 0 : index
    %get3A_34 = vector.load %arg24[%get3A_32, %get3A_33] : memref<512x128xf32, #tpu.memory_space<vmem>>, vector<512x128xf32>
    %get3A_35 = arith.constant 0 : index
    %get3A_36 = arith.constant 0 : index
    %get3A_37 = vector.load %arg25[%get3A_35, %get3A_36] : memref<512x128xf32, #tpu.memory_space<vmem>>, vector<512x128xf32>
    %get3A_38 = arith.constant 0 : index
    %get3A_39 = arith.constant 0 : index
    %get3A_40 = vector.load %arg26[%get3A_38, %get3A_39] : memref<512x128xf32, #tpu.memory_space<vmem>>, vector<512x128xf32>
    %get3A_41 = arith.constant 0 : index
    %get3A_42 = arith.constant 0 : index
    %get3A_43 = vector.load %arg27[%get3A_41, %get3A_42] : memref<512x128xf32, #tpu.memory_space<vmem>>, vector<512x128xf32>
    %get3A_44 = arith.constant 0 : index
    %get3A_45 = arith.constant 0 : index
    %get3A_46 = vector.load %arg28[%get3A_44, %get3A_45] : memref<512x128xf32, #tpu.memory_space<vmem>>, vector<512x128xf32>
    %get3A_47 = arith.constant 0 : index
    %get3A_48 = arith.constant 0 : index
    %get3A_49 = vector.load %arg29[%get3A_47, %get3A_48] : memref<512x128xf32, #tpu.memory_space<vmem>>, vector<512x128xf32>
    %get3A_50 = arith.constant 0 : index
    %get3A_51 = arith.constant 0 : index
    %get3A_52 = vector.load %arg30[%get3A_50, %get3A_51] : memref<512x128xf32, #tpu.memory_space<vmem>>, vector<512x128xf32>
    %get3A_53 = arith.constant 0 : index
    %get3A_54 = arith.constant 0 : index
    %get3A_55 = vector.load %arg31[%get3A_53, %get3A_54] : memref<512x128xf32, #tpu.memory_space<vmem>>, vector<512x128xf32>
    %get3A_56 = arith.constant 0 : index
    %get3A_57 = arith.constant 0 : index
    %get3A_58 = vector.load %arg32[%get3A_56, %get3A_57] : memref<512x128xf32, #tpu.memory_space<vmem>>, vector<512x128xf32>
    %get3A_59 = arith.constant 0 : index
    %get3A_60 = arith.constant 0 : index
    %get3A_61 = vector.load %arg33[%get3A_59, %get3A_60] : memref<512x128xf32, #tpu.memory_space<vmem>>, vector<512x128xf32>
    %get3A_62 = arith.constant 0 : index
    %get3A_63 = arith.constant 0 : index
    %get3A_64 = vector.load %arg34[%get3A_62, %get3A_63] : memref<512x128xf32, #tpu.memory_space<vmem>>, vector<512x128xf32>
    %get3A_65 = arith.constant 0 : index
    %get3A_66 = arith.constant 0 : index
    %get3A_67 = vector.load %arg35[%get3A_65, %get3A_66] : memref<512x128xf32, #tpu.memory_space<vmem>>, vector<512x128xf32>
    %get3A_68 = arith.constant 0 : index
    %get3A_69 = arith.constant 0 : index
    %get3A_70 = vector.load %arg36[%get3A_68, %get3A_69] : memref<512x128xf32, #tpu.memory_space<vmem>>, vector<512x128xf32>
    %get3A_71 = arith.constant 0 : index
    %get3A_72 = arith.constant 0 : index
    %get3A_73 = vector.load %arg37[%get3A_71, %get3A_72] : memref<512x128xf32, #tpu.memory_space<vmem>>, vector<512x128xf32>
    %get3A_74 = arith.constant 0 : index
    %get3A_75 = arith.constant 0 : index
    %get3A_76 = vector.load %arg38[%get3A_74, %get3A_75] : memref<512x128xf32, #tpu.memory_space<vmem>>, vector<512x128xf32>
    %add3A = arith.addf %get3A_1, %get3A_4 : vector<512x128xf32>
    %add3A_77 = arith.addf %get3A_7, %get3A_10 : vector<512x128xf32>
    %add3A_78 = arith.addf %get3A_13, %get3A_16 : vector<512x128xf32>
    %add3A_79 = arith.addf %get3A_19, %get3A_22 : vector<512x128xf32>
    %add3A_80 = arith.addf %get3A_25, %get3A_28 : vector<512x128xf32>
    %add3A_81 = arith.addf %get3A_31, %get3A_34 : vector<512x128xf32>
    %add3A_82 = arith.addf %get3A_37, %get3A_40 : vector<512x128xf32>
    %add3A_83 = arith.addf %get3A_43, %get3A_46 : vector<512x128xf32>
    %add3A_84 = arith.addf %get3A_49, %get3A_52 : vector<512x128xf32>
    %add3A_85 = arith.addf %get3A_55, %get3A_58 : vector<512x128xf32>
    %add3A_86 = arith.addf %get3A_61, %get3A_64 : vector<512x128xf32>
    %add3A_87 = arith.addf %get3A_67, %get3A_70 : vector<512x128xf32>
    %add3A_88 = arith.addf %get3A_73, %get3A_76 : vector<512x128xf32>
    %add3A_89 = arith.addf %add3A, %add3A_77 : vector<512x128xf32>
    %add3A_90 = arith.addf %add3A_78, %add3A_79 : vector<512x128xf32>
    %add3A_91 = arith.addf %add3A_80, %add3A_81 : vector<512x128xf32>
    %add3A_92 = arith.addf %add3A_82, %add3A_83 : vector<512x128xf32>
    %add3A_93 = arith.addf %add3A_84, %add3A_85 : vector<512x128xf32>
    %add3A_94 = arith.addf %add3A_86, %add3A_87 : vector<512x128xf32>
    %add3A_95 = arith.addf %add3A_89, %add3A_90 : vector<512x128xf32>
    %add3A_96 = arith.addf %add3A_91, %add3A_92 : vector<512x128xf32>
    %add3A_97 = arith.addf %add3A_93, %add3A_94 : vector<512x128xf32>
    %add3A_98 = arith.addf %add3A_95, %add3A_96 : vector<512x128xf32>
    %add3A_99 = arith.addf %add3A_97, %add3A_88 : vector<512x128xf32>
    %add3A_100 = arith.addf %add3A_98, %add3A_99 : vector<512x128xf32>
    %mul3A = arith.mulf %get3A_1, %get3A_1 : vector<512x128xf32>
    %mul3A_101 = arith.mulf %get3A_4, %get3A_4 : vector<512x128xf32>
    %mul3A_102 = arith.mulf %get3A_7, %get3A_7 : vector<512x128xf32>
    %mul3A_103 = arith.mulf %get3A_10, %get3A_10 : vector<512x128xf32>
    %mul3A_104 = arith.mulf %get3A_13, %get3A_13 : vector<512x128xf32>
    %mul3A_105 = arith.mulf %get3A_16, %get3A_16 : vector<512x128xf32>
    %mul3A_106 = arith.mulf %get3A_19, %get3A_19 : vector<512x128xf32>
    %mul3A_107 = arith.mulf %get3A_22, %get3A_22 : vector<512x128xf32>
    %mul3A_108 = arith.mulf %get3A_25, %get3A_25 : vector<512x128xf32>
    %mul3A_109 = arith.mulf %get3A_28, %get3A_28 : vector<512x128xf32>
    %mul3A_110 = arith.mulf %get3A_31, %get3A_31 : vector<512x128xf32>
    %mul3A_111 = arith.mulf %get3A_34, %get3A_34 : vector<512x128xf32>
    %mul3A_112 = arith.mulf %get3A_37, %get3A_37 : vector<512x128xf32>
    %mul3A_113 = arith.mulf %get3A_40, %get3A_40 : vector<512x128xf32>
    %mul3A_114 = arith.mulf %get3A_43, %get3A_43 : vector<512x128xf32>
    %mul3A_115 = arith.mulf %get3A_46, %get3A_46 : vector<512x128xf32>
    %mul3A_116 = arith.mulf %get3A_49, %get3A_49 : vector<512x128xf32>
    %mul3A_117 = arith.mulf %get3A_52, %get3A_52 : vector<512x128xf32>
    %mul3A_118 = arith.mulf %get3A_55, %get3A_55 : vector<512x128xf32>
    %mul3A_119 = arith.mulf %get3A_58, %get3A_58 : vector<512x128xf32>
    %mul3A_120 = arith.mulf %get3A_61, %get3A_61 : vector<512x128xf32>
    %mul3A_121 = arith.mulf %get3A_64, %get3A_64 : vector<512x128xf32>
    %mul3A_122 = arith.mulf %get3A_67, %get3A_67 : vector<512x128xf32>
    %mul3A_123 = arith.mulf %get3A_70, %get3A_70 : vector<512x128xf32>
    %mul3A_124 = arith.mulf %get3A_73, %get3A_73 : vector<512x128xf32>
    %mul3A_125 = arith.mulf %get3A_76, %get3A_76 : vector<512x128xf32>
    %add3A_126 = arith.addf %mul3A, %mul3A_101 : vector<512x128xf32>
    %add3A_127 = arith.addf %mul3A_102, %mul3A_103 : vector<512x128xf32>
    %add3A_128 = arith.addf %mul3A_104, %mul3A_105 : vector<512x128xf32>
    %add3A_129 = arith.addf %mul3A_106, %mul3A_107 : vector<512x128xf32>
    %add3A_130 = arith.addf %mul3A_108, %mul3A_109 : vector<512x128xf32>
    %add3A_131 = arith.addf %mul3A_110, %mul3A_111 : vector<512x128xf32>
    %add3A_132 = arith.addf %mul3A_112, %mul3A_113 : vector<512x128xf32>
    %add3A_133 = arith.addf %mul3A_114, %mul3A_115 : vector<512x128xf32>
    %add3A_134 = arith.addf %mul3A_116, %mul3A_117 : vector<512x128xf32>
    %add3A_135 = arith.addf %mul3A_118, %mul3A_119 : vector<512x128xf32>
    %add3A_136 = arith.addf %mul3A_120, %mul3A_121 : vector<512x128xf32>
    %add3A_137 = arith.addf %mul3A_122, %mul3A_123 : vector<512x128xf32>
    %add3A_138 = arith.addf %mul3A_124, %mul3A_125 : vector<512x128xf32>
    %add3A_139 = arith.addf %add3A_126, %add3A_127 : vector<512x128xf32>
    %add3A_140 = arith.addf %add3A_128, %add3A_129 : vector<512x128xf32>
    %add3A_141 = arith.addf %add3A_130, %add3A_131 : vector<512x128xf32>
    %add3A_142 = arith.addf %add3A_132, %add3A_133 : vector<512x128xf32>
    %add3A_143 = arith.addf %add3A_134, %add3A_135 : vector<512x128xf32>
    %add3A_144 = arith.addf %add3A_136, %add3A_137 : vector<512x128xf32>
    %add3A_145 = arith.addf %add3A_139, %add3A_140 : vector<512x128xf32>
    %add3A_146 = arith.addf %add3A_141, %add3A_142 : vector<512x128xf32>
    %add3A_147 = arith.addf %add3A_143, %add3A_144 : vector<512x128xf32>
    %add3A_148 = arith.addf %add3A_145, %add3A_146 : vector<512x128xf32>
    %add3A_149 = arith.addf %add3A_147, %add3A_138 : vector<512x128xf32>
    %add3A_150 = arith.addf %add3A_148, %add3A_149 : vector<512x128xf32>
    %mul3A_151 = arith.mulf %add3A_100, %add3A_100 : vector<512x128xf32>
    %sub3A = arith.subf %mul3A_151, %add3A_150 : vector<512x128xf32>
    %reduce_sum3A = arith.constant dense<0.000000e+00> : vector<512xf32>
    %reduce_sum3A_152 = vector.multi_reduction <add>, %sub3A, %reduce_sum3A [1] : vector<512x128xf32> to vector<512xf32>
    %broadcast_in_dim3A = vector.shape_cast %reduce_sum3A_152 : vector<512xf32> to vector<512x1xf32>
    %mul3A_153 = arith.constant 5.000000e-01 : f32
    %mul3A_154 = vector.broadcast %mul3A_153 : f32 to vector<512x1xf32>
    %mul3A_155 = arith.mulf %mul3A_154, %broadcast_in_dim3A : vector<512x1xf32>
    %get3A_156 = arith.constant 0 : index
    %get3A_157 = arith.constant 0 : index
    %get3A_158 = vector.load %arg1[%get3A_156, %get3A_157] : memref<512x143xf32, #tpu.memory_space<vmem>>, vector<512x143xf32>
    %get3A_159 = arith.constant 0 : index
    %get3A_160 = arith.constant 0 : index
    %get3A_161 = vector.load %arg2[%get3A_159, %get3A_160] : memref<512x13xf32, #tpu.memory_space<vmem>>, vector<512x13xf32>
    %get3A_162 = arith.constant 0 : index
    %get3A_163 = arith.constant 0 : index
    %get3A_164 = vector.load %arg3[%get3A_162, %get3A_163] : memref<143x1xf32, #tpu.memory_space<vmem>>, vector<143x1xf32>
    %dot_general3A = arith.constant dense<0.000000e+00> : vector<512x1xf32>
    %dot_general3A_165 = tpu.matmul %get3A_158, %get3A_164, %dot_general3A {dimension_numbers = #tpu.dot_dimension_numbers<[1], [0], [0], [1], [0, 0, 1, 1], [], []>, transpose_lhs_hint = false} : vector<512x143xf32>, vector<143x1xf32>, vector<512x1xf32> -> vector<512x1xf32>
    %get3A_166 = arith.constant 0 : index
    %get3A_167 = arith.constant 0 : index
    %get3A_168 = vector.load %arg4[%get3A_166, %get3A_167] : memref<13x1xf32, #tpu.memory_space<vmem>>, vector<13x1xf32>
    %dot_general3A_169 = arith.constant dense<0.000000e+00> : vector<512x1xf32>
    %dot_general3A_170 = tpu.matmul %get3A_161, %get3A_168, %dot_general3A_169 {dimension_numbers = #tpu.dot_dimension_numbers<[1], [0], [0], [1], [0, 0, 1, 1], [], []>, transpose_lhs_hint = false} : vector<512x13xf32>, vector<13x1xf32>, vector<512x1xf32> -> vector<512x1xf32>
    %add3A_171 = arith.addf %dot_general3A_165, %dot_general3A_170 : vector<512x1xf32>
    %concatenate3A = tpu.concatenate %get3A_1, %get3A_4, %get3A_7, %get3A_10, %get3A_13, %get3A_16, %get3A_19, %get3A_22, %get3A_25, %get3A_28, %get3A_31, %get3A_34, %get3A_37, %get3A_40, %get3A_43, %get3A_46, %get3A_49, %get3A_52, %get3A_55, %get3A_58, %get3A_61, %get3A_64, %get3A_67, %get3A_70, %get3A_73, %get3A_76 in 1 : vector<512x128xf32>, vector<512x128xf32>, vector<512x128xf32>, vector<512x128xf32>, vector<512x128xf32>, vector<512x128xf32>, vector<512x128xf32>, vector<512x128xf32>, vector<512x128xf32>, vector<512x128xf32>, vector<512x128xf32>, vector<512x128xf32>, vector<512x128xf32>, vector<512x128xf32>, vector<512x128xf32>, vector<512x128xf32>, vector<512x128xf32>, vector<512x128xf32>, vector<512x128xf32>, vector<512x128xf32>, vector<512x128xf32>, vector<512x128xf32>, vector<512x128xf32>, vector<512x128xf32>, vector<512x128xf32>, vector<512x128xf32> -> vector<512x3328xf32>
    %get3A_172 = arith.constant 0 : index
    %get3A_173 = arith.constant 0 : index
    %get3A_174 = vector.load %arg5[%get3A_172, %get3A_173] : memref<3484x1024xbf16, #tpu.memory_space<vmem>>, vector<143x1024xbf16>
    %convert_element_type3A = arith.truncf %get3A_158 : vector<512x143xf32> to vector<512x143xbf16>
    %dot_general3A_175 = arith.constant dense<0.000000e+00> : vector<512x1024xf32>
    %dot_general3A_176 = tpu.matmul %convert_element_type3A, %get3A_174, %dot_general3A_175 {dimension_numbers = #tpu.dot_dimension_numbers<[1], [0], [0], [1], [0, 0, 1, 1], [], []>, transpose_lhs_hint = false} : vector<512x143xbf16>, vector<143x1024xbf16>, vector<512x1024xf32> -> vector<512x1024xf32>
    %get3A_177 = arith.constant 143 : index
    %get3A_178 = arith.constant 0 : index
    %get3A_179 = vector.load %arg5[%get3A_177, %get3A_178] : memref<3484x1024xbf16, #tpu.memory_space<vmem>>, vector<13x1024xbf16>
    %convert_element_type3A_180 = arith.truncf %get3A_161 : vector<512x13xf32> to vector<512x13xbf16>
    %dot_general3A_181 = arith.constant dense<0.000000e+00> : vector<512x1024xf32>
    %dot_general3A_182 = tpu.matmul %convert_element_type3A_180, %get3A_179, %dot_general3A_181 {dimension_numbers = #tpu.dot_dimension_numbers<[1], [0], [0], [1], [0, 0, 1, 1], [], []>, transpose_lhs_hint = false} : vector<512x13xbf16>, vector<13x1024xbf16>, vector<512x1024xf32> -> vector<512x1024xf32>
    %add3A_183 = arith.addf %dot_general3A_176, %dot_general3A_182 : vector<512x1024xf32>
    %get3A_184 = arith.constant 156 : index
    %get3A_185 = arith.constant 0 : index
    %get3A_186 = vector.load %arg5[%get3A_184, %get3A_185] : memref<3484x1024xbf16, #tpu.memory_space<vmem>>, vector<3328x1024xbf16>
    %convert_element_type3A_187 = arith.truncf %concatenate3A : vector<512x3328xf32> to vector<512x3328xbf16>
    %dot_general3A_188 = arith.constant dense<0.000000e+00> : vector<512x1024xf32>
    %dot_general3A_189 = tpu.matmul %convert_element_type3A_187, %get3A_186, %dot_general3A_188 {dimension_numbers = #tpu.dot_dimension_numbers<[1], [0], [0], [1], [0, 0, 1, 1], [], []>, transpose_lhs_hint = false} : vector<512x3328xbf16>, vector<3328x1024xbf16>, vector<512x1024xf32> -> vector<512x1024xf32>
    %add3A_190 = arith.addf %add3A_183, %dot_general3A_189 : vector<512x1024xf32>
    %get3A_191 = arith.constant 0 : index
    %get3A_192 = arith.constant 0 : index
    %get3A_193 = vector.load %arg6[%get3A_191, %get3A_192] : memref<1x1024xf32, #tpu.memory_space<vmem>>, vector<1x1024xf32>
    %add3A_194 = vector.broadcast %get3A_193 : vector<1x1024xf32> to vector<512x1024xf32>
    %add3A_195 = arith.addf %add3A_190, %add3A_194 : vector<512x1024xf32>
    %max3A = arith.constant 0.000000e+00 : f32
    %max3A_196 = vector.broadcast %max3A : f32 to vector<512x1024xf32>
    %max3A_197 = arith.maximumf %add3A_195, %max3A_196 : vector<512x1024xf32>
    %get3A_198 = arith.constant 0 : index
    %get3A_199 = arith.constant 0 : index
    %get3A_200 = vector.load %arg7[%get3A_198, %get3A_199] : memref<1024x512xbf16, #tpu.memory_space<vmem>>, vector<1024x512xbf16>
    %convert_element_type3A_201 = arith.truncf %max3A_197 : vector<512x1024xf32> to vector<512x1024xbf16>
    %dot_general3A_202 = arith.constant dense<0.000000e+00> : vector<512x512xf32>
    %dot_general3A_203 = tpu.matmul %convert_element_type3A_201, %get3A_200, %dot_general3A_202 {dimension_numbers = #tpu.dot_dimension_numbers<[1], [0], [0], [1], [0, 0, 1, 1], [], []>, transpose_lhs_hint = false} : vector<512x1024xbf16>, vector<1024x512xbf16>, vector<512x512xf32> -> vector<512x512xf32>
    %get3A_204 = arith.constant 0 : index
    %get3A_205 = arith.constant 0 : index
    %get3A_206 = vector.load %arg8[%get3A_204, %get3A_205] : memref<1x512xf32, #tpu.memory_space<vmem>>, vector<1x512xf32>
    %add3A_207 = vector.broadcast %get3A_206 : vector<1x512xf32> to vector<512x512xf32>
    %add3A_208 = arith.addf %dot_general3A_203, %add3A_207 : vector<512x512xf32>
    %max3A_209 = arith.constant 0.000000e+00 : f32
    %max3A_210 = vector.broadcast %max3A_209 : f32 to vector<512x512xf32>
    %max3A_211 = arith.maximumf %add3A_208, %max3A_210 : vector<512x512xf32>
    %get3A_212 = arith.constant 0 : index
    %get3A_213 = arith.constant 0 : index
    %get3A_214 = vector.load %arg9[%get3A_212, %get3A_213] : memref<512x256xbf16, #tpu.memory_space<vmem>>, vector<512x256xbf16>
    %convert_element_type3A_215 = arith.truncf %max3A_211 : vector<512x512xf32> to vector<512x512xbf16>
    %dot_general3A_216 = arith.constant dense<0.000000e+00> : vector<512x256xf32>
    %dot_general3A_217 = tpu.matmul %convert_element_type3A_215, %get3A_214, %dot_general3A_216 {dimension_numbers = #tpu.dot_dimension_numbers<[1], [0], [0], [1], [0, 0, 1, 1], [], []>, transpose_lhs_hint = false} : vector<512x512xbf16>, vector<512x256xbf16>, vector<512x256xf32> -> vector<512x256xf32>
    %get3A_218 = arith.constant 0 : index
    %get3A_219 = arith.constant 0 : index
    %get3A_220 = vector.load %arg10[%get3A_218, %get3A_219] : memref<1x256xf32, #tpu.memory_space<vmem>>, vector<1x256xf32>
    %add3A_221 = vector.broadcast %get3A_220 : vector<1x256xf32> to vector<512x256xf32>
    %add3A_222 = arith.addf %dot_general3A_217, %add3A_221 : vector<512x256xf32>
    %max3A_223 = arith.constant 0.000000e+00 : f32
    %max3A_224 = vector.broadcast %max3A_223 : f32 to vector<512x256xf32>
    %max3A_225 = arith.maximumf %add3A_222, %max3A_224 : vector<512x256xf32>
    %add3A_226 = arith.addf %add3A_171, %mul3A_155 : vector<512x1xf32>
    %get3A_227 = arith.constant 0 : index
    %get3A_228 = arith.constant 0 : index
    %get3A_229 = vector.load %arg11[%get3A_227, %get3A_228] : memref<256x1xbf16, #tpu.memory_space<vmem>>, vector<256x1xbf16>
    %convert_element_type3A_230 = arith.truncf %max3A_225 : vector<512x256xf32> to vector<512x256xbf16>
    %dot_general3A_231 = arith.constant dense<0.000000e+00> : vector<512x1xf32>
    %dot_general3A_232 = tpu.matmul %convert_element_type3A_230, %get3A_229, %dot_general3A_231 {dimension_numbers = #tpu.dot_dimension_numbers<[1], [0], [0], [1], [0, 0, 1, 1], [], []>, transpose_lhs_hint = false} : vector<512x256xbf16>, vector<256x1xbf16>, vector<512x1xf32> -> vector<512x1xf32>
    %add3A_233 = arith.addf %add3A_226, %dot_general3A_232 : vector<512x1xf32>
    %get3A_234 = arith.constant 0 : index
    %get3A_235 = arith.constant 0 : index
    %get3A_236 = vector.load %arg12[%get3A_234, %get3A_235] : memref<1x1xf32, #tpu.memory_space<vmem>>, vector<1x1xf32>
    %add3A_237 = vector.broadcast %get3A_236 : vector<1x1xf32> to vector<512x1xf32>
    %add3A_238 = arith.addf %add3A_233, %add3A_237 : vector<512x1xf32>
    %swap3A = arith.constant 0 : index
    %swap3A_239 = arith.constant 0 : index
    %swap3A_240 = vector.load %arg40[%swap3A, %swap3A_239] : memref<512x1xf32, #tpu.memory_space<vmem>>, vector<512x1xf32>
    tpu.vector_store %arg40[%swap3A, %swap3A_239], %add3A_238 {strides = array<i32>} : memref<512x1xf32, #tpu.memory_space<vmem>>, vector<512x1xf32>,
    return
  }
  func.func @transform_0(%arg0: i32) -> (i32, i32) {
    %c0_i32 = arith.constant 0 : i32
    %c0_i32_0 = arith.constant 0 : i32
    return %arg0, %c0_i32 : i32, i32
  }
  func.func @transform_1(%arg0: i32) -> (i32, i32) {
    %c0_i32 = arith.constant 0 : i32
    %c0_i32_0 = arith.constant 0 : i32
    return %arg0, %c0_i32 : i32, i32
  }
  func.func @transform_2(%arg0: i32) -> (i32, i32) {
    %c0_i32 = arith.constant 0 : i32
    %c0_i32_0 = arith.constant 0 : i32
    %c0_i32_1 = arith.constant 0 : i32
    return %c0_i32, %c0_i32_0 : i32, i32
  }
  func.func @transform_3(%arg0: i32) -> (i32, i32) {
    %c0_i32 = arith.constant 0 : i32
    %c0_i32_0 = arith.constant 0 : i32
    %c0_i32_1 = arith.constant 0 : i32
    return %c0_i32, %c0_i32_0 : i32, i32
  }
  func.func @transform_4(%arg0: i32) -> (i32, i32) {
    %c0_i32 = arith.constant 0 : i32
    %c0_i32_0 = arith.constant 0 : i32
    %c0_i32_1 = arith.constant 0 : i32
    return %c0_i32, %c0_i32_0 : i32, i32
  }
  func.func @transform_5(%arg0: i32) -> (i32, i32) {
    %c0_i32 = arith.constant 0 : i32
    %c0_i32_0 = arith.constant 0 : i32
    %c0_i32_1 = arith.constant 0 : i32
    return %c0_i32, %c0_i32_0 : i32, i32
  }
  func.func @transform_6(%arg0: i32) -> (i32, i32) {
    %c0_i32 = arith.constant 0 : i32
    %c0_i32_0 = arith.constant 0 : i32
    %c0_i32_1 = arith.constant 0 : i32
    return %c0_i32, %c0_i32_0 : i32, i32
  }
  func.func @transform_7(%arg0: i32) -> (i32, i32) {
    %c0_i32 = arith.constant 0 : i32
    %c0_i32_0 = arith.constant 0 : i32
    %c0_i32_1 = arith.constant 0 : i32
    return %c0_i32, %c0_i32_0 : i32, i32
  }
  func.func @transform_8(%arg0: i32) -> (i32, i32) {
    %c0_i32 = arith.constant 0 : i32
    %c0_i32_0 = arith.constant 0 : i32
    %c0_i32_1 = arith.constant 0 : i32
    return %c0_i32, %c0_i32_0 : i32, i32
  }
  func.func @transform_9(%arg0: i32) -> (i32, i32) {
    %c0_i32 = arith.constant 0 : i32
    %c0_i32_0 = arith.constant 0 : i32
    %c0_i32_1 = arith.constant 0 : i32
    return %c0_i32, %c0_i32_0 : i32, i32
  }
  func.func @transform_10(%arg0: i32) -> (i32, i32) {
    %c0_i32 = arith.constant 0 : i32
    %c0_i32_0 = arith.constant 0 : i32
    %c0_i32_1 = arith.constant 0 : i32
    return %c0_i32, %c0_i32_0 : i32, i32
  }
  func.func @transform_11(%arg0: i32) -> (i32, i32) {
    %c0_i32 = arith.constant 0 : i32
    %c0_i32_0 = arith.constant 0 : i32
    %c0_i32_1 = arith.constant 0 : i32
    return %c0_i32, %c0_i32_0 : i32, i32
  }
  func.func @transform_12(%arg0: i32) -> (i32, i32) {
    %add3A = arith.constant 0 : i32
    %add3A_0 = arith.addi %add3A, %arg0 : i32
    %c0_i32 = arith.constant 0 : i32
    %c0_i32_1 = arith.constant 0 : i32
    return %add3A_0, %c0_i32 : i32, i32
  }
  func.func @transform_13(%arg0: i32) -> (i32, i32) {
    %add3A = arith.constant 4 : i32
    %add3A_0 = arith.addi %add3A, %arg0 : i32
    %c0_i32 = arith.constant 0 : i32
    %c0_i32_1 = arith.constant 0 : i32
    return %add3A_0, %c0_i32 : i32, i32
  }
  func.func @transform_14(%arg0: i32) -> (i32, i32) {
    %add3A = arith.constant 8 : i32
    %add3A_0 = arith.addi %add3A, %arg0 : i32
    %c0_i32 = arith.constant 0 : i32
    %c0_i32_1 = arith.constant 0 : i32
    return %add3A_0, %c0_i32 : i32, i32
  }
  func.func @transform_15(%arg0: i32) -> (i32, i32) {
    %add3A = arith.constant 12 : i32
    %add3A_0 = arith.addi %add3A, %arg0 : i32
    %c0_i32 = arith.constant 0 : i32
    %c0_i32_1 = arith.constant 0 : i32
    return %add3A_0, %c0_i32 : i32, i32
  }
  func.func @transform_16(%arg0: i32) -> (i32, i32) {
    %add3A = arith.constant 16 : i32
    %add3A_0 = arith.addi %add3A, %arg0 : i32
    %c0_i32 = arith.constant 0 : i32
    %c0_i32_1 = arith.constant 0 : i32
    return %add3A_0, %c0_i32 : i32, i32
  }
  func.func @transform_17(%arg0: i32) -> (i32, i32) {
    %add3A = arith.constant 20 : i32
    %add3A_0 = arith.addi %add3A, %arg0 : i32
    %c0_i32 = arith.constant 0 : i32
    %c0_i32_1 = arith.constant 0 : i32
    return %add3A_0, %c0_i32 : i32, i32
  }
  func.func @transform_18(%arg0: i32) -> (i32, i32) {
    %add3A = arith.constant 24 : i32
    %add3A_0 = arith.addi %add3A, %arg0 : i32
    %c0_i32 = arith.constant 0 : i32
    %c0_i32_1 = arith.constant 0 : i32
    return %add3A_0, %c0_i32 : i32, i32
  }
  func.func @transform_19(%arg0: i32) -> (i32, i32) {
    %add3A = arith.constant 28 : i32
    %add3A_0 = arith.addi %add3A, %arg0 : i32
    %c0_i32 = arith.constant 0 : i32
    %c0_i32_1 = arith.constant 0 : i32
    return %add3A_0, %c0_i32 : i32, i32
  }
  func.func @transform_20(%arg0: i32) -> (i32, i32) {
    %add3A = arith.constant 32 : i32
    %add3A_0 = arith.addi %add3A, %arg0 : i32
    %c0_i32 = arith.constant 0 : i32
    %c0_i32_1 = arith.constant 0 : i32
    return %add3A_0, %c0_i32 : i32, i32
  }
  func.func @transform_21(%arg0: i32) -> (i32, i32) {
    %add3A = arith.constant 36 : i32
    %add3A_0 = arith.addi %add3A, %arg0 : i32
    %c0_i32 = arith.constant 0 : i32
    %c0_i32_1 = arith.constant 0 : i32
    return %add3A_0, %c0_i32 : i32, i32
  }
  func.func @transform_22(%arg0: i32) -> (i32, i32) {
    %add3A = arith.constant 40 : i32
    %add3A_0 = arith.addi %add3A, %arg0 : i32
    %c0_i32 = arith.constant 0 : i32
    %c0_i32_1 = arith.constant 0 : i32
    return %add3A_0, %c0_i32 : i32, i32
  }
  func.func @transform_23(%arg0: i32) -> (i32, i32) {
    %add3A = arith.constant 44 : i32
    %add3A_0 = arith.addi %add3A, %arg0 : i32
    %c0_i32 = arith.constant 0 : i32
    %c0_i32_1 = arith.constant 0 : i32
    return %add3A_0, %c0_i32 : i32, i32
  }
  func.func @transform_24(%arg0: i32) -> (i32, i32) {
    %add3A = arith.constant 48 : i32
    %add3A_0 = arith.addi %add3A, %arg0 : i32
    %c0_i32 = arith.constant 0 : i32
    %c0_i32_1 = arith.constant 0 : i32
    return %add3A_0, %c0_i32 : i32, i32
  }
  func.func @transform_25(%arg0: i32) -> (i32, i32) {
    %add3A = arith.constant 52 : i32
    %add3A_0 = arith.addi %add3A, %arg0 : i32
    %c0_i32 = arith.constant 0 : i32
    %c0_i32_1 = arith.constant 0 : i32
    return %add3A_0, %c0_i32 : i32, i32
  }
  func.func @transform_26(%arg0: i32) -> (i32, i32) {
    %add3A = arith.constant 56 : i32
    %add3A_0 = arith.addi %add3A, %arg0 : i32
    %c0_i32 = arith.constant 0 : i32
    %c0_i32_1 = arith.constant 0 : i32
    return %add3A_0, %c0_i32 : i32, i32
  }
  func.func @transform_27(%arg0: i32) -> (i32, i32) {
    %add3A = arith.constant 60 : i32
    %add3A_0 = arith.addi %add3A, %arg0 : i32
    %c0_i32 = arith.constant 0 : i32
    %c0_i32_1 = arith.constant 0 : i32
    return %add3A_0, %c0_i32 : i32, i32
  }
  func.func @transform_28(%arg0: i32) -> (i32, i32) {
    %add3A = arith.constant 64 : i32
    %add3A_0 = arith.addi %add3A, %arg0 : i32
    %c0_i32 = arith.constant 0 : i32
    %c0_i32_1 = arith.constant 0 : i32
    return %add3A_0, %c0_i32 : i32, i32
  }
  func.func @transform_29(%arg0: i32) -> (i32, i32) {
    %add3A = arith.constant 68 : i32
    %add3A_0 = arith.addi %add3A, %arg0 : i32
    %c0_i32 = arith.constant 0 : i32
    %c0_i32_1 = arith.constant 0 : i32
    return %add3A_0, %c0_i32 : i32, i32
  }
  func.func @transform_30(%arg0: i32) -> (i32, i32) {
    %add3A = arith.constant 72 : i32
    %add3A_0 = arith.addi %add3A, %arg0 : i32
    %c0_i32 = arith.constant 0 : i32
    %c0_i32_1 = arith.constant 0 : i32
    return %add3A_0, %c0_i32 : i32, i32
  }
  func.func @transform_31(%arg0: i32) -> (i32, i32) {
    %add3A = arith.constant 76 : i32
    %add3A_0 = arith.addi %add3A, %arg0 : i32
    %c0_i32 = arith.constant 0 : i32
    %c0_i32_1 = arith.constant 0 : i32
    return %add3A_0, %c0_i32 : i32, i32
  }
  func.func @transform_32(%arg0: i32) -> (i32, i32) {
    %add3A = arith.constant 80 : i32
    %add3A_0 = arith.addi %add3A, %arg0 : i32
    %c0_i32 = arith.constant 0 : i32
    %c0_i32_1 = arith.constant 0 : i32
    return %add3A_0, %c0_i32 : i32, i32
  }
  func.func @transform_33(%arg0: i32) -> (i32, i32) {
    %add3A = arith.constant 84 : i32
    %add3A_0 = arith.addi %add3A, %arg0 : i32
    %c0_i32 = arith.constant 0 : i32
    %c0_i32_1 = arith.constant 0 : i32
    return %add3A_0, %c0_i32 : i32, i32
  }
  func.func @transform_34(%arg0: i32) -> (i32, i32) {
    %add3A = arith.constant 88 : i32
    %add3A_0 = arith.addi %add3A, %arg0 : i32
    %c0_i32 = arith.constant 0 : i32
    %c0_i32_1 = arith.constant 0 : i32
    return %add3A_0, %c0_i32 : i32, i32
  }
  func.func @transform_35(%arg0: i32) -> (i32, i32) {
    %add3A = arith.constant 92 : i32
    %add3A_0 = arith.addi %add3A, %arg0 : i32
    %c0_i32 = arith.constant 0 : i32
    %c0_i32_1 = arith.constant 0 : i32
    return %add3A_0, %c0_i32 : i32, i32
  }
  func.func @transform_36(%arg0: i32) -> (i32, i32) {
    %add3A = arith.constant 96 : i32
    %add3A_0 = arith.addi %add3A, %arg0 : i32
    %c0_i32 = arith.constant 0 : i32
    %c0_i32_1 = arith.constant 0 : i32
    return %add3A_0, %c0_i32 : i32, i32
  }
  func.func @transform_37(%arg0: i32) -> (i32, i32) {
    %add3A = arith.constant 100 : i32
    %add3A_0 = arith.addi %add3A, %arg0 : i32
    %c0_i32 = arith.constant 0 : i32
    %c0_i32_1 = arith.constant 0 : i32
    return %add3A_0, %c0_i32 : i32, i32
  }
  func.func @transform_39(%arg0: i32) -> (i32, i32) {
    %add3A = arith.constant 0 : i32
    %add3A_0 = arith.addi %add3A, %arg0 : i32
    %c0_i32 = arith.constant 0 : i32
    %c0_i32_1 = arith.constant 0 : i32
    return %add3A_0, %c0_i32 : i32, i32
  }
}

module attributes {stable_mosaic.version = 14 : i64} {
  func.func @_tc_body(%arg0: i32, %arg1: memref<512x143xf32, #tpu.memory_space<vmem>>, %arg2: memref<512x13xf32, #tpu.memory_space<vmem>>, %arg3: memref<143x1xf32, #tpu.memory_space<vmem>>, %arg4: memref<13x1xf32, #tpu.memory_space<vmem>>, %arg5: memref<3484x1024xbf16, #tpu.memory_space<vmem>>, %arg6: memref<1x1024xf32, #tpu.memory_space<vmem>>, %arg7: memref<1024x512xbf16, #tpu.memory_space<vmem>>, %arg8: memref<1x512xf32, #tpu.memory_space<vmem>>, %arg9: memref<512x256xbf16, #tpu.memory_space<vmem>>, %arg10: memref<1x256xf32, #tpu.memory_space<vmem>>, %arg11: memref<256x1xbf16, #tpu.memory_space<vmem>>, %arg12: memref<1x1xf32, #tpu.memory_space<vmem>>, %arg13: memref<512x128xf32, #tpu.memory_space<vmem>>, %arg14: memref<512x128xf32, #tpu.memory_space<vmem>>, %arg15: memref<512x128xf32, #tpu.memory_space<vmem>>, %arg16: memref<512x128xf32, #tpu.memory_space<vmem>>, %arg17: memref<512x128xf32, #tpu.memory_space<vmem>>, %arg18: memref<512x128xf32, #tpu.memory_space<vmem>>, %arg19: memref<512x128xf32, #tpu.memory_space<vmem>>, %arg20: memref<512x128xf32, #tpu.memory_space<vmem>>, %arg21: memref<512x128xf32, #tpu.memory_space<vmem>>, %arg22: memref<512x128xf32, #tpu.memory_space<vmem>>, %arg23: memref<512x128xf32, #tpu.memory_space<vmem>>, %arg24: memref<512x128xf32, #tpu.memory_space<vmem>>, %arg25: memref<512x128xf32, #tpu.memory_space<vmem>>, %arg26: memref<512x128xf32, #tpu.memory_space<vmem>>, %arg27: memref<512x128xf32, #tpu.memory_space<vmem>>, %arg28: memref<512x128xf32, #tpu.memory_space<vmem>>, %arg29: memref<512x128xf32, #tpu.memory_space<vmem>>, %arg30: memref<512x128xf32, #tpu.memory_space<vmem>>, %arg31: memref<512x128xf32, #tpu.memory_space<vmem>>, %arg32: memref<512x128xf32, #tpu.memory_space<vmem>>, %arg33: memref<512x128xf32, #tpu.memory_space<vmem>>, %arg34: memref<512x128xf32, #tpu.memory_space<vmem>>, %arg35: memref<512x128xf32, #tpu.memory_space<vmem>>, %arg36: memref<512x128xf32, #tpu.memory_space<vmem>>, %arg37: memref<512x128xf32, #tpu.memory_space<vmem>>, %arg38: memref<512x128xf32, #tpu.memory_space<vmem>>, %arg39: memref<4096x1xf32, #tpu.memory_space<any>>, %arg40: memref<512x1xf32, #tpu.memory_space<vmem>>) attributes {dimension_semantics = [#tpu.dimension_semantics<arbitrary>], iteration_bounds = array<i64: 4>, scalar_prefetch = 0 : i64, scratch_operands = 0 : i64, tpu.core_type = #tpu.core_type<tc>, window_params = [{transform_indices = @transform_0, window_bounds = array<i64: 512, 143>}, {transform_indices = @transform_1, window_bounds = array<i64: 512, 13>}, {pipeline_mode = #tpu.pipeline_mode<synchronous>, transform_indices = @transform_2, window_bounds = array<i64: 143, 1>}, {pipeline_mode = #tpu.pipeline_mode<synchronous>, transform_indices = @transform_3, window_bounds = array<i64: 13, 1>}, {pipeline_mode = #tpu.pipeline_mode<synchronous>, transform_indices = @transform_4, window_bounds = array<i64: 3484, 1024>}, {pipeline_mode = #tpu.pipeline_mode<synchronous>, transform_indices = @transform_5, window_bounds = array<i64: 1, 1024>}, {pipeline_mode = #tpu.pipeline_mode<synchronous>, transform_indices = @transform_6, window_bounds = array<i64: 1024, 512>}, {pipeline_mode = #tpu.pipeline_mode<synchronous>, transform_indices = @transform_7, window_bounds = array<i64: 1, 512>}, {pipeline_mode = #tpu.pipeline_mode<synchronous>, transform_indices = @transform_8, window_bounds = array<i64: 512, 256>}, {pipeline_mode = #tpu.pipeline_mode<synchronous>, transform_indices = @transform_9, window_bounds = array<i64: 1, 256>}, {pipeline_mode = #tpu.pipeline_mode<synchronous>, transform_indices = @transform_10, window_bounds = array<i64: 256, 1>}, {pipeline_mode = #tpu.pipeline_mode<synchronous>, transform_indices = @transform_11, window_bounds = array<i64: 1, 1>}, {transform_indices = @transform_12, window_bounds = array<i64: 512, 128>}, {transform_indices = @transform_13, window_bounds = array<i64: 512, 128>}, {transform_indices = @transform_14, window_bounds = array<i64: 512, 128>}, {transform_indices = @transform_15, window_bounds = array<i64: 512, 128>}, {transform_indices = @transform_16, window_bounds = array<i64: 512, 128>}, {transform_indices = @transform_17, window_bounds = array<i64: 512, 128>}, {transform_indices = @transform_18, window_bounds = array<i64: 512, 128>}, {transform_indices = @transform_19, window_bounds = array<i64: 512, 128>}, {transform_indices = @transform_20, window_bounds = array<i64: 512, 128>}, {transform_indices = @transform_21, window_bounds = array<i64: 512, 128>}, {transform_indices = @transform_22, window_bounds = array<i64: 512, 128>}, {transform_indices = @transform_23, window_bounds = array<i64: 512, 128>}, {transform_indices = @transform_24, window_bounds = array<i64: 512, 128>}, {transform_indices = @transform_25, window_bounds = array<i64: 512, 128>}, {transform_indices = @transform_26, window_bounds = array<i64: 512, 128>}, {transform_indices = @transform_27, window_bounds = array<i64: 512, 128>}, {transform_indices = @transform_28, window_bounds = array<i64: 512, 128>}, {transform_indices = @transform_29, window_bounds = array<i64: 512, 128>}, {transform_indices = @transform_30, window_bounds = array<i64: 512, 128>}, {transform_indices = @transform_31, window_bounds = array<i64: 512, 128>}, {transform_indices = @transform_32, window_bounds = array<i64: 512, 128>}, {transform_indices = @transform_33, window_bounds = array<i64: 512, 128>}, {transform_indices = @transform_34, window_bounds = array<i64: 512, 128>}, {transform_indices = @transform_35, window_bounds = array<i64: 512, 128>}, {transform_indices = @transform_36, window_bounds = array<i64: 512, 128>}, {transform_indices = @transform_37, window_bounds = array<i64: 512, 128>}, {}, {transform_indices = @transform_39, window_bounds = array<i64: 512, 1>}]} {
    %get3A = arith.constant 0 : index
    %get3A_0 = arith.constant 0 : index
    %get3A_1 = vector.load %arg13[%get3A, %get3A_0] : memref<512x128xf32, #tpu.memory_space<vmem>>, vector<512x128xf32>
    %get3A_2 = arith.constant 0 : index
    %get3A_3 = arith.constant 0 : index
    %get3A_4 = vector.load %arg14[%get3A_2, %get3A_3] : memref<512x128xf32, #tpu.memory_space<vmem>>, vector<512x128xf32>
    %get3A_5 = arith.constant 0 : index
    %get3A_6 = arith.constant 0 : index
    %get3A_7 = vector.load %arg15[%get3A_5, %get3A_6] : memref<512x128xf32, #tpu.memory_space<vmem>>, vector<512x128xf32>
    %get3A_8 = arith.constant 0 : index
    %get3A_9 = arith.constant 0 : index
    %get3A_10 = vector.load %arg16[%get3A_8, %get3A_9] : memref<512x128xf32, #tpu.memory_space<vmem>>, vector<512x128xf32>
    %get3A_11 = arith.constant 0 : index
    %get3A_12 = arith.constant 0 : index
    %get3A_13 = vector.load %arg17[%get3A_11, %get3A_12] : memref<512x128xf32, #tpu.memory_space<vmem>>, vector<512x128xf32>
    %get3A_14 = arith.constant 0 : index
    %get3A_15 = arith.constant 0 : index
    %get3A_16 = vector.load %arg18[%get3A_14, %get3A_15] : memref<512x128xf32, #tpu.memory_space<vmem>>, vector<512x128xf32>
    %get3A_17 = arith.constant 0 : index
    %get3A_18 = arith.constant 0 : index
    %get3A_19 = vector.load %arg19[%get3A_17, %get3A_18] : memref<512x128xf32, #tpu.memory_space<vmem>>, vector<512x128xf32>
    %get3A_20 = arith.constant 0 : index
    %get3A_21 = arith.constant 0 : index
    %get3A_22 = vector.load %arg20[%get3A_20, %get3A_21] : memref<512x128xf32, #tpu.memory_space<vmem>>, vector<512x128xf32>
    %get3A_23 = arith.constant 0 : index
    %get3A_24 = arith.constant 0 : index
    %get3A_25 = vector.load %arg21[%get3A_23, %get3A_24] : memref<512x128xf32, #tpu.memory_space<vmem>>, vector<512x128xf32>
    %get3A_26 = arith.constant 0 : index
    %get3A_27 = arith.constant 0 : index
    %get3A_28 = vector.load %arg22[%get3A_26, %get3A_27] : memref<512x128xf32, #tpu.memory_space<vmem>>, vector<512x128xf32>
    %get3A_29 = arith.constant 0 : index
    %get3A_30 = arith.constant 0 : index
    %get3A_31 = vector.load %arg23[%get3A_29, %get3A_30] : memref<512x128xf32, #tpu.memory_space<vmem>>, vector<512x128xf32>
    %get3A_32 = arith.constant 0 : index
    %get3A_33 = arith.constant 0 : index
    %get3A_34 = vector.load %arg24[%get3A_32, %get3A_33] : memref<512x128xf32, #tpu.memory_space<vmem>>, vector<512x128xf32>
    %get3A_35 = arith.constant 0 : index
    %get3A_36 = arith.constant 0 : index
    %get3A_37 = vector.load %arg25[%get3A_35, %get3A_36] : memref<512x128xf32, #tpu.memory_space<vmem>>, vector<512x128xf32>
    %get3A_38 = arith.constant 0 : index
    %get3A_39 = arith.constant 0 : index
    %get3A_40 = vector.load %arg26[%get3A_38, %get3A_39] : memref<512x128xf32, #tpu.memory_space<vmem>>, vector<512x128xf32>
    %get3A_41 = arith.constant 0 : index
    %get3A_42 = arith.constant 0 : index
    %get3A_43 = vector.load %arg27[%get3A_41, %get3A_42] : memref<512x128xf32, #tpu.memory_space<vmem>>, vector<512x128xf32>
    %get3A_44 = arith.constant 0 : index
    %get3A_45 = arith.constant 0 : index
    %get3A_46 = vector.load %arg28[%get3A_44, %get3A_45] : memref<512x128xf32, #tpu.memory_space<vmem>>, vector<512x128xf32>
    %get3A_47 = arith.constant 0 : index
    %get3A_48 = arith.constant 0 : index
    %get3A_49 = vector.load %arg29[%get3A_47, %get3A_48] : memref<512x128xf32, #tpu.memory_space<vmem>>, vector<512x128xf32>
    %get3A_50 = arith.constant 0 : index
    %get3A_51 = arith.constant 0 : index
    %get3A_52 = vector.load %arg30[%get3A_50, %get3A_51] : memref<512x128xf32, #tpu.memory_space<vmem>>, vector<512x128xf32>
    %get3A_53 = arith.constant 0 : index
    %get3A_54 = arith.constant 0 : index
    %get3A_55 = vector.load %arg31[%get3A_53, %get3A_54] : memref<512x128xf32, #tpu.memory_space<vmem>>, vector<512x128xf32>
    %get3A_56 = arith.constant 0 : index
    %get3A_57 = arith.constant 0 : index
    %get3A_58 = vector.load %arg32[%get3A_56, %get3A_57] : memref<512x128xf32, #tpu.memory_space<vmem>>, vector<512x128xf32>
    %get3A_59 = arith.constant 0 : index
    %get3A_60 = arith.constant 0 : index
    %get3A_61 = vector.load %arg33[%get3A_59, %get3A_60] : memref<512x128xf32, #tpu.memory_space<vmem>>, vector<512x128xf32>
    %get3A_62 = arith.constant 0 : index
    %get3A_63 = arith.constant 0 : index
    %get3A_64 = vector.load %arg34[%get3A_62, %get3A_63] : memref<512x128xf32, #tpu.memory_space<vmem>>, vector<512x128xf32>
    %get3A_65 = arith.constant 0 : index
    %get3A_66 = arith.constant 0 : index
    %get3A_67 = vector.load %arg35[%get3A_65, %get3A_66] : memref<512x128xf32, #tpu.memory_space<vmem>>, vector<512x128xf32>
    %get3A_68 = arith.constant 0 : index
    %get3A_69 = arith.constant 0 : index
    %get3A_70 = vector.load %arg36[%get3A_68, %get3A_69] : memref<512x128xf32, #tpu.memory_space<vmem>>, vector<512x128xf32>
    %get3A_71 = arith.constant 0 : index
    %get3A_72 = arith.constant 0 : index
    %get3A_73 = vector.load %arg37[%get3A_71, %get3A_72] : memref<512x128xf32, #tpu.memory_space<vmem>>, vector<512x128xf32>
    %get3A_74 = arith.constant 0 : index
    %get3A_75 = arith.constant 0 : index
    %get3A_76 = vector.load %arg38[%get3A_74, %get3A_75] : memref<512x128xf32, #tpu.memory_space<vmem>>, vector<512x128xf32>
    %add3A = arith.addf %get3A_1, %get3A_4 : vector<512x128xf32>
    %add3A_77 = arith.addf %get3A_7, %get3A_10 : vector<512x128xf32>
    %add3A_78 = arith.addf %get3A_13, %get3A_16 : vector<512x128xf32>
    %add3A_79 = arith.addf %get3A_19, %get3A_22 : vector<512x128xf32>
    %add3A_80 = arith.addf %get3A_25, %get3A_28 : vector<512x128xf32>
    %add3A_81 = arith.addf %get3A_31, %get3A_34 : vector<512x128xf32>
    %add3A_82 = arith.addf %get3A_37, %get3A_40 : vector<512x128xf32>
    %add3A_83 = arith.addf %get3A_43, %get3A_46 : vector<512x128xf32>
    %add3A_84 = arith.addf %get3A_49, %get3A_52 : vector<512x128xf32>
    %add3A_85 = arith.addf %get3A_55, %get3A_58 : vector<512x128xf32>
    %add3A_86 = arith.addf %get3A_61, %get3A_64 : vector<512x128xf32>
    %add3A_87 = arith.addf %get3A_67, %get3A_70 : vector<512x128xf32>
    %add3A_88 = arith.addf %get3A_73, %get3A_76 : vector<512x128xf32>
    %add3A_89 = arith.addf %add3A, %add3A_77 : vector<512x128xf32>
    %add3A_90 = arith.addf %add3A_78, %add3A_79 : vector<512x128xf32>
    %add3A_91 = arith.addf %add3A_80, %add3A_81 : vector<512x128xf32>
    %add3A_92 = arith.addf %add3A_82, %add3A_83 : vector<512x128xf32>
    %add3A_93 = arith.addf %add3A_84, %add3A_85 : vector<512x128xf32>
    %add3A_94 = arith.addf %add3A_86, %add3A_87 : vector<512x128xf32>
    %add3A_95 = arith.addf %add3A_89, %add3A_90 : vector<512x128xf32>
    %add3A_96 = arith.addf %add3A_91, %add3A_92 : vector<512x128xf32>
    %add3A_97 = arith.addf %add3A_93, %add3A_94 : vector<512x128xf32>
    %add3A_98 = arith.addf %add3A_95, %add3A_96 : vector<512x128xf32>
    %add3A_99 = arith.addf %add3A_97, %add3A_88 : vector<512x128xf32>
    %add3A_100 = arith.addf %add3A_98, %add3A_99 : vector<512x128xf32>
    %mul3A = arith.mulf %get3A_1, %get3A_1 : vector<512x128xf32>
    %mul3A_101 = arith.mulf %get3A_4, %get3A_4 : vector<512x128xf32>
    %mul3A_102 = arith.mulf %get3A_7, %get3A_7 : vector<512x128xf32>
    %mul3A_103 = arith.mulf %get3A_10, %get3A_10 : vector<512x128xf32>
    %mul3A_104 = arith.mulf %get3A_13, %get3A_13 : vector<512x128xf32>
    %mul3A_105 = arith.mulf %get3A_16, %get3A_16 : vector<512x128xf32>
    %mul3A_106 = arith.mulf %get3A_19, %get3A_19 : vector<512x128xf32>
    %mul3A_107 = arith.mulf %get3A_22, %get3A_22 : vector<512x128xf32>
    %mul3A_108 = arith.mulf %get3A_25, %get3A_25 : vector<512x128xf32>
    %mul3A_109 = arith.mulf %get3A_28, %get3A_28 : vector<512x128xf32>
    %mul3A_110 = arith.mulf %get3A_31, %get3A_31 : vector<512x128xf32>
    %mul3A_111 = arith.mulf %get3A_34, %get3A_34 : vector<512x128xf32>
    %mul3A_112 = arith.mulf %get3A_37, %get3A_37 : vector<512x128xf32>
    %mul3A_113 = arith.mulf %get3A_40, %get3A_40 : vector<512x128xf32>
    %mul3A_114 = arith.mulf %get3A_43, %get3A_43 : vector<512x128xf32>
    %mul3A_115 = arith.mulf %get3A_46, %get3A_46 : vector<512x128xf32>
    %mul3A_116 = arith.mulf %get3A_49, %get3A_49 : vector<512x128xf32>
    %mul3A_117 = arith.mulf %get3A_52, %get3A_52 : vector<512x128xf32>
    %mul3A_118 = arith.mulf %get3A_55, %get3A_55 : vector<512x128xf32>
    %mul3A_119 = arith.mulf %get3A_58, %get3A_58 : vector<512x128xf32>
    %mul3A_120 = arith.mulf %get3A_61, %get3A_61 : vector<512x128xf32>
    %mul3A_121 = arith.mulf %get3A_64, %get3A_64 : vector<512x128xf32>
    %mul3A_122 = arith.mulf %get3A_67, %get3A_67 : vector<512x128xf32>
    %mul3A_123 = arith.mulf %get3A_70, %get3A_70 : vector<512x128xf32>
    %mul3A_124 = arith.mulf %get3A_73, %get3A_73 : vector<512x128xf32>
    %mul3A_125 = arith.mulf %get3A_76, %get3A_76 : vector<512x128xf32>
    %add3A_126 = arith.addf %mul3A, %mul3A_101 : vector<512x128xf32>
    %add3A_127 = arith.addf %mul3A_102, %mul3A_103 : vector<512x128xf32>
    %add3A_128 = arith.addf %mul3A_104, %mul3A_105 : vector<512x128xf32>
    %add3A_129 = arith.addf %mul3A_106, %mul3A_107 : vector<512x128xf32>
    %add3A_130 = arith.addf %mul3A_108, %mul3A_109 : vector<512x128xf32>
    %add3A_131 = arith.addf %mul3A_110, %mul3A_111 : vector<512x128xf32>
    %add3A_132 = arith.addf %mul3A_112, %mul3A_113 : vector<512x128xf32>
    %add3A_133 = arith.addf %mul3A_114, %mul3A_115 : vector<512x128xf32>
    %add3A_134 = arith.addf %mul3A_116, %mul3A_117 : vector<512x128xf32>
    %add3A_135 = arith.addf %mul3A_118, %mul3A_119 : vector<512x128xf32>
    %add3A_136 = arith.addf %mul3A_120, %mul3A_121 : vector<512x128xf32>
    %add3A_137 = arith.addf %mul3A_122, %mul3A_123 : vector<512x128xf32>
    %add3A_138 = arith.addf %mul3A_124, %mul3A_125 : vector<512x128xf32>
    %add3A_139 = arith.addf %add3A_126, %add3A_127 : vector<512x128xf32>
    %add3A_140 = arith.addf %add3A_128, %add3A_129 : vector<512x128xf32>
    %add3A_141 = arith.addf %add3A_130, %add3A_131 : vector<512x128xf32>
    %add3A_142 = arith.addf %add3A_132, %add3A_133 : vector<512x128xf32>
    %add3A_143 = arith.addf %add3A_134, %add3A_135 : vector<512x128xf32>
    %add3A_144 = arith.addf %add3A_136, %add3A_137 : vector<512x128xf32>
    %add3A_145 = arith.addf %add3A_139, %add3A_140 : vector<512x128xf32>
    %add3A_146 = arith.addf %add3A_141, %add3A_142 : vector<512x128xf32>
    %add3A_147 = arith.addf %add3A_143, %add3A_144 : vector<512x128xf32>
    %add3A_148 = arith.addf %add3A_145, %add3A_146 : vector<512x128xf32>
    %add3A_149 = arith.addf %add3A_147, %add3A_138 : vector<512x128xf32>
    %add3A_150 = arith.addf %add3A_148, %add3A_149 : vector<512x128xf32>
    %mul3A_151 = arith.mulf %add3A_100, %add3A_100 : vector<512x128xf32>
    %sub3A = arith.subf %mul3A_151, %add3A_150 : vector<512x128xf32>
    %reduce_sum3A = arith.constant dense<0.000000e+00> : vector<512xf32>
    %reduce_sum3A_152 = vector.multi_reduction <add>, %sub3A, %reduce_sum3A [1] : vector<512x128xf32> to vector<512xf32>
    %broadcast_in_dim3A = vector.shape_cast %reduce_sum3A_152 : vector<512xf32> to vector<512x1xf32>
    %mul3A_153 = arith.constant 5.000000e-01 : f32
    %mul3A_154 = vector.broadcast %mul3A_153 : f32 to vector<512x1xf32>
    %mul3A_155 = arith.mulf %mul3A_154, %broadcast_in_dim3A : vector<512x1xf32>
    %get3A_156 = arith.constant 0 : index
    %get3A_157 = arith.constant 0 : index
    %get3A_158 = vector.load %arg1[%get3A_156, %get3A_157] : memref<512x143xf32, #tpu.memory_space<vmem>>, vector<512x143xf32>
    %get3A_159 = arith.constant 0 : index
    %get3A_160 = arith.constant 0 : index
    %get3A_161 = vector.load %arg2[%get3A_159, %get3A_160] : memref<512x13xf32, #tpu.memory_space<vmem>>, vector<512x13xf32>
    %get3A_162 = arith.constant 0 : index
    %get3A_163 = arith.constant 0 : index
    %get3A_164 = vector.load %arg3[%get3A_162, %get3A_163] : memref<143x1xf32, #tpu.memory_space<vmem>>, vector<143x1xf32>
    %dot_general3A = arith.constant dense<0.000000e+00> : vector<512x1xf32>
    %dot_general3A_165 = tpu.matmul %get3A_158, %get3A_164, %dot_general3A {dimension_numbers = #tpu.dot_dimension_numbers<[1], [0], [0], [1], [0, 0, 1, 1], [], []>, transpose_lhs_hint = false} : vector<512x143xf32>, vector<143x1xf32>, vector<512x1xf32> -> vector<512x1xf32>
    %get3A_166 = arith.constant 0 : index
    %get3A_167 = arith.constant 0 : index
    %get3A_168 = vector.load %arg4[%get3A_166, %get3A_167] : memref<13x1xf32, #tpu.memory_space<vmem>>, vector<13x1xf32>
    %dot_general3A_169 = arith.constant dense<0.000000e+00> : vector<512x1xf32>
    %dot_general3A_170 = tpu.matmul %get3A_161, %get3A_168, %dot_general3A_169 {dimension_numbers = #tpu.dot_dimension_numbers<[1], [0], [0], [1], [0, 0, 1, 1], [], []>, transpose_lhs_hint = false} : vector<512x13xf32>, vector<13x1xf32>, vector<512x1xf32> -> vector<512x1xf32>
    %add3A_171 = arith.addf %dot_general3A_165, %dot_general3A_170 : vector<512x1xf32>
    %concatenate3A = tpu.concatenate %get3A_1, %get3A_4, %get3A_7, %get3A_10, %get3A_13, %get3A_16, %get3A_19, %get3A_22, %get3A_25, %get3A_28, %get3A_31, %get3A_34, %get3A_37, %get3A_40, %get3A_43, %get3A_46, %get3A_49, %get3A_52, %get3A_55, %get3A_58, %get3A_61, %get3A_64, %get3A_67, %get3A_70, %get3A_73, %get3A_76 in 1 : vector<512x128xf32>, vector<512x128xf32>, vector<512x128xf32>, vector<512x128xf32>, vector<512x128xf32>, vector<512x128xf32>, vector<512x128xf32>, vector<512x128xf32>, vector<512x128xf32>, vector<512x128xf32>, vector<512x128xf32>, vector<512x128xf32>, vector<512x128xf32>, vector<512x128xf32>, vector<512x128xf32>, vector<512x128xf32>, vector<512x128xf32>, vector<512x128xf32>, vector<512x128xf32>, vector<512x128xf32>, vector<512x128xf32>, vector<512x128xf32>, vector<512x128xf32>, vector<512x128xf32>, vector<512x128xf32>, vector<512x128xf32> -> vector<512x3328xf32>
    %get3A_172 = arith.constant 0 : index
    %get3A_173 = arith.constant 0 : index
    %get3A_174 = vector.load %arg5[%get3A_172, %get3A_173] : memref<3484x1024xbf16, #tpu.memory_space<vmem>>, vector<143x1024xbf16>
    %convert_element_type3A = arith.truncf %get3A_158 : vector<512x143xf32> to vector<512x143xbf16>
    %dot_general3A_175 = arith.constant dense<0.000000e+00> : vector<512x1024xf32>
    %dot_general3A_176 = tpu.matmul %convert_element_type3A, %get3A_174, %dot_general3A_175 {dimension_numbers = #tpu.dot_dimension_numbers<[1], [0], [0], [1], [0, 0, 1, 1], [], []>, transpose_lhs_hint = false} : vector<512x143xbf16>, vector<143x1024xbf16>, vector<512x1024xf32> -> vector<512x1024xf32>
    %get3A_177 = arith.constant 143 : index
    %get3A_178 = arith.constant 0 : index
    %get3A_179 = vector.load %arg5[%get3A_177, %get3A_178] : memref<3484x1024xbf16, #tpu.memory_space<vmem>>, vector<13x1024xbf16>
    %convert_element_type3A_180 = arith.truncf %get3A_161 : vector<512x13xf32> to vector<512x13xbf16>
    %dot_general3A_181 = arith.constant dense<0.000000e+00> : vector<512x1024xf32>
    %dot_general3A_182 = tpu.matmul %convert_element_type3A_180, %get3A_179, %dot_general3A_181 {dimension_numbers = #tpu.dot_dimension_numbers<[1], [0], [0], [1], [0, 0, 1, 1], [], []>, transpose_lhs_hint = false} : vector<512x13xbf16>, vector<13x1024xbf16>, vector<512x1024xf32> -> vector<512x1024xf32>
    %add3A_183 = arith.addf %dot_general3A_176, %dot_general3A_182 : vector<512x1024xf32>
    %get3A_184 = arith.constant 156 : index
    %get3A_185 = arith.constant 0 : index
    %get3A_186 = vector.load %arg5[%get3A_184, %get3A_185] : memref<3484x1024xbf16, #tpu.memory_space<vmem>>, vector<3328x1024xbf16>
    %convert_element_type3A_187 = arith.truncf %concatenate3A : vector<512x3328xf32> to vector<512x3328xbf16>
    %dot_general3A_188 = arith.constant dense<0.000000e+00> : vector<512x1024xf32>
    %dot_general3A_189 = tpu.matmul %convert_element_type3A_187, %get3A_186, %dot_general3A_188 {dimension_numbers = #tpu.dot_dimension_numbers<[1], [0], [0], [1], [0, 0, 1, 1], [], []>, transpose_lhs_hint = false} : vector<512x3328xbf16>, vector<3328x1024xbf16>, vector<512x1024xf32> -> vector<512x1024xf32>
    %add3A_190 = arith.addf %add3A_183, %dot_general3A_189 : vector<512x1024xf32>
    %get3A_191 = arith.constant 0 : index
    %get3A_192 = arith.constant 0 : index
    %get3A_193 = vector.load %arg6[%get3A_191, %get3A_192] : memref<1x1024xf32, #tpu.memory_space<vmem>>, vector<1x1024xf32>
    %add3A_194 = vector.broadcast %get3A_193 : vector<1x1024xf32> to vector<512x1024xf32>
    %add3A_195 = arith.addf %add3A_190, %add3A_194 : vector<512x1024xf32>
    %max3A = arith.constant 0.000000e+00 : f32
    %max3A_196 = vector.broadcast %max3A : f32 to vector<512x1024xf32>
    %max3A_197 = arith.maximumf %add3A_195, %max3A_196 : vector<512x1024xf32>
    %get3A_198 = arith.constant 0 : index
    %get3A_199 = arith.constant 0 : index
    %get3A_200 = vector.load %arg7[%get3A_198, %get3A_199] : memref<1024x512xbf16, #tpu.memory_space<vmem>>, vector<1024x512xbf16>
    %convert_element_type3A_201 = arith.truncf %max3A_197 : vector<512x1024xf32> to vector<512x1024xbf16>
    %dot_general3A_202 = arith.constant dense<0.000000e+00> : vector<512x512xf32>
    %dot_general3A_203 = tpu.matmul %convert_element_type3A_201, %get3A_200, %dot_general3A_202 {dimension_numbers = #tpu.dot_dimension_numbers<[1], [0], [0], [1], [0, 0, 1, 1], [], []>, transpose_lhs_hint = false} : vector<512x1024xbf16>, vector<1024x512xbf16>, vector<512x512xf32> -> vector<512x512xf32>
    %get3A_204 = arith.constant 0 : index
    %get3A_205 = arith.constant 0 : index
    %get3A_206 = vector.load %arg8[%get3A_204, %get3A_205] : memref<1x512xf32, #tpu.memory_space<vmem>>, vector<1x512xf32>
    %add3A_207 = vector.broadcast %get3A_206 : vector<1x512xf32> to vector<512x512xf32>
    %add3A_208 = arith.addf %dot_general3A_203, %add3A_207 : vector<512x512xf32>
    %max3A_209 = arith.constant 0.000000e+00 : f32
    %max3A_210 = vector.broadcast %max3A_209 : f32 to vector<512x512xf32>
    %max3A_211 = arith.maximumf %add3A_208, %max3A_210 : vector<512x512xf32>
    %get3A_212 = arith.constant 0 : index
    %get3A_213 = arith.constant 0 : index
    %get3A_214 = vector.load %arg9[%get3A_212, %get3A_213] : memref<512x256xbf16, #tpu.memory_space<vmem>>, vector<512x256xbf16>
    %convert_element_type3A_215 = arith.truncf %max3A_211 : vector<512x512xf32> to vector<512x512xbf16>
    %dot_general3A_216 = arith.constant dense<0.000000e+00> : vector<512x256xf32>
    %dot_general3A_217 = tpu.matmul %convert_element_type3A_215, %get3A_214, %dot_general3A_216 {dimension_numbers = #tpu.dot_dimension_numbers<[1], [0], [0], [1], [0, 0, 1, 1], [], []>, transpose_lhs_hint = false} : vector<512x512xbf16>, vector<512x256xbf16>, vector<512x256xf32> -> vector<512x256xf32>
    %get3A_218 = arith.constant 0 : index
    %get3A_219 = arith.constant 0 : index
    %get3A_220 = vector.load %arg10[%get3A_218, %get3A_219] : memref<1x256xf32, #tpu.memory_space<vmem>>, vector<1x256xf32>
    %add3A_221 = vector.broadcast %get3A_220 : vector<1x256xf32> to vector<512x256xf32>
    %add3A_222 = arith.addf %dot_general3A_217, %add3A_221 : vector<512x256xf32>
    %max3A_223 = arith.constant 0.000000e+00 : f32
    %max3A_224 = vector.broadcast %max3A_223 : f32 to vector<512x256xf32>
    %max3A_225 = arith.maximumf %add3A_222, %max3A_224 : vector<512x256xf32>
    %add3A_226 = arith.addf %add3A_171, %mul3A_155 : vector<512x1xf32>
    %get3A_227 = arith.constant 0 : index
    %get3A_228 = arith.constant 0 : index
    %get3A_229 = vector.load %arg11[%get3A_227, %get3A_228] : memref<256x1xbf16, #tpu.memory_space<vmem>>, vector<256x1xbf16>
    %convert_element_type3A_230 = arith.truncf %max3A_225 : vector<512x256xf32> to vector<512x256xbf16>
    %dot_general3A_231 = arith.constant dense<0.000000e+00> : vector<512x1xf32>
    %dot_general3A_232 = tpu.matmul %convert_element_type3A_230, %get3A_229, %dot_general3A_231 {dimension_numbers = #tpu.dot_dimension_numbers<[1], [0], [0], [1], [0, 0, 1, 1], [], []>, transpose_lhs_hint = false} : vector<512x256xbf16>, vector<256x1xbf16>, vector<512x1xf32> -> vector<512x1xf32>
    %add3A_233 = arith.addf %add3A_226, %dot_general3A_232 : vector<512x1xf32>
    %get3A_234 = arith.constant 0 : index
    %get3A_235 = arith.constant 0 : index
    %get3A_236 = vector.load %arg12[%get3A_234, %get3A_235] : memref<1x1xf32, #tpu.memory_space<vmem>>, vector<1x1xf32>
    %add3A_237 = vector.broadcast %get3A_236 : vector<1x1xf32> to vector<512x1xf32>
    %add3A_238 = arith.addf %add3A_233, %add3A_237 : vector<512x1xf32>
    %swap3A = arith.constant 0 : index
    %swap3A_239 = arith.constant 0 : index
    %swap3A_240 = vector.load %arg40[%swap3A, %swap3A_239] : memref<512x1xf32, #tpu.memory_space<vmem>>, vector<512x1xf32>
    tpu.vector_store %arg40[%swap3A, %swap3A_239], %add3A_238 {strides = array<i32>} : memref<512x1xf32, #tpu.memory_space<vmem>>, vector<512x1xf32>,
    return
  }
  func.func @transform_0(%arg0: i32) -> (i32, i32) {
    %c0_i32 = arith.constant 0 : i32
    %c0_i32_0 = arith.constant 0 : i32
    return %arg0, %c0_i32 : i32, i32
  }
  func.func @transform_1(%arg0: i32) -> (i32, i32) {
    %c0_i32 = arith.constant 0 : i32
    %c0_i32_0 = arith.constant 0 : i32
    return %arg0, %c0_i32 : i32, i32
  }
  func.func @transform_2(%arg0: i32) -> (i32, i32) {
    %c0_i32 = arith.constant 0 : i32
    %c0_i32_0 = arith.constant 0 : i32
    %c0_i32_1 = arith.constant 0 : i32
    return %c0_i32, %c0_i32_0 : i32, i32
  }
  func.func @transform_3(%arg0: i32) -> (i32, i32) {
    %c0_i32 = arith.constant 0 : i32
    %c0_i32_0 = arith.constant 0 : i32
    %c0_i32_1 = arith.constant 0 : i32
    return %c0_i32, %c0_i32_0 : i32, i32
  }
  func.func @transform_4(%arg0: i32) -> (i32, i32) {
    %c0_i32 = arith.constant 0 : i32
    %c0_i32_0 = arith.constant 0 : i32
    %c0_i32_1 = arith.constant 0 : i32
    return %c0_i32, %c0_i32_0 : i32, i32
  }
  func.func @transform_5(%arg0: i32) -> (i32, i32) {
    %c0_i32 = arith.constant 0 : i32
    %c0_i32_0 = arith.constant 0 : i32
    %c0_i32_1 = arith.constant 0 : i32
    return %c0_i32, %c0_i32_0 : i32, i32
  }
  func.func @transform_6(%arg0: i32) -> (i32, i32) {
    %c0_i32 = arith.constant 0 : i32
    %c0_i32_0 = arith.constant 0 : i32
    %c0_i32_1 = arith.constant 0 : i32
    return %c0_i32, %c0_i32_0 : i32, i32
  }
  func.func @transform_7(%arg0: i32) -> (i32, i32) {
    %c0_i32 = arith.constant 0 : i32
    %c0_i32_0 = arith.constant 0 : i32
    %c0_i32_1 = arith.constant 0 : i32
    return %c0_i32, %c0_i32_0 : i32, i32
  }
  func.func @transform_8(%arg0: i32) -> (i32, i32) {
    %c0_i32 = arith.constant 0 : i32
    %c0_i32_0 = arith.constant 0 : i32
    %c0_i32_1 = arith.constant 0 : i32
    return %c0_i32, %c0_i32_0 : i32, i32
  }
  func.func @transform_9(%arg0: i32) -> (i32, i32) {
    %c0_i32 = arith.constant 0 : i32
    %c0_i32_0 = arith.constant 0 : i32
    %c0_i32_1 = arith.constant 0 : i32
    return %c0_i32, %c0_i32_0 : i32, i32
  }
  func.func @transform_10(%arg0: i32) -> (i32, i32) {
    %c0_i32 = arith.constant 0 : i32
    %c0_i32_0 = arith.constant 0 : i32
    %c0_i32_1 = arith.constant 0 : i32
    return %c0_i32, %c0_i32_0 : i32, i32
  }
  func.func @transform_11(%arg0: i32) -> (i32, i32) {
    %c0_i32 = arith.constant 0 : i32
    %c0_i32_0 = arith.constant 0 : i32
    %c0_i32_1 = arith.constant 0 : i32
    return %c0_i32, %c0_i32_0 : i32, i32
  }
  func.func @transform_12(%arg0: i32) -> (i32, i32) {
    %add3A = arith.constant 0 : i32
    %add3A_0 = arith.addi %add3A, %arg0 : i32
    %c0_i32 = arith.constant 0 : i32
    %c0_i32_1 = arith.constant 0 : i32
    return %add3A_0, %c0_i32 : i32, i32
  }
  func.func @transform_13(%arg0: i32) -> (i32, i32) {
    %add3A = arith.constant 4 : i32
    %add3A_0 = arith.addi %add3A, %arg0 : i32
    %c0_i32 = arith.constant 0 : i32
    %c0_i32_1 = arith.constant 0 : i32
    return %add3A_0, %c0_i32 : i32, i32
  }
  func.func @transform_14(%arg0: i32) -> (i32, i32) {
    %add3A = arith.constant 8 : i32
    %add3A_0 = arith.addi %add3A, %arg0 : i32
    %c0_i32 = arith.constant 0 : i32
    %c0_i32_1 = arith.constant 0 : i32
    return %add3A_0, %c0_i32 : i32, i32
  }
  func.func @transform_15(%arg0: i32) -> (i32, i32) {
    %add3A = arith.constant 12 : i32
    %add3A_0 = arith.addi %add3A, %arg0 : i32
    %c0_i32 = arith.constant 0 : i32
    %c0_i32_1 = arith.constant 0 : i32
    return %add3A_0, %c0_i32 : i32, i32
  }
  func.func @transform_16(%arg0: i32) -> (i32, i32) {
    %add3A = arith.constant 16 : i32
    %add3A_0 = arith.addi %add3A, %arg0 : i32
    %c0_i32 = arith.constant 0 : i32
    %c0_i32_1 = arith.constant 0 : i32
    return %add3A_0, %c0_i32 : i32, i32
  }
  func.func @transform_17(%arg0: i32) -> (i32, i32) {
    %add3A = arith.constant 20 : i32
    %add3A_0 = arith.addi %add3A, %arg0 : i32
    %c0_i32 = arith.constant 0 : i32
    %c0_i32_1 = arith.constant 0 : i32
    return %add3A_0, %c0_i32 : i32, i32
  }
  func.func @transform_18(%arg0: i32) -> (i32, i32) {
    %add3A = arith.constant 24 : i32
    %add3A_0 = arith.addi %add3A, %arg0 : i32
    %c0_i32 = arith.constant 0 : i32
    %c0_i32_1 = arith.constant 0 : i32
    return %add3A_0, %c0_i32 : i32, i32
  }
  func.func @transform_19(%arg0: i32) -> (i32, i32) {
    %add3A = arith.constant 28 : i32
    %add3A_0 = arith.addi %add3A, %arg0 : i32
    %c0_i32 = arith.constant 0 : i32
    %c0_i32_1 = arith.constant 0 : i32
    return %add3A_0, %c0_i32 : i32, i32
  }
  func.func @transform_20(%arg0: i32) -> (i32, i32) {
    %add3A = arith.constant 32 : i32
    %add3A_0 = arith.addi %add3A, %arg0 : i32
    %c0_i32 = arith.constant 0 : i32
    %c0_i32_1 = arith.constant 0 : i32
    return %add3A_0, %c0_i32 : i32, i32
  }
  func.func @transform_21(%arg0: i32) -> (i32, i32) {
    %add3A = arith.constant 36 : i32
    %add3A_0 = arith.addi %add3A, %arg0 : i32
    %c0_i32 = arith.constant 0 : i32
    %c0_i32_1 = arith.constant 0 : i32
    return %add3A_0, %c0_i32 : i32, i32
  }
  func.func @transform_22(%arg0: i32) -> (i32, i32) {
    %add3A = arith.constant 40 : i32
    %add3A_0 = arith.addi %add3A, %arg0 : i32
    %c0_i32 = arith.constant 0 : i32
    %c0_i32_1 = arith.constant 0 : i32
    return %add3A_0, %c0_i32 : i32, i32
  }
  func.func @transform_23(%arg0: i32) -> (i32, i32) {
    %add3A = arith.constant 44 : i32
    %add3A_0 = arith.addi %add3A, %arg0 : i32
    %c0_i32 = arith.constant 0 : i32
    %c0_i32_1 = arith.constant 0 : i32
    return %add3A_0, %c0_i32 : i32, i32
  }
  func.func @transform_24(%arg0: i32) -> (i32, i32) {
    %add3A = arith.constant 48 : i32
    %add3A_0 = arith.addi %add3A, %arg0 : i32
    %c0_i32 = arith.constant 0 : i32
    %c0_i32_1 = arith.constant 0 : i32
    return %add3A_0, %c0_i32 : i32, i32
  }
  func.func @transform_25(%arg0: i32) -> (i32, i32) {
    %add3A = arith.constant 52 : i32
    %add3A_0 = arith.addi %add3A, %arg0 : i32
    %c0_i32 = arith.constant 0 : i32
    %c0_i32_1 = arith.constant 0 : i32
    return %add3A_0, %c0_i32 : i32, i32
  }
  func.func @transform_26(%arg0: i32) -> (i32, i32) {
    %add3A = arith.constant 56 : i32
    %add3A_0 = arith.addi %add3A, %arg0 : i32
    %c0_i32 = arith.constant 0 : i32
    %c0_i32_1 = arith.constant 0 : i32
    return %add3A_0, %c0_i32 : i32, i32
  }
  func.func @transform_27(%arg0: i32) -> (i32, i32) {
    %add3A = arith.constant 60 : i32
    %add3A_0 = arith.addi %add3A, %arg0 : i32
    %c0_i32 = arith.constant 0 : i32
    %c0_i32_1 = arith.constant 0 : i32
    return %add3A_0, %c0_i32 : i32, i32
  }
  func.func @transform_28(%arg0: i32) -> (i32, i32) {
    %add3A = arith.constant 64 : i32
    %add3A_0 = arith.addi %add3A, %arg0 : i32
    %c0_i32 = arith.constant 0 : i32
    %c0_i32_1 = arith.constant 0 : i32
    return %add3A_0, %c0_i32 : i32, i32
  }
  func.func @transform_29(%arg0: i32) -> (i32, i32) {
    %add3A = arith.constant 68 : i32
    %add3A_0 = arith.addi %add3A, %arg0 : i32
    %c0_i32 = arith.constant 0 : i32
    %c0_i32_1 = arith.constant 0 : i32
    return %add3A_0, %c0_i32 : i32, i32
  }
  func.func @transform_30(%arg0: i32) -> (i32, i32) {
    %add3A = arith.constant 72 : i32
    %add3A_0 = arith.addi %add3A, %arg0 : i32
    %c0_i32 = arith.constant 0 : i32
    %c0_i32_1 = arith.constant 0 : i32
    return %add3A_0, %c0_i32 : i32, i32
  }
  func.func @transform_31(%arg0: i32) -> (i32, i32) {
    %add3A = arith.constant 76 : i32
    %add3A_0 = arith.addi %add3A, %arg0 : i32
    %c0_i32 = arith.constant 0 : i32
    %c0_i32_1 = arith.constant 0 : i32
    return %add3A_0, %c0_i32 : i32, i32
  }
  func.func @transform_32(%arg0: i32) -> (i32, i32) {
    %add3A = arith.constant 80 : i32
    %add3A_0 = arith.addi %add3A, %arg0 : i32
    %c0_i32 = arith.constant 0 : i32
    %c0_i32_1 = arith.constant 0 : i32
    return %add3A_0, %c0_i32 : i32, i32
  }
  func.func @transform_33(%arg0: i32) -> (i32, i32) {
    %add3A = arith.constant 84 : i32
    %add3A_0 = arith.addi %add3A, %arg0 : i32
    %c0_i32 = arith.constant 0 : i32
    %c0_i32_1 = arith.constant 0 : i32
    return %add3A_0, %c0_i32 : i32, i32
  }
  func.func @transform_34(%arg0: i32) -> (i32, i32) {
    %add3A = arith.constant 88 : i32
    %add3A_0 = arith.addi %add3A, %arg0 : i32
    %c0_i32 = arith.constant 0 : i32
    %c0_i32_1 = arith.constant 0 : i32
    return %add3A_0, %c0_i32 : i32, i32
  }
  func.func @transform_35(%arg0: i32) -> (i32, i32) {
    %add3A = arith.constant 92 : i32
    %add3A_0 = arith.addi %add3A, %arg0 : i32
    %c0_i32 = arith.constant 0 : i32
    %c0_i32_1 = arith.constant 0 : i32
    return %add3A_0, %c0_i32 : i32, i32
  }
  func.func @transform_36(%arg0: i32) -> (i32, i32) {
    %add3A = arith.constant 96 : i32
    %add3A_0 = arith.addi %add3A, %arg0 : i32
    %c0_i32 = arith.constant 0 : i32
    %c0_i32_1 = arith.constant 0 : i32
    return %add3A_0, %c0_i32 : i32, i32
  }
  func.func @transform_37(%arg0: i32) -> (i32, i32) {
    %add3A = arith.constant 100 : i32
    %add3A_0 = arith.addi %add3A, %arg0 : i32
    %c0_i32 = arith.constant 0 : i32
    %c0_i32_1 = arith.constant 0 : i32
    return %add3A_0, %c0_i32 : i32, i32
  }
  func.func @transform_39(%arg0: i32) -> (i32, i32) {
    %add3A = arith.constant 4 : i32
    %add3A_0 = arith.addi %add3A, %arg0 : i32
    %c0_i32 = arith.constant 0 : i32
    %c0_i32_1 = arith.constant 0 : i32
    return %add3A_0, %c0_i32 : i32, i32
  }
}

</mosaic_0001>

<sc_bundles>
// kernel: kernel.6.cloned.1.call-start
scs
__scs_entry_jumppad:
0x0: {  	(pc) =	sbr.rel $0x88, $3  }
0x1: {  	(tag) =	ssettag $0x0;
	lr =	simm.s32 $0x1  }
0x2: {  	[smem:$0x3F91] =	sst lr;
	_ =	strace $0xD0000000  }
0x3: {  	_ = 	snop  }
0x4: {  	_ = 	snop  }
0x5: {  	_ = 	snop  }
0x6: {  	_ = 	snop  }
0x7: {  	_ = 	snop  }
__scs_overlays_trampoline_lowered:
0x8: {  	[smem:$0x3FA0] =	sst s0  }
0x9: {  	[smem:$0x3FA1] =	sst s1  }
0xa: {  	[smem:$0x3FA2] =	sst s2  }
0xb: {  	[smem:$0x3FA3] =	sst s3  }
0xc: {  	[smem:$0x3FA4] =	sst s4  }
0xd: {  	[smem:$0x3FA5] =	sst s5  }
0xe: {  	[smem:$0x3FA6] =	sst s6  }
0xf: {  	[smem:$0x3FA7] =	sst s7  }
0x10: {  	[smem:$0x3FA8] =	sst s8  }
0x11: {  	[smem:$0x3FA9] =	sst s9;
	s0 =	simm.s32 @!p0 $0x0  }
0x12: {  	s1 =	sld [smem:$0x3F8F];
	s0 =	simm.s32 @p0 $0x1  }
0x13: {  	[smem:$0x3FAA] =	sst s0;
	s0 =	simm.s32 @!p1 $0x0  }
0x14: {  	s2 =	sld [smem:$0x3F8E];
	s0 =	simm.s32 @p1 $0x1  }
0x15: {  	[smem:$0x3FAB] =	sst s0;
	s0 =	simm.s32 @!p2 $0x0  }
0x16: {  	s3 =	sld [smem:$0x3FDB];
	s0 =	simm.s32 @p2 $0x1  }
0x17: {  	s4 =	simm.s32 $0x1BF5;
	[smem:$0x3FAD] =	sst s0  }
0x18: {  	s0 =	sld [smem:$0x3F90];
	_ =	swait.ge [sflag:s4], $0x0  }
0x19: {  	s7 =	sld [smem:$0x3F91]  }
0x1a: {  	s8 =	sadd.s32 $0xFFFFE003, lr  }
0x1b: {  	s9 =	sadd.s32 $0xFFFFFEF7, lr;
	s5 =	simm.s32 $0xFFFFFFFF;
	p2 =	slt.u32 s8, $0xFFFFF086  }
0x1c: {  	p1 =	slt.u32 s9, $0xF7A;
	s5 =	simm.s32 @!p2 $0x0  }
0x1d: {  	s5 =	simm.s32 @p1 $0x1;
	p0 =	seq.s32 s7, s2  }
0x1e: {  	s7 =	smul.u32 @!p0 $0xF7A, s2;
	p2 =	seq.s32 @!p0 s5, $0x0  }
0x1f: {  	s9 =	smul.u32 $0xF7A, s1;
	s8 =	simm.s32 @!p0 $0x1BF5;
	p2 =	por !p2, p0  }
0x20: {  	[sflag:s8] =	ssyncset.s32 @!p0 $0xFFFFF086;
	s6 =	sadd.s32 @!p0 s3, s7;
	s7 =	simm.s32 @!p0 $0x108  }
0x21: {  	s3 =	sadd.s32 s3, s9;
	s6 =	sadd.s32 @!p0 $0x88, s6;
	s7 =	simm.s32 @p2 $0x1082  }
0x22: {  	[simem:s7], [sflag:s8] =	dma.local @!p0 [hbm:s6], $0xF7A  }
0x23: {  	s9 =	sor.u32 $0xD0000000, s2;
	s6 =	simm.s32 $0x108;
	_ =	swait.ge @!p0 [sflag:s8], $0x0  }
0x24: {  	s3 =	sadd.s32 $0x88, s3;
	s6 =	simm.s32 @!p1 $0x1082;
	[sflag:s4] =	ssyncset.s32 $0xFFFFF086  }
0x25: {  	[simem:s6], [sflag:s4] =	dma.local [hbm:s3], $0xF7A  }
0x26: {  	[smem:$0x3F91] =	sst s1;
	(tag) =	ssettag s2;
	_ =	strace s9  }
0x27: {  	s1 =	sld [smem:$0x3FA1]  }
0x28: {  	s2 =	sld [smem:$0x3FA2]  }
0x29: {  	s4 =	sld [smem:$0x3FA4]  }
0x2a: {  	p0 =	seq.s32 s5, $0x0;
	s5 =	sld [smem:$0x3FA5]  }
0x2b: {  	s6 =	sld [smem:$0x3FA6]  }
0x2c: {  	s7 =	sld [smem:$0x3FA7]  }
0x2d: {  	s3 =	simm.s32 $0x108;
	s8 =	sld [smem:$0x3FA8]  }
0x2e: {  	s3 =	simm.s32 @!p0 $0x1082;
	s9 =	sld [smem:$0x3FA9]  }
0x2f: {  	lr =	sadd.s32 s0, s3;
	s0 =	sld [smem:$0x3FA0]  }
0x30: {  	s3 =	sld [smem:$0x3FA3]  }
0x31: {  	[smem:$0x3FAC] =	sst s10  }
0x32: {  	s10 =	sld [smem:$0x3FAA];
	_ =	sdelay $0x3  }
0x33: {  	p0 =	seq.s32 s10, $0x1;
	s10 =	sld [smem:$0x3FAC];
	_ =	sdelay $0x3  }
0x34: {  	[smem:$0x3FAC] =	sst s10  }
0x35: {  	s10 =	sld [smem:$0x3FAB];
	_ =	sdelay $0x3  }
0x36: {  	p1 =	seq.s32 s10, $0x1;
	s10 =	sld [smem:$0x3FAC];
	_ =	sdelay $0x3  }
0x37: {  	[smem:$0x3FAC] =	sst s10  }
0x38: {  	s10 =	sld [smem:$0x3FAD]  }
0x39: {  	_ = 	snop;
	(pc) =	sbr.ind lr, $3  }
0x3a: {  	_ = 	snop  }
0x3b: {  	_ = 	snop  }
0x3c: {  	p2 =	seq.s32 s10, $0x1;
	s10 =	sld [smem:$0x3FAC]  }
0x3d: {  	_ =	shalt  }
0x3e: {  	_ =	shalt  }
0x3f: {  	_ =	shalt  }
0x40: {  	_ =	shalt  }
0x41: {  	_ =	shalt  }
0x42: {  	_ =	shalt  }
0x43: {  	_ =	shalt  }
0x44: {  	_ =	shalt  }
0x45: {  	_ =	shalt  }
0x46: {  	_ =	shalt  }
0x47: {  	_ =	shalt  }
0x48: {  	_ =	shalt  }
0x49: {  	_ =	shalt  }
0x4a: {  	_ =	shalt  }
0x4b: {  	_ =	shalt  }
0x4c: {  	_ =	shalt  }
0x4d: {  	_ =	shalt  }
0x4e: {  	_ =	shalt  }
0x4f: {  	_ =	shalt  }
0x50: {  	_ =	shalt  }
0x51: {  	_ =	shalt  }
0x52: {  	_ =	shalt  }
0x53: {  	_ =	shalt  }
0x54: {  	_ =	shalt  }
0x55: {  	_ =	shalt  }
0x56: {  	_ =	shalt  }
0x57: {  	_ =	shalt  }
0x58: {  	_ =	shalt  }
0x59: {  	_ =	shalt  }
0x5a: {  	_ =	shalt  }
0x5b: {  	_ =	shalt  }
0x5c: {  	_ =	shalt  }
0x5d: {  	_ =	shalt  }
0x5e: {  	_ =	shalt  }
0x5f: {  	_ =	shalt  }
0x60: {  	_ =	shalt  }
0x61: {  	_ =	shalt  }
0x62: {  	_ =	shalt  }
0x63: {  	_ =	shalt  }
0x64: {  	_ =	shalt  }
0x65: {  	_ =	shalt  }
0x66: {  	_ =	shalt  }
0x67: {  	_ =	shalt  }
0x68: {  	_ =	shalt  }
0x69: {  	_ =	shalt  }
0x6a: {  	_ =	shalt  }
0x6b: {  	_ =	shalt  }
0x6c: {  	_ =	shalt  }
0x6d: {  	_ =	shalt  }
0x6e: {  	_ =	shalt  }
0x6f: {  	_ =	shalt  }
0x70: {  	_ =	shalt  }
0x71: {  	_ =	shalt  }
0x72: {  	_ =	shalt  }
0x73: {  	_ =	shalt  }
0x74: {  	_ =	shalt  }
0x75: {  	_ =	shalt  }
0x76: {  	_ =	shalt  }
0x77: {  	_ =	shalt  }
0x78: {  	_ =	shalt  }
0x79: {  	_ =	shalt  }
0x7a: {  	_ =	shalt  }
0x7b: {  	_ =	shalt  }
0x7c: {  	_ =	shalt  }
0x7d: {  	_ =	shalt  }
0x7e: {  	_ =	shalt  }
0x7f: {  	_ =	shalt  }
0x80: {  	_ =	shalt  }
0x81: {  	_ =	shalt  }
0x82: {  	_ =	shalt  }
0x83: {  	_ =	shalt  }
0x84: {  	_ =	shalt  }
0x85: {  	_ =	shalt  }
0x86: {  	_ =	shalt  }
0x87: {  	_ =	shalt  }
.Lfunc_end0:
.L_simem_size_0:
called_computation_lowered:
.L_overlay_start_0:
0x88: {  	s2 =	sld [smem:$0x3FD9]  }
0x89: {  	s3 =	sld [smem:$0x3FFE];
	_ =	sdelay $0x1  }
0x8a: {  	s1 =	srdreg.scid  }
0x8b: {  	s0 =	sand.u32 $0x1, s1  }
0x8c: {  	s17 =	sshll.u32 s0, $0xA;
	s2 =	sadd.s32 s3, s2  }
0x8d: {  	s2 =	sadd.s32 s2, s17  }
0x8e: {  	[smem:$0x3FB8] =	sst s2  }
0x8f: {  	_ = 	snop  }
0x90: {  	s2 =	sld [smem:$0x3FC6];
	(tm) =	ssettm $0x1  }
0x91: {  	s18 =	sld [smem:$0x3FFB];
	_ =	sdelay $0x3  }
0x92: {  	_ =	strace s18  }
0x93: {  	s3 =	sld [smem:$0x3FFC];
	_ =	sdelay $0x3  }
0x94: {  	_ =	strace s3  }
0x95: {  	s3 =	sld [smem:$0x3FFD];
	_ =	sdelay $0x3  }
0x96: {  	_ =	strace s3  }
0x97: {  	_ =	strace $0x8FFFFFFF  }
0x98: {  	s19 =	sld [smem:$0x3FDB];
	_ =	sdelay $0x1  }
0x99: {  	s4 =	simm.s32 $_scs_section_size  }
0x9a: {  	s5 =	simm.s32 $_size__tile_overlayer_lowered;
	s6 =	simm.s32 $_tile_overlayer_lowered  }
0x9b: {  	s22 =	simm.s32 $0x1BFF;
	s21 =	sshll.u32 s6, $0x1;
	s3 =	sadd.s32 s4, s19  }
0x9c: {  	s7 =	simm.s32 $0x0;
	s20 =	sshll.u32 s5, $0x1;
	s5 =	sadd.s32 s21, s3  }
0x9d: {  	[timem:s7], [sflag:s22] =	dma.local [hbm:s5], s20  }
0x9e: {  	_ =	swait.ge [sflag:s22], s20  }
0x9f: {  	s4 =	ssub.s32 $0x0, s20;
	[sflag:s22] =	ssyncset.done $0x0  }
0xa0: {  	[sflag:s22] =	ssyncadd.s32 s4;
	_ =	sdelay $0x1  }
0xa1: {  	s23 =	simm.s32 $0x1B8B  }
0xa2: {  	_ =	swait.ge [sflag:s23], $0x1  }
0xa3: {  	[sflag:s23] =	ssyncset.done $0x0  }
0xa4: {  	s25 =	simm.s32 $0x1B8E;
	s24 =	sld [smem:$0x3FFE];
	[sflag:s23] =	ssyncadd.s32 $0xFFFFFFFF  }
0xa5: {  	s26 =	simm.s32 $execute0_lowered;
	[smem:$0x3FD2] =	sst s25  }
0xa6: {  	s5 =	sshll.u32 s26, $0x1;
	_ =	strace $0x80000046;
	[dreg:$0x1] =	wrdreg $0xFFFFFFFF  }
0xa7: {  	s28 =	simm.s32 $_size_execute0_lowered;
	s3 =	sadd.s32 s3, s5;
	[dreg:$0x0] =	wrdreg $0x0  }
0xa8: {  	s5 =	sshll.u32 s28, $0x1;
	[dreg:$0x2] =	wrdreg s3  }
0xa9: {  	[dreg:$0x3] =	wrdreg s5  }
0xaa: {  	[dreg:$0x4] =	wrdreg $0xC0  }
0xab: {  	_ =	task [dreg:s7], $0x5FFFF  }
0xac: {  	[dreg:$0x1] =	wrdreg $0xFFFFFFFF  }
0xad: {  	[dreg:$0x0] =	wrdreg $0x60  }
0xae: {  	[dreg:$0x2] =	wrdreg s2  }
0xaf: {  	[dreg:$0x3] =	wrdreg s24  }
0xb0: {  	[dreg:$0x4] =	wrdreg $0x9  }
0xb1: {  	_ =	task.clear_ibuf [dreg:s7], $0x5FFFF;
	_ =	strace $0x90000046  }
0xb2: {  	s29 =	simm.s32 $0x9;
	_ =	strace $0x80000048  }
0xb3: {  	_ =	swait.ge [sflag:s29], $0x1  }
0xb4: {  	[sflag:s29] =	ssyncadd.s32 $0xFFFFFFFF  }
0xb5: {  	_ =	strace $0x90000048  }
0xb6: {  	_ =	sfence  }
0xb7: {  	s30 =	sld [smem:$0x0];
	_ =	sdelay $0x2  }
0xb8: {  	s31 =	sshll.u32 s1, $0xD;
	s1 =	sshrl.u32 s1, $0x2  }
0xb9: {  	s3 =	sand.u32 $0x4000, s31;
	s1 =	sadd.s32 s1, s30  }
0xba: {  	s0 =	sor.u32 s3, s0;
	s1 =	sshll.u32 s1, $0x11  }
0xbb: {  	s0 =	sor.u32 s1, s0  }
0xbc: {  	s0 =	sadd.s32 $0x8F2B, s0  }
0xbd: {  	[sflag:s0] =	ssyncadd.remote.s32 $0x1  }
0xbe: {  	_ =	sfence.sel $0xFFFF  }
0xbf: {  	[dreg:$0x0] =	wrdreg $0xFFFFFFFF;
	(pc) =	sbr.abs _section_cstart, $3  }
0xc0: {  	[dreg:$0x1] =	wrdreg $0xFFFFFFFF  }
0xc1: {  	_ =	task.clear_ibuf [dreg:s7], $0x2FFFF;
	_ =	strace $0x9FFFFFFF  }
0xc2: {  	(tm) =	ssettm $0x7FFFFFFF  }
0xc3: {  	_ =	shalt  }
tec
execute0_lowered:
.L_overlay_start_1:
0x0: {  	(tag) =	ssettag $0x1  }
0x1: {  	s3 =	rddreg [dreg:$0x0];
	s0 =	srdreg.scid  }
0x2: {  	s2 =	stileid.u32;
	s1 =	rddreg [dreg:$0x1]  }
0x3: {  	s9 =	simm.s32 $0x80;
	s8 =	simm.s32 $0x1;
	s11 =	simm.s32 $0x4680  }
0x4: {  	s12 =	simm.s32 $0x2;
	s31 =	simm.s32 $0x100;
	s30 =	simm.s32 $0x180  }
0x5: {  	s29 =	simm.s32 $0x200;
	s28 =	simm.s32 $0x280;
	p0 =	por $0x0, $0x0  }
0x6: {  	s23 =	simm.s32 $0x400;
	s21 =	simm.s32 $0x480;
	s19 =	simm.s32 $0x500  }
0x7: {  	s17 =	simm.s32 $0x580;
	s0 =	sand.u32 $0x1, s0;
	s4 =	sshll.u32 s2, $0x1  }
0x8: {  	s15 =	simm.s32 $0x600;
	s2 =	simm.s32 $0x0;
	s4 =	sor.u32 s0, s4  }
0x9: {  	[smem:$0x7FF] =	sst s2;
	s0 =	ssub.s32 $0x2, s0;
	s5 =	smul.u32 $0xD0, s4  }
0xa: {  	_ =	strace $0x80000047;
	s6 =	smul.u32 $0x34000, s4;
	s24 =	sshrl.u32 s0, $0x1  }
0xb: {  	s4 =	smul.u32 $0x6800, s4;
	s0 =	ssub.s32 s0, s24;
	s5 =	sadd.s32 s5, s1  }
0xc: {  	s1 =	sadd.s32 $0x5000, s1;
	s6 =	sshrl.u32 s6, $0x3;
	s0 =	smax.u32 s0, $0x1  }
0xd: {  	s5 =	sadd.s32 $0x3600, s5;
	s4 =	sadd.s32 s1, s4;
	s1 =	sadd.s32 s1, s6  }
0xe: {  	s6 =	simm.s32 $0x680;
	p1 =	sne.s32 s0, $0x1;
	[dreg:$0x3] =	wrdreg s5  }
0xf: {  	[dreg:$0x4] =	wrdreg s4;
	s25 =	sadd.s32 $0x800, s1;
	s26 =	sadd.s32 $0x1000, s1  }
0x10: {  	s24 =	sadd.s32 $0x1800, s1;
	s22 =	sadd.s32 $0x2000, s1;
	s20 =	sadd.s32 $0x2800, s1  }
.Ltmp0:
0x11: {  	s18 =	sadd.s32 $0x3000, s1;
	s16 =	sadd.s32 $0x3800, s1;
	(pc) =	sbr.rel @!p1 .LBB2_3-.Ltmp0, $4  }
0x12: {  	s14 =	sadd.s32 $0x4000, s1;
	s13 =	sadd.s32 $0x4800, s1;
	s10 =	sadd.s32 $0x5000, s1  }
0x13: {  	s7 =	sadd.s32 $0x5800, s1;
	s5 =	sadd.s32 $0x6000, s1;
	[dreg:$0x5] =	wrdreg s25  }
0x14: {  	s4 =	simm.s32 $0x3;
	s1 =	sadd.s32 $0xFFFFFFFF, s0;
	[dreg:$0x6] =	wrdreg s26  }
0x15: {  	s26 =	simm.s32 $0x300;
	s25 =	simm.s32 $0x380;
	s0 =	rddreg [dreg:$0x3]  }
0x16: {  	[tilespmem:s2], [sflag:$0x3] =	stream.linear.gather [hbm4b:s0+s2], $0x680, $0x38;
	[tilespmem:$0x8680] =	vst v63  }
0x17: {  	_ =	swait.ge [sflag:s4], $0x680  }
0x18: {  	[sflag:s4] =	ssyncset.done $0x0  }
0x19: {  	[sflag:s4] =	ssyncadd.s32 $0xFFFFF980  }
0x1a: {  	[tilespmem:s6], [sflag:$0x1] =	stream.indirect.gather [hbm4b:s3+s9], $0x80, s2, s9, $0xb8;
	[tilespmem:$0x8680] =	vst v63  }
0x1b: {  	_ =	swait.ge [sflag:s8], $0x4000  }
0x1c: {  	[sflag:s8] =	ssyncset.done $0x0  }
0x1d: {  	[sflag:s8] =	ssyncadd.s32 $0xFFFFC000  }
0x1e: {  	[tilespmem:s11], [sflag:$0x2] =	stream.indirect.gather [hbm4b:s3+s9], $0x80, s9, s9, $0xb8;
	[tilespmem:$0x8680] =	vst v63  }
0x1f: {  	s0 =	rddreg [dreg:$0x4]  }
0x20: {  	[hbm4b:s0+s2] =	stream.linear.scatter [tilespmem:s6], [sflag:$0x3], $0x4000, $0x38;
	[tilespmem:$0x8680] =	vst v63  }
0x21: {  	_ =	swait.ge [sflag:s4], $0x4000  }
0x22: {  	[sflag:s4] =	ssyncset.done $0x0  }
0x23: {  	[sflag:s4] =	ssyncadd.s32 $0xFFFFC000  }
0x24: {  	_ =	swait.ge [sflag:s12], $0x4000  }
0x25: {  	[sflag:s12] =	ssyncset.done $0x0  }
0x26: {  	[sflag:s12] =	ssyncadd.s32 $0xFFFFC000  }
0x27: {  	[tilespmem:s6], [sflag:$0x1] =	stream.indirect.gather [hbm4b:s3+s9], $0x80, s31, s9, $0xb8;
	[tilespmem:$0x8680] =	vst v63  }
0x28: {  	s0 =	rddreg [dreg:$0x5]  }
0x29: {  	[hbm4b:s0+s2] =	stream.linear.scatter [tilespmem:s11], [sflag:$0x3], $0x4000, $0x38;
	[tilespmem:$0x8680] =	vst v63  }
0x2a: {  	_ =	swait.ge [sflag:s4], $0x4000  }
0x2b: {  	[sflag:s4] =	ssyncset.done $0x0  }
0x2c: {  	[sflag:s4] =	ssyncadd.s32 $0xFFFFC000  }
0x2d: {  	_ =	swait.ge [sflag:s8], $0x4000  }
0x2e: {  	[sflag:s8] =	ssyncset.done $0x0  }
0x2f: {  	[sflag:s8] =	ssyncadd.s32 $0xFFFFC000  }
0x30: {  	[tilespmem:s11], [sflag:$0x2] =	stream.indirect.gather [hbm4b:s3+s9], $0x80, s30, s9, $0xb8;
	[tilespmem:$0x8680] =	vst v63  }
0x31: {  	s0 =	rddreg [dreg:$0x6]  }
0x32: {  	[hbm4b:s0+s2] =	stream.linear.scatter [tilespmem:s6], [sflag:$0x3], $0x4000, $0x38;
	[tilespmem:$0x8680] =	vst v63  }
0x33: {  	_ =	swait.ge [sflag:s4], $0x4000  }
0x34: {  	[sflag:s4] =	ssyncset.done $0x0  }
0x35: {  	[sflag:s4] =	ssyncadd.s32 $0xFFFFC000  }
0x36: {  	_ =	swait.ge [sflag:s12], $0x4000  }
0x37: {  	[sflag:s12] =	ssyncset.done $0x0  }
0x38: {  	[sflag:s12] =	ssyncadd.s32 $0xFFFFC000  }
0x39: {  	[tilespmem:s6], [sflag:$0x1] =	stream.indirect.gather [hbm4b:s3+s9], $0x80, s29, s9, $0xb8;
	[tilespmem:$0x8680] =	vst v63  }
0x3a: {  	_ = 	snop  }
0x3b: {  	[hbm4b:s24+s2] =	stream.linear.scatter [tilespmem:s11], [sflag:$0x3], $0x4000, $0x38;
	[tilespmem:$0x8680] =	vst v63  }
0x3c: {  	_ =	swait.ge [sflag:s4], $0x4000  }
0x3d: {  	[sflag:s4] =	ssyncset.done $0x0  }
0x3e: {  	[sflag:s4] =	ssyncadd.s32 $0xFFFFC000  }
0x3f: {  	_ =	swait.ge [sflag:s8], $0x4000  }
0x40: {  	[sflag:s8] =	ssyncset.done $0x0  }
0x41: {  	[sflag:s8] =	ssyncadd.s32 $0xFFFFC000  }
0x42: {  	[tilespmem:s11], [sflag:$0x2] =	stream.indirect.gather [hbm4b:s3+s9], $0x80, s28, s9, $0xb8;
	[tilespmem:$0x8680] =	vst v63  }
0x43: {  	_ = 	snop  }
0x44: {  	[hbm4b:s22+s2] =	stream.linear.scatter [tilespmem:s6], [sflag:$0x3], $0x4000, $0x38;
	[tilespmem:$0x8680] =	vst v63  }
0x45: {  	_ =	swait.ge [sflag:s4], $0x4000  }
0x46: {  	[sflag:s4] =	ssyncset.done $0x0  }
0x47: {  	[sflag:s4] =	ssyncadd.s32 $0xFFFFC000  }
0x48: {  	_ =	swait.ge [sflag:s12], $0x4000  }
0x49: {  	[sflag:s12] =	ssyncset.done $0x0  }
0x4a: {  	[sflag:s12] =	ssyncadd.s32 $0xFFFFC000  }
0x4b: {  	[tilespmem:s6], [sflag:$0x1] =	stream.indirect.gather [hbm4b:s3+s9], $0x80, s26, s9, $0xb8;
	[tilespmem:$0x8680] =	vst v63  }
0x4c: {  	_ = 	snop  }
0x4d: {  	[hbm4b:s20+s2] =	stream.linear.scatter [tilespmem:s11], [sflag:$0x3], $0x4000, $0x38;
	[tilespmem:$0x8680] =	vst v63  }
0x4e: {  	_ =	swait.ge [sflag:s4], $0x4000  }
0x4f: {  	[sflag:s4] =	ssyncset.done $0x0  }
0x50: {  	[sflag:s4] =	ssyncadd.s32 $0xFFFFC000  }
0x51: {  	_ =	swait.ge [sflag:s8], $0x4000  }
0x52: {  	[sflag:s8] =	ssyncset.done $0x0  }
0x53: {  	[sflag:s8] =	ssyncadd.s32 $0xFFFFC000  }
0x54: {  	[tilespmem:s11], [sflag:$0x2] =	stream.indirect.gather [hbm4b:s3+s9], $0x80, s25, s9, $0xb8;
	[tilespmem:$0x8680] =	vst v63  }
0x55: {  	_ = 	snop  }
0x56: {  	[hbm4b:s18+s2] =	stream.linear.scatter [tilespmem:s6], [sflag:$0x3], $0x4000, $0x38;
	[tilespmem:$0x8680] =	vst v63  }
0x57: {  	_ =	swait.ge [sflag:s4], $0x4000  }
0x58: {  	[sflag:s4] =	ssyncset.done $0x0  }
0x59: {  	[sflag:s4] =	ssyncadd.s32 $0xFFFFC000  }
0x5a: {  	_ =	swait.ge [sflag:s12], $0x4000  }
0x5b: {  	[sflag:s12] =	ssyncset.done $0x0  }
0x5c: {  	[sflag:s12] =	ssyncadd.s32 $0xFFFFC000  }
0x5d: {  	[tilespmem:s6], [sflag:$0x1] =	stream.indirect.gather [hbm4b:s3+s9], $0x80, s23, s9, $0xb8;
	[tilespmem:$0x8680] =	vst v63  }
0x5e: {  	_ = 	snop  }
0x5f: {  	[hbm4b:s16+s2] =	stream.linear.scatter [tilespmem:s11], [sflag:$0x3], $0x4000, $0x38;
	[tilespmem:$0x8680] =	vst v63  }
0x60: {  	_ =	swait.ge [sflag:s4], $0x4000  }
0x61: {  	[sflag:s4] =	ssyncset.done $0x0  }
0x62: {  	[sflag:s4] =	ssyncadd.s32 $0xFFFFC000  }
0x63: {  	_ =	swait.ge [sflag:s8], $0x4000  }
0x64: {  	[sflag:s8] =	ssyncset.done $0x0  }
0x65: {  	[sflag:s8] =	ssyncadd.s32 $0xFFFFC000  }
0x66: {  	[tilespmem:s11], [sflag:$0x2] =	stream.indirect.gather [hbm4b:s3+s9], $0x80, s21, s9, $0xb8;
	[tilespmem:$0x8680] =	vst v63  }
0x67: {  	_ = 	snop  }
0x68: {  	[hbm4b:s14+s2] =	stream.linear.scatter [tilespmem:s6], [sflag:$0x3], $0x4000, $0x38;
	[tilespmem:$0x8680] =	vst v63  }
0x69: {  	_ =	swait.ge [sflag:s4], $0x4000  }
0x6a: {  	[sflag:s4] =	ssyncset.done $0x0  }
0x6b: {  	[sflag:s4] =	ssyncadd.s32 $0xFFFFC000  }
0x6c: {  	_ =	swait.ge [sflag:s12], $0x4000  }
0x6d: {  	[sflag:s12] =	ssyncset.done $0x0  }
0x6e: {  	[sflag:s12] =	ssyncadd.s32 $0xFFFFC000  }
0x6f: {  	[tilespmem:s6], [sflag:$0x1] =	stream.indirect.gather [hbm4b:s3+s9], $0x80, s19, s9, $0xb8;
	[tilespmem:$0x8680] =	vst v63  }
0x70: {  	_ = 	snop  }
0x71: {  	[hbm4b:s13+s2] =	stream.linear.scatter [tilespmem:s11], [sflag:$0x3], $0x4000, $0x38;
	[tilespmem:$0x8680] =	vst v63  }
0x72: {  	_ =	swait.ge [sflag:s4], $0x4000  }
0x73: {  	[sflag:s4] =	ssyncset.done $0x0  }
0x74: {  	[sflag:s4] =	ssyncadd.s32 $0xFFFFC000  }
0x75: {  	_ =	swait.ge [sflag:s8], $0x4000  }
0x76: {  	[sflag:s8] =	ssyncset.done $0x0  }
0x77: {  	[sflag:s8] =	ssyncadd.s32 $0xFFFFC000  }
0x78: {  	[tilespmem:s11], [sflag:$0x2] =	stream.indirect.gather [hbm4b:s3+s9], $0x80, s17, s9, $0xb8;
	[tilespmem:$0x8680] =	vst v63  }
0x79: {  	_ = 	snop  }
0x7a: {  	[hbm4b:s10+s2] =	stream.linear.scatter [tilespmem:s6], [sflag:$0x3], $0x4000, $0x38;
	[tilespmem:$0x8680] =	vst v63  }
0x7b: {  	_ =	swait.ge [sflag:s4], $0x4000  }
0x7c: {  	[sflag:s4] =	ssyncset.done $0x0  }
0x7d: {  	[sflag:s4] =	ssyncadd.s32 $0xFFFFC000  }
0x7e: {  	_ =	swait.ge [sflag:s12], $0x4000  }
0x7f: {  	[sflag:s12] =	ssyncset.done $0x0  }
0x80: {  	[sflag:s12] =	ssyncadd.s32 $0xFFFFC000  }
0x81: {  	[tilespmem:s6], [sflag:$0x1] =	stream.indirect.gather [hbm4b:s3+s9], $0x80, s15, s9, $0xb8;
	[tilespmem:$0x8680] =	vst v63  }
0x82: {  	_ = 	snop  }
0x83: {  	[hbm4b:s7+s2] =	stream.linear.scatter [tilespmem:s11], [sflag:$0x3], $0x4000, $0x38;
	[tilespmem:$0x8680] =	vst v63  }
0x84: {  	_ =	swait.ge [sflag:s4], $0x4000  }
0x85: {  	[sflag:s4] =	ssyncset.done $0x0  }
0x86: {  	[sflag:s4] =	ssyncadd.s32 $0xFFFFC000  }
0x87: {  	p1 =	sne.s32 s1, $0x1;
	_ =	swait.ge [sflag:s8], $0x4000  }
.Ltmp1:
0x88: {  	[sflag:s8] =	ssyncset.done $0x0;
	(pc) =	sbr.rel @!p1 .LBB2_3-.Ltmp1, $4  }
0x89: {  	[sflag:s8] =	ssyncadd.s32 $0xFFFFC000  }
0x8a: {  	[hbm4b:s5+s2] =	stream.linear.scatter [tilespmem:s6], [sflag:$0x3], $0x4000, $0x38;
	[tilespmem:$0x8680] =	vst v63  }
0x8b: {  	s1 =	sadd.s32 $0xFFFFFFFF, s1;
	_ =	swait.ge [sflag:s4], $0x4000  }
0x8c: {  	p0 =	por $0x1, $0x1;
	s0 =	rddreg [dreg:$0x3];
	[sflag:s4] =	ssyncset.done $0x0  }
.LBB2_2:
0x8d: {  	[sflag:s4] =	ssyncadd.s32 $0xFFFFC000  }
0x8e: {  	[tilespmem:s2], [sflag:$0x3] =	stream.linear.gather [hbm4b:s0+s2], $0x680, $0x38;
	[tilespmem:$0x8680] =	vst v63  }
0x8f: {  	_ =	swait.ge [sflag:s4], $0x680  }
0x90: {  	[sflag:s4] =	ssyncset.done $0x0  }
0x91: {  	[sflag:s4] =	ssyncadd.s32 $0xFFFFF980  }
0x92: {  	[tilespmem:s6], [sflag:$0x1] =	stream.indirect.gather [hbm4b:s3+s9], $0x80, s2, s9, $0xb8;
	[tilespmem:$0x8680] =	vst v63  }
0x93: {  	_ =	swait.ge [sflag:s8], $0x4000  }
0x94: {  	[sflag:s8] =	ssyncset.done $0x0  }
0x95: {  	[sflag:s8] =	ssyncadd.s32 $0xFFFFC000  }
0x96: {  	[tilespmem:s11], [sflag:$0x2] =	stream.indirect.gather [hbm4b:s3+s9], $0x80, s9, s9, $0xb8;
	[tilespmem:$0x8680] =	vst v63  }
0x97: {  	s0 =	rddreg [dreg:$0x4]  }
0x98: {  	[hbm4b:s0+s2] =	stream.linear.scatter [tilespmem:s6], [sflag:$0x3], $0x4000, $0x38;
	[tilespmem:$0x8680] =	vst v63  }
0x99: {  	_ =	swait.ge [sflag:s4], $0x4000  }
0x9a: {  	[sflag:s4] =	ssyncset.done $0x0  }
0x9b: {  	[sflag:s4] =	ssyncadd.s32 $0xFFFFC000  }
0x9c: {  	_ =	swait.ge [sflag:s12], $0x4000  }
0x9d: {  	[sflag:s12] =	ssyncset.done $0x0  }
0x9e: {  	[sflag:s12] =	ssyncadd.s32 $0xFFFFC000  }
0x9f: {  	[tilespmem:s6], [sflag:$0x1] =	stream.indirect.gather [hbm4b:s3+s9], $0x80, s31, s9, $0xb8;
	[tilespmem:$0x8680] =	vst v63  }
0xa0: {  	s0 =	rddreg [dreg:$0x5]  }
0xa1: {  	[hbm4b:s0+s2] =	stream.linear.scatter [tilespmem:s11], [sflag:$0x3], $0x4000, $0x38;
	[tilespmem:$0x8680] =	vst v63  }
0xa2: {  	_ =	swait.ge [sflag:s4], $0x4000  }
0xa3: {  	[sflag:s4] =	ssyncset.done $0x0  }
0xa4: {  	[sflag:s4] =	ssyncadd.s32 $0xFFFFC000  }
0xa5: {  	_ =	swait.ge [sflag:s8], $0x4000  }
0xa6: {  	[sflag:s8] =	ssyncset.done $0x0  }
0xa7: {  	[sflag:s8] =	ssyncadd.s32 $0xFFFFC000  }
0xa8: {  	[tilespmem:s11], [sflag:$0x2] =	stream.indirect.gather [hbm4b:s3+s9], $0x80, s30, s9, $0xb8;
	[tilespmem:$0x8680] =	vst v63  }
0xa9: {  	s0 =	rddreg [dreg:$0x6]  }
0xaa: {  	[hbm4b:s0+s2] =	stream.linear.scatter [tilespmem:s6], [sflag:$0x3], $0x4000, $0x38;
	[tilespmem:$0x8680] =	vst v63  }
0xab: {  	_ =	swait.ge [sflag:s4], $0x4000  }
0xac: {  	[sflag:s4] =	ssyncset.done $0x0  }
0xad: {  	[sflag:s4] =	ssyncadd.s32 $0xFFFFC000  }
0xae: {  	_ =	swait.ge [sflag:s12], $0x4000  }
0xaf: {  	[sflag:s12] =	ssyncset.done $0x0  }
0xb0: {  	[sflag:s12] =	ssyncadd.s32 $0xFFFFC000  }
0xb1: {  	[tilespmem:s6], [sflag:$0x1] =	stream.indirect.gather [hbm4b:s3+s9], $0x80, s29, s9, $0xb8;
	[tilespmem:$0x8680] =	vst v63  }
0xb2: {  	_ = 	snop  }
0xb3: {  	[hbm4b:s24+s2] =	stream.linear.scatter [tilespmem:s11], [sflag:$0x3], $0x4000, $0x38;
	[tilespmem:$0x8680] =	vst v63  }
0xb4: {  	_ =	swait.ge [sflag:s4], $0x4000  }
0xb5: {  	[sflag:s4] =	ssyncset.done $0x0  }
0xb6: {  	[sflag:s4] =	ssyncadd.s32 $0xFFFFC000  }
0xb7: {  	_ =	swait.ge [sflag:s8], $0x4000  }
0xb8: {  	[sflag:s8] =	ssyncset.done $0x0  }
0xb9: {  	[sflag:s8] =	ssyncadd.s32 $0xFFFFC000  }
0xba: {  	[tilespmem:s11], [sflag:$0x2] =	stream.indirect.gather [hbm4b:s3+s9], $0x80, s28, s9, $0xb8;
	[tilespmem:$0x8680] =	vst v63  }
0xbb: {  	_ = 	snop  }
0xbc: {  	[hbm4b:s22+s2] =	stream.linear.scatter [tilespmem:s6], [sflag:$0x3], $0x4000, $0x38;
	[tilespmem:$0x8680] =	vst v63  }
0xbd: {  	_ =	swait.ge [sflag:s4], $0x4000  }
0xbe: {  	[sflag:s4] =	ssyncset.done $0x0  }
0xbf: {  	[sflag:s4] =	ssyncadd.s32 $0xFFFFC000  }
0xc0: {  	_ =	swait.ge [sflag:s12], $0x4000  }
0xc1: {  	[sflag:s12] =	ssyncset.done $0x0  }
0xc2: {  	[sflag:s12] =	ssyncadd.s32 $0xFFFFC000  }
0xc3: {  	[tilespmem:s6], [sflag:$0x1] =	stream.indirect.gather [hbm4b:s3+s9], $0x80, s26, s9, $0xb8;
	[tilespmem:$0x8680] =	vst v63  }
0xc4: {  	_ = 	snop  }
0xc5: {  	[hbm4b:s20+s2] =	stream.linear.scatter [tilespmem:s11], [sflag:$0x3], $0x4000, $0x38;
	[tilespmem:$0x8680] =	vst v63  }
0xc6: {  	_ =	swait.ge [sflag:s4], $0x4000  }
0xc7: {  	[sflag:s4] =	ssyncset.done $0x0  }
0xc8: {  	[sflag:s4] =	ssyncadd.s32 $0xFFFFC000  }
0xc9: {  	_ =	swait.ge [sflag:s8], $0x4000  }
0xca: {  	[sflag:s8] =	ssyncset.done $0x0  }
0xcb: {  	[sflag:s8] =	ssyncadd.s32 $0xFFFFC000  }
0xcc: {  	[tilespmem:s11], [sflag:$0x2] =	stream.indirect.gather [hbm4b:s3+s9], $0x80, s25, s9, $0xb8;
	[tilespmem:$0x8680] =	vst v63  }
0xcd: {  	_ = 	snop  }
0xce: {  	[hbm4b:s18+s2] =	stream.linear.scatter [tilespmem:s6], [sflag:$0x3], $0x4000, $0x38;
	[tilespmem:$0x8680] =	vst v63  }
0xcf: {  	_ =	swait.ge [sflag:s4], $0x4000  }
0xd0: {  	[sflag:s4] =	ssyncset.done $0x0  }
0xd1: {  	[sflag:s4] =	ssyncadd.s32 $0xFFFFC000  }
0xd2: {  	_ =	swait.ge [sflag:s12], $0x4000  }
0xd3: {  	[sflag:s12] =	ssyncset.done $0x0  }
0xd4: {  	[sflag:s12] =	ssyncadd.s32 $0xFFFFC000  }
0xd5: {  	[tilespmem:s6], [sflag:$0x1] =	stream.indirect.gather [hbm4b:s3+s9], $0x80, s23, s9, $0xb8;
	[tilespmem:$0x8680] =	vst v63  }
0xd6: {  	_ = 	snop  }
0xd7: {  	[hbm4b:s16+s2] =	stream.linear.scatter [tilespmem:s11], [sflag:$0x3], $0x4000, $0x38;
	[tilespmem:$0x8680] =	vst v63  }
0xd8: {  	_ =	swait.ge [sflag:s4], $0x4000  }
0xd9: {  	[sflag:s4] =	ssyncset.done $0x0  }
0xda: {  	[sflag:s4] =	ssyncadd.s32 $0xFFFFC000  }
0xdb: {  	_ =	swait.ge [sflag:s8], $0x4000  }
0xdc: {  	[sflag:s8] =	ssyncset.done $0x0  }
0xdd: {  	[sflag:s8] =	ssyncadd.s32 $0xFFFFC000  }
0xde: {  	[tilespmem:s11], [sflag:$0x2] =	stream.indirect.gather [hbm4b:s3+s9], $0x80, s21, s9, $0xb8;
	[tilespmem:$0x8680] =	vst v63  }
0xdf: {  	_ = 	snop  }
0xe0: {  	[hbm4b:s14+s2] =	stream.linear.scatter [tilespmem:s6], [sflag:$0x3], $0x4000, $0x38;
	[tilespmem:$0x8680] =	vst v63  }
0xe1: {  	_ =	swait.ge [sflag:s4], $0x4000  }
0xe2: {  	[sflag:s4] =	ssyncset.done $0x0  }
0xe3: {  	[sflag:s4] =	ssyncadd.s32 $0xFFFFC000  }
0xe4: {  	_ =	swait.ge [sflag:s12], $0x4000  }
0xe5: {  	[sflag:s12] =	ssyncset.done $0x0  }
0xe6: {  	[sflag:s12] =	ssyncadd.s32 $0xFFFFC000  }
0xe7: {  	[tilespmem:s6], [sflag:$0x1] =	stream.indirect.gather [hbm4b:s3+s9], $0x80, s19, s9, $0xb8;
	[tilespmem:$0x8680] =	vst v63  }
0xe8: {  	_ = 	snop  }
0xe9: {  	[hbm4b:s13+s2] =	stream.linear.scatter [tilespmem:s11], [sflag:$0x3], $0x4000, $0x38;
	[tilespmem:$0x8680] =	vst v63  }
0xea: {  	_ =	swait.ge [sflag:s4], $0x4000  }
0xeb: {  	[sflag:s4] =	ssyncset.done $0x0  }
0xec: {  	[sflag:s4] =	ssyncadd.s32 $0xFFFFC000  }
0xed: {  	_ =	swait.ge [sflag:s8], $0x4000  }
0xee: {  	[sflag:s8] =	ssyncset.done $0x0  }
0xef: {  	[sflag:s8] =	ssyncadd.s32 $0xFFFFC000  }
0xf0: {  	[tilespmem:s11], [sflag:$0x2] =	stream.indirect.gather [hbm4b:s3+s9], $0x80, s17, s9, $0xb8;
	[tilespmem:$0x8680] =	vst v63  }
0xf1: {  	_ = 	snop  }
0xf2: {  	[hbm4b:s10+s2] =	stream.linear.scatter [tilespmem:s6], [sflag:$0x3], $0x4000, $0x38;
	[tilespmem:$0x8680] =	vst v63  }
0xf3: {  	_ =	swait.ge [sflag:s4], $0x4000  }
0xf4: {  	[sflag:s4] =	ssyncset.done $0x0  }
0xf5: {  	[sflag:s4] =	ssyncadd.s32 $0xFFFFC000  }
0xf6: {  	_ =	swait.ge [sflag:s12], $0x4000  }
0xf7: {  	[sflag:s12] =	ssyncset.done $0x0  }
0xf8: {  	[sflag:s12] =	ssyncadd.s32 $0xFFFFC000  }
0xf9: {  	[tilespmem:s6], [sflag:$0x1] =	stream.indirect.gather [hbm4b:s3+s9], $0x80, s15, s9, $0xb8;
	[tilespmem:$0x8680] =	vst v63  }
0xfa: {  	_ = 	snop  }
0xfb: {  	[hbm4b:s7+s2] =	stream.linear.scatter [tilespmem:s11], [sflag:$0x3], $0x4000, $0x38;
	[tilespmem:$0x8680] =	vst v63  }
0xfc: {  	_ =	swait.ge [sflag:s4], $0x4000  }
0xfd: {  	[sflag:s4] =	ssyncset.done $0x0  }
0xfe: {  	[sflag:s4] =	ssyncadd.s32 $0xFFFFC000  }
0xff: {  	p1 =	sne.s32 s1, $0x1;
	_ =	swait.ge [sflag:s8], $0x4000  }
.Ltmp2:
0x100: {  	[sflag:s8] =	ssyncset.done $0x0;
	(pc) =	sbr.rel @p1 .LBB2_2-.Ltmp2, $4  }
0x101: {  	[sflag:s8] =	ssyncadd.s32 $0xFFFFC000  }
0x102: {  	[hbm4b:s5+s2] =	stream.linear.scatter [tilespmem:s6], [sflag:$0x3], $0x4000, $0x38;
	[tilespmem:$0x8680] =	vst v63  }
0x103: {  	_ =	swait.ge [sflag:s4], $0x4000  }
0x104: {  	s1 =	sadd.s32 $0xFFFFFFFF, s1;
	s0 =	rddreg [dreg:$0x3];
	[sflag:s4] =	ssyncset.done $0x0  }
.LBB2_3:
0x105: {  	[sflag:s4] =	ssyncadd.s32 @p0 $0xFFFFC000  }
0x106: {  	[tilespmem:s2], [sflag:$0x3] =	stream.linear.gather [hbm4b:s0+s2], $0x680, $0x38;
	[tilespmem:$0x8680] =	vst v63  }
0x107: {  	_ =	swait.ge [sflag:s4], $0x680  }
0x108: {  	[sflag:s4] =	ssyncset.done $0x0  }
0x109: {  	[sflag:s4] =	ssyncadd.s32 $0xFFFFF980  }
0x10a: {  	[tilespmem:s6], [sflag:$0x1] =	stream.indirect.gather [hbm4b:s3+s9], $0x80, s2, s9, $0xb8;
	[tilespmem:$0x8680] =	vst v63  }
0x10b: {  	_ =	swait.ge [sflag:s8], $0x4000  }
0x10c: {  	[sflag:s8] =	ssyncset.done $0x0  }
0x10d: {  	[sflag:s8] =	ssyncadd.s32 $0xFFFFC000  }
0x10e: {  	[tilespmem:s11], [sflag:$0x2] =	stream.indirect.gather [hbm4b:s3+s9], $0x80, s9, s9, $0xb8;
	[tilespmem:$0x8680] =	vst v63  }
0x10f: {  	s1 =	rddreg [dreg:$0x4]  }
0x110: {  	[hbm4b:s1+s2] =	stream.linear.scatter [tilespmem:s6], [sflag:$0x3], $0x4000, $0x38;
	[tilespmem:$0x8680] =	vst v63  }
0x111: {  	_ =	swait.ge [sflag:s4], $0x4000  }
0x112: {  	[sflag:s4] =	ssyncset.done $0x0  }
0x113: {  	[sflag:s4] =	ssyncadd.s32 $0xFFFFC000  }
0x114: {  	_ =	swait.ge [sflag:s12], $0x4000  }
0x115: {  	[sflag:s12] =	ssyncset.done $0x0  }
0x116: {  	[sflag:s12] =	ssyncadd.s32 $0xFFFFC000  }
0x117: {  	[tilespmem:s6], [sflag:$0x1] =	stream.indirect.gather [hbm4b:s3+s9], $0x80, s31, s9, $0xb8;
	[tilespmem:$0x8680] =	vst v63  }
0x118: {  	s1 =	rddreg [dreg:$0x5]  }
0x119: {  	[hbm4b:s1+s2] =	stream.linear.scatter [tilespmem:s11], [sflag:$0x3], $0x4000, $0x38;
	[tilespmem:$0x8680] =	vst v63  }
0x11a: {  	_ =	swait.ge [sflag:s4], $0x4000  }
0x11b: {  	[sflag:s4] =	ssyncset.done $0x0  }
0x11c: {  	[sflag:s4] =	ssyncadd.s32 $0xFFFFC000  }
0x11d: {  	_ =	swait.ge [sflag:s8], $0x4000  }
0x11e: {  	[sflag:s8] =	ssyncset.done $0x0  }
0x11f: {  	[sflag:s8] =	ssyncadd.s32 $0xFFFFC000  }
0x120: {  	[tilespmem:s11], [sflag:$0x2] =	stream.indirect.gather [hbm4b:s3+s9], $0x80, s30, s9, $0xb8;
	[tilespmem:$0x8680] =	vst v63  }
0x121: {  	s1 =	rddreg [dreg:$0x6]  }
0x122: {  	[hbm4b:s1+s2] =	stream.linear.scatter [tilespmem:s6], [sflag:$0x3], $0x4000, $0x38;
	[tilespmem:$0x8680] =	vst v63  }
0x123: {  	_ =	swait.ge [sflag:s4], $0x4000  }
0x124: {  	[sflag:s4] =	ssyncset.done $0x0  }
0x125: {  	[sflag:s4] =	ssyncadd.s32 $0xFFFFC000  }
0x126: {  	_ =	swait.ge [sflag:s12], $0x4000  }
0x127: {  	[sflag:s12] =	ssyncset.done $0x0  }
0x128: {  	[sflag:s12] =	ssyncadd.s32 $0xFFFFC000  }
0x129: {  	[tilespmem:s6], [sflag:$0x1] =	stream.indirect.gather [hbm4b:s3+s9], $0x80, s29, s9, $0xb8;
	[tilespmem:$0x8680] =	vst v63  }
0x12a: {  	_ = 	snop  }
0x12b: {  	[hbm4b:s24+s2] =	stream.linear.scatter [tilespmem:s11], [sflag:$0x3], $0x4000, $0x38;
	[tilespmem:$0x8680] =	vst v63  }
0x12c: {  	_ =	swait.ge [sflag:s4], $0x4000  }
0x12d: {  	[sflag:s4] =	ssyncset.done $0x0  }
0x12e: {  	[sflag:s4] =	ssyncadd.s32 $0xFFFFC000  }
0x12f: {  	_ =	swait.ge [sflag:s8], $0x4000  }
0x130: {  	[sflag:s8] =	ssyncset.done $0x0  }
0x131: {  	[sflag:s8] =	ssyncadd.s32 $0xFFFFC000  }
0x132: {  	[tilespmem:s11], [sflag:$0x2] =	stream.indirect.gather [hbm4b:s3+s9], $0x80, s28, s9, $0xb8;
	[tilespmem:$0x8680] =	vst v63  }
0x133: {  	_ = 	snop  }
0x134: {  	[hbm4b:s22+s2] =	stream.linear.scatter [tilespmem:s6], [sflag:$0x3], $0x4000, $0x38;
	[tilespmem:$0x8680] =	vst v63  }
0x135: {  	_ =	swait.ge [sflag:s4], $0x4000  }
0x136: {  	[sflag:s4] =	ssyncset.done $0x0  }
0x137: {  	[sflag:s4] =	ssyncadd.s32 $0xFFFFC000  }
0x138: {  	_ =	swait.ge [sflag:s12], $0x4000  }
0x139: {  	[sflag:s12] =	ssyncset.done $0x0  }
0x13a: {  	[sflag:s12] =	ssyncadd.s32 $0xFFFFC000  }
0x13b: {  	[tilespmem:s6], [sflag:$0x1] =	stream.indirect.gather [hbm4b:s3+s9], $0x80, s26, s9, $0xb8;
	[tilespmem:$0x8680] =	vst v63  }
0x13c: {  	_ = 	snop  }
0x13d: {  	[hbm4b:s20+s2] =	stream.linear.scatter [tilespmem:s11], [sflag:$0x3], $0x4000, $0x38;
	[tilespmem:$0x8680] =	vst v63  }
0x13e: {  	_ =	swait.ge [sflag:s4], $0x4000  }
0x13f: {  	[sflag:s4] =	ssyncset.done $0x0  }
0x140: {  	[sflag:s4] =	ssyncadd.s32 $0xFFFFC000  }
0x141: {  	_ =	swait.ge [sflag:s8], $0x4000  }
0x142: {  	[sflag:s8] =	ssyncset.done $0x0  }
0x143: {  	[sflag:s8] =	ssyncadd.s32 $0xFFFFC000  }
0x144: {  	[tilespmem:s11], [sflag:$0x2] =	stream.indirect.gather [hbm4b:s3+s9], $0x80, s25, s9, $0xb8;
	[tilespmem:$0x8680] =	vst v63  }
0x145: {  	_ = 	snop  }
0x146: {  	[hbm4b:s18+s2] =	stream.linear.scatter [tilespmem:s6], [sflag:$0x3], $0x4000, $0x38;
	[tilespmem:$0x8680] =	vst v63  }
0x147: {  	_ =	swait.ge [sflag:s4], $0x4000  }
0x148: {  	[sflag:s4] =	ssyncset.done $0x0  }
0x149: {  	[sflag:s4] =	ssyncadd.s32 $0xFFFFC000  }
0x14a: {  	_ =	swait.ge [sflag:s12], $0x4000  }
0x14b: {  	[sflag:s12] =	ssyncset.done $0x0  }
0x14c: {  	[sflag:s12] =	ssyncadd.s32 $0xFFFFC000  }
0x14d: {  	[tilespmem:s6], [sflag:$0x1] =	stream.indirect.gather [hbm4b:s3+s9], $0x80, s23, s9, $0xb8;
	[tilespmem:$0x8680] =	vst v63  }
0x14e: {  	_ = 	snop  }
0x14f: {  	[hbm4b:s16+s2] =	stream.linear.scatter [tilespmem:s11], [sflag:$0x3], $0x4000, $0x38;
	[tilespmem:$0x8680] =	vst v63  }
0x150: {  	_ =	swait.ge [sflag:s4], $0x4000  }
0x151: {  	[sflag:s4] =	ssyncset.done $0x0  }
0x152: {  	[sflag:s4] =	ssyncadd.s32 $0xFFFFC000  }
0x153: {  	_ =	swait.ge [sflag:s8], $0x4000  }
0x154: {  	[sflag:s8] =	ssyncset.done $0x0  }
0x155: {  	[sflag:s8] =	ssyncadd.s32 $0xFFFFC000  }
0x156: {  	[tilespmem:s11], [sflag:$0x2] =	stream.indirect.gather [hbm4b:s3+s9], $0x80, s21, s9, $0xb8;
	[tilespmem:$0x8680] =	vst v63  }
0x157: {  	_ = 	snop  }
0x158: {  	[hbm4b:s14+s2] =	stream.linear.scatter [tilespmem:s6], [sflag:$0x3], $0x4000, $0x38;
	[tilespmem:$0x8680] =	vst v63  }
0x159: {  	_ =	swait.ge [sflag:s4], $0x4000  }
0x15a: {  	[sflag:s4] =	ssyncset.done $0x0  }
0x15b: {  	[sflag:s4] =	ssyncadd.s32 $0xFFFFC000  }
0x15c: {  	_ =	swait.ge [sflag:s12], $0x4000  }
0x15d: {  	[sflag:s12] =	ssyncset.done $0x0  }
0x15e: {  	[sflag:s12] =	ssyncadd.s32 $0xFFFFC000  }
0x15f: {  	[tilespmem:s6], [sflag:$0x1] =	stream.indirect.gather [hbm4b:s3+s9], $0x80, s19, s9, $0xb8;
	[tilespmem:$0x8680] =	vst v63  }
0x160: {  	_ = 	snop  }
0x161: {  	[hbm4b:s13+s2] =	stream.linear.scatter [tilespmem:s11], [sflag:$0x3], $0x4000, $0x38;
	[tilespmem:$0x8680] =	vst v63  }
0x162: {  	_ =	swait.ge [sflag:s4], $0x4000  }
0x163: {  	[sflag:s4] =	ssyncset.done $0x0  }
0x164: {  	[sflag:s4] =	ssyncadd.s32 $0xFFFFC000  }
0x165: {  	_ =	swait.ge [sflag:s8], $0x4000  }
0x166: {  	[sflag:s8] =	ssyncset.done $0x0  }
0x167: {  	[sflag:s8] =	ssyncadd.s32 $0xFFFFC000  }
0x168: {  	[tilespmem:s11], [sflag:$0x2] =	stream.indirect.gather [hbm4b:s3+s9], $0x80, s17, s9, $0xb8;
	[tilespmem:$0x8680] =	vst v63  }
0x169: {  	_ = 	snop  }
0x16a: {  	[hbm4b:s10+s2] =	stream.linear.scatter [tilespmem:s6], [sflag:$0x3], $0x4000, $0x38;
	[tilespmem:$0x8680] =	vst v63  }
0x16b: {  	_ =	swait.ge [sflag:s4], $0x4000  }
0x16c: {  	[sflag:s4] =	ssyncset.done $0x0  }
0x16d: {  	[sflag:s4] =	ssyncadd.s32 $0xFFFFC000  }
0x16e: {  	_ =	swait.ge [sflag:s12], $0x4000  }
0x16f: {  	[sflag:s12] =	ssyncset.done $0x0  }
0x170: {  	[sflag:s12] =	ssyncadd.s32 $0xFFFFC000  }
0x171: {  	[tilespmem:s6], [sflag:$0x1] =	stream.indirect.gather [hbm4b:s3+s9], $0x80, s15, s9, $0xb8;
	[tilespmem:$0x8680] =	vst v63  }
0x172: {  	_ = 	snop  }
0x173: {  	[hbm4b:s7+s2] =	stream.linear.scatter [tilespmem:s11], [sflag:$0x3], $0x4000, $0x38;
	[tilespmem:$0x8680] =	vst v63  }
0x174: {  	_ =	swait.ge [sflag:s4], $0x4000  }
0x175: {  	[sflag:s4] =	ssyncset.done $0x0  }
0x176: {  	[sflag:s4] =	ssyncadd.s32 $0xFFFFC000  }
0x177: {  	_ =	swait.ge [sflag:s8], $0x4000  }
0x178: {  	[sflag:s8] =	ssyncset.done $0x0  }
0x179: {  	[sflag:s8] =	ssyncadd.s32 $0xFFFFC000  }
0x17a: {  	[hbm4b:s5+s2] =	stream.linear.scatter [tilespmem:s6], [sflag:$0x3], $0x4000, $0x38;
	[tilespmem:$0x8680] =	vst v63  }
0x17b: {  	_ =	swait.ge [sflag:s4], $0x4000  }
0x17c: {  	[sflag:s4] =	ssyncset.done $0x0  }
0x17d: {  	[sflag:s4] =	ssyncadd.s32 $0xFFFFC000  }
0x17e: {  	_ =	sfence.sel $0x180000  }
0x17f: {  	[bflag:$0x0] =	sbarrier.arrive $0xFFFF  }
0x180: {  	_ =	strace $0x90000047  }
0x181: {  	s31 =	stileid.u32;
	[bflag:$0x2] =	sbarrier.arrive $0xFFFF  }
0x182: {  	p0 =	sne.s32 s31, $0x0;
	s0 =	rddreg [dreg:$0x2]  }
0x183: {  	s0 =	sadd.s32 @!p0 $0x100000, s0  }
0x184: {  	[sflag:s0] =	ssyncadd.tile.s32 @!p0 $0x1;
	_ =	shalt  }
.Lfunc_end2:
_tile_overlayer_lowered:
.L_overlay_start_2:
0x185: {  	(tag) =	ssettag $0x2  }
0x186: {  	s0 =	rddreg [dreg:$0x0];
	s2 =	stileid.u32  }
0x187: {  	s1 =	rddreg [dreg:$0x1];
	p0 =	sne.s32 s2, $0x0  }
0x188: {  	s3 =	rddreg [dreg:$0x2];
	[bflag:$0x3] =	sbarrier.arrive $0xFFFF;
	s2 =	simm.s32 @!p0 $0x1C03  }
0x189: {  	[timem:s3], [sflag:s2] =	dma.local @!p0 [hbm:s0], s1  }
0x18a: {  	s0 =	simm.s32 @!p0 $0x3  }
0x18b: {  	_ =	swait.ge @!p0 [sflag:s0], s1  }
0x18c: {  	s1 =	ssub.s32 @!p0 $0x0, s1;
	[sflag:s0] =	ssyncset.done @!p0 $0x0  }
0x18d: {  	[sflag:s0] =	ssyncadd.s32 @!p0 s1  }
0x18e: {  	[bflag:$0x3] =	sbarrier.arrive $0xFFFF  }
0x18f: {  	_ =	shalt  }

// kernel: kernel.9.cloned.1.call-start
scs
__scs_entry_jumppad:
0x0: {  	(pc) =	sbr.rel $0x88, $3  }
0x1: {  	(tag) =	ssettag $0x0;
	lr =	simm.s32 $0x1  }
0x2: {  	[smem:$0x3F91] =	sst lr;
	_ =	strace $0xD0000000  }
0x3: {  	_ = 	snop  }
0x4: {  	_ = 	snop  }
0x5: {  	_ = 	snop  }
0x6: {  	_ = 	snop  }
0x7: {  	_ = 	snop  }
__scs_overlays_trampoline_lowered:
0x8: {  	[smem:$0x3FA0] =	sst s0  }
0x9: {  	[smem:$0x3FA1] =	sst s1  }
0xa: {  	[smem:$0x3FA2] =	sst s2  }
0xb: {  	[smem:$0x3FA3] =	sst s3  }
0xc: {  	[smem:$0x3FA4] =	sst s4  }
0xd: {  	[smem:$0x3FA5] =	sst s5  }
0xe: {  	[smem:$0x3FA6] =	sst s6  }
0xf: {  	[smem:$0x3FA7] =	sst s7  }
0x10: {  	[smem:$0x3FA8] =	sst s8  }
0x11: {  	[smem:$0x3FA9] =	sst s9;
	s0 =	simm.s32 @!p0 $0x0  }
0x12: {  	s1 =	sld [smem:$0x3F8F];
	s0 =	simm.s32 @p0 $0x1  }
0x13: {  	[smem:$0x3FAA] =	sst s0;
	s0 =	simm.s32 @!p1 $0x0  }
0x14: {  	s2 =	sld [smem:$0x3F8E];
	s0 =	simm.s32 @p1 $0x1  }
0x15: {  	[smem:$0x3FAB] =	sst s0;
	s0 =	simm.s32 @!p2 $0x0  }
0x16: {  	s3 =	sld [smem:$0x3FDB];
	s0 =	simm.s32 @p2 $0x1  }
0x17: {  	s4 =	simm.s32 $0x1BF5;
	[smem:$0x3FAD] =	sst s0  }
0x18: {  	s0 =	sld [smem:$0x3F90];
	_ =	swait.ge [sflag:s4], $0x0  }
0x19: {  	s7 =	sld [smem:$0x3F91]  }
0x1a: {  	s8 =	sadd.s32 $0xFFFFE003, lr  }
0x1b: {  	s9 =	sadd.s32 $0xFFFFFEF7, lr;
	s5 =	simm.s32 $0xFFFFFFFF;
	p2 =	slt.u32 s8, $0xFFFFF086  }
0x1c: {  	p1 =	slt.u32 s9, $0xF7A;
	s5 =	simm.s32 @!p2 $0x0  }
0x1d: {  	s5 =	simm.s32 @p1 $0x1;
	p0 =	seq.s32 s7, s2  }
0x1e: {  	s7 =	smul.u32 @!p0 $0xF7A, s2;
	p2 =	seq.s32 @!p0 s5, $0x0  }
0x1f: {  	s9 =	smul.u32 $0xF7A, s1;
	s8 =	simm.s32 @!p0 $0x1BF5;
	p2 =	por !p2, p0  }
0x20: {  	[sflag:s8] =	ssyncset.s32 @!p0 $0xFFFFF086;
	s6 =	sadd.s32 @!p0 s3, s7;
	s7 =	simm.s32 @!p0 $0x108  }
0x21: {  	s3 =	sadd.s32 s3, s9;
	s6 =	sadd.s32 @!p0 $0x88, s6;
	s7 =	simm.s32 @p2 $0x1082  }
0x22: {  	[simem:s7], [sflag:s8] =	dma.local @!p0 [hbm:s6], $0xF7A  }
0x23: {  	s9 =	sor.u32 $0xD0000000, s2;
	s6 =	simm.s32 $0x108;
	_ =	swait.ge @!p0 [sflag:s8], $0x0  }
0x24: {  	s3 =	sadd.s32 $0x88, s3;
	s6 =	simm.s32 @!p1 $0x1082;
	[sflag:s4] =	ssyncset.s32 $0xFFFFF086  }
0x25: {  	[simem:s6], [sflag:s4] =	dma.local [hbm:s3], $0xF7A  }
0x26: {  	[smem:$0x3F91] =	sst s1;
	(tag) =	ssettag s2;
	_ =	strace s9  }
0x27: {  	s1 =	sld [smem:$0x3FA1]  }
0x28: {  	s2 =	sld [smem:$0x3FA2]  }
0x29: {  	s4 =	sld [smem:$0x3FA4]  }
0x2a: {  	p0 =	seq.s32 s5, $0x0;
	s5 =	sld [smem:$0x3FA5]  }
0x2b: {  	s6 =	sld [smem:$0x3FA6]  }
0x2c: {  	s7 =	sld [smem:$0x3FA7]  }
0x2d: {  	s3 =	simm.s32 $0x108;
	s8 =	sld [smem:$0x3FA8]  }
0x2e: {  	s3 =	simm.s32 @!p0 $0x1082;
	s9 =	sld [smem:$0x3FA9]  }
0x2f: {  	lr =	sadd.s32 s0, s3;
	s0 =	sld [smem:$0x3FA0]  }
0x30: {  	s3 =	sld [smem:$0x3FA3]  }
0x31: {  	[smem:$0x3FAC] =	sst s10  }
0x32: {  	s10 =	sld [smem:$0x3FAA];
	_ =	sdelay $0x3  }
0x33: {  	p0 =	seq.s32 s10, $0x1;
	s10 =	sld [smem:$0x3FAC];
	_ =	sdelay $0x3  }
0x34: {  	[smem:$0x3FAC] =	sst s10  }
0x35: {  	s10 =	sld [smem:$0x3FAB];
	_ =	sdelay $0x3  }
0x36: {  	p1 =	seq.s32 s10, $0x1;
	s10 =	sld [smem:$0x3FAC];
	_ =	sdelay $0x3  }
0x37: {  	[smem:$0x3FAC] =	sst s10  }
0x38: {  	s10 =	sld [smem:$0x3FAD]  }
0x39: {  	_ = 	snop;
	(pc) =	sbr.ind lr, $3  }
0x3a: {  	_ = 	snop  }
0x3b: {  	_ = 	snop  }
0x3c: {  	p2 =	seq.s32 s10, $0x1;
	s10 =	sld [smem:$0x3FAC]  }
0x3d: {  	_ =	shalt  }
0x3e: {  	_ =	shalt  }
0x3f: {  	_ =	shalt  }
0x40: {  	_ =	shalt  }
0x41: {  	_ =	shalt  }
0x42: {  	_ =	shalt  }
0x43: {  	_ =	shalt  }
0x44: {  	_ =	shalt  }
0x45: {  	_ =	shalt  }
0x46: {  	_ =	shalt  }
0x47: {  	_ =	shalt  }
0x48: {  	_ =	shalt  }
0x49: {  	_ =	shalt  }
0x4a: {  	_ =	shalt  }
0x4b: {  	_ =	shalt  }
0x4c: {  	_ =	shalt  }
0x4d: {  	_ =	shalt  }
0x4e: {  	_ =	shalt  }
0x4f: {  	_ =	shalt  }
0x50: {  	_ =	shalt  }
0x51: {  	_ =	shalt  }
0x52: {  	_ =	shalt  }
0x53: {  	_ =	shalt  }
0x54: {  	_ =	shalt  }
0x55: {  	_ =	shalt  }
0x56: {  	_ =	shalt  }
0x57: {  	_ =	shalt  }
0x58: {  	_ =	shalt  }
0x59: {  	_ =	shalt  }
0x5a: {  	_ =	shalt  }
0x5b: {  	_ =	shalt  }
0x5c: {  	_ =	shalt  }
0x5d: {  	_ =	shalt  }
0x5e: {  	_ =	shalt  }
0x5f: {  	_ =	shalt  }
0x60: {  	_ =	shalt  }
0x61: {  	_ =	shalt  }
0x62: {  	_ =	shalt  }
0x63: {  	_ =	shalt  }
0x64: {  	_ =	shalt  }
0x65: {  	_ =	shalt  }
0x66: {  	_ =	shalt  }
0x67: {  	_ =	shalt  }
0x68: {  	_ =	shalt  }
0x69: {  	_ =	shalt  }
0x6a: {  	_ =	shalt  }
0x6b: {  	_ =	shalt  }
0x6c: {  	_ =	shalt  }
0x6d: {  	_ =	shalt  }
0x6e: {  	_ =	shalt  }
0x6f: {  	_ =	shalt  }
0x70: {  	_ =	shalt  }
0x71: {  	_ =	shalt  }
0x72: {  	_ =	shalt  }
0x73: {  	_ =	shalt  }
0x74: {  	_ =	shalt  }
0x75: {  	_ =	shalt  }
0x76: {  	_ =	shalt  }
0x77: {  	_ =	shalt  }
0x78: {  	_ =	shalt  }
0x79: {  	_ =	shalt  }
0x7a: {  	_ =	shalt  }
0x7b: {  	_ =	shalt  }
0x7c: {  	_ =	shalt  }
0x7d: {  	_ =	shalt  }
0x7e: {  	_ =	shalt  }
0x7f: {  	_ =	shalt  }
0x80: {  	_ =	shalt  }
0x81: {  	_ =	shalt  }
0x82: {  	_ =	shalt  }
0x83: {  	_ =	shalt  }
0x84: {  	_ =	shalt  }
0x85: {  	_ =	shalt  }
0x86: {  	_ =	shalt  }
0x87: {  	_ =	shalt  }
.Lfunc_end0:
.L_simem_size_0:
called_computation.1_lowered:
.L_overlay_start_0:
0x88: {  	s2 =	sld [smem:$0x3FD9]  }
0x89: {  	s3 =	sld [smem:$0x3FFE];
	_ =	sdelay $0x1  }
0x8a: {  	s1 =	srdreg.scid  }
0x8b: {  	s0 =	sand.u32 $0x1, s1  }
0x8c: {  	s17 =	sshll.u32 s0, $0xA;
	s2 =	sadd.s32 s3, s2  }
0x8d: {  	s2 =	sadd.s32 s2, s17  }
0x8e: {  	[smem:$0x3FB8] =	sst s2  }
0x8f: {  	_ = 	snop  }
0x90: {  	s18 =	sld [smem:$0x3FC6];
	(tm) =	ssettm $0x1  }
0x91: {  	s19 =	sld [smem:$0x3FFB];
	_ =	sdelay $0x3  }
0x92: {  	_ =	strace s19  }
0x93: {  	s2 =	sld [smem:$0x3FFC];
	_ =	sdelay $0x3  }
0x94: {  	_ =	strace s2  }
0x95: {  	s2 =	sld [smem:$0x3FFD];
	_ =	sdelay $0x3  }
0x96: {  	_ =	strace s2  }
0x97: {  	_ =	strace $0x8FFFFFFF  }
0x98: {  	s20 =	sld [smem:$0x3FDB];
	_ =	sdelay $0x1  }
0x99: {  	s4 =	simm.s32 $_scs_section_size  }
0x9a: {  	s5 =	simm.s32 $_size__tile_overlayer_lowered;
	s6 =	simm.s32 $_tile_overlayer_lowered  }
0x9b: {  	s7 =	simm.s32 $0x1BFF;
	s21 =	sshll.u32 s6, $0x1;
	s4 =	sadd.s32 s4, s20  }
0x9c: {  	s22 =	simm.s32 $0x0;
	s5 =	sshll.u32 s5, $0x1;
	s6 =	sadd.s32 s21, s4  }
0x9d: {  	[timem:s22], [sflag:s7] =	dma.local [hbm:s6], s5  }
0x9e: {  	_ =	swait.ge [sflag:s7], s5  }
0x9f: {  	s5 =	ssub.s32 $0x0, s5;
	[sflag:s7] =	ssyncset.done $0x0  }
0xa0: {  	[sflag:s7] =	ssyncadd.s32 s5;
	_ =	sdelay $0x1  }
0xa1: {  	s23 =	simm.s32 $0x1B8B  }
0xa2: {  	_ =	swait.ge [sflag:s23], $0x1  }
0xa3: {  	[sflag:s23] =	ssyncset.done $0x0  }
0xa4: {  	[sflag:s23] =	ssyncadd.s32 $0xFFFFFFFF  }
0xa5: {  	s5 =	sld [smem:$0x0]  }
0xa6: {  	s6 =	sand.u32 $0xFFFFFFFE, s1  }
0xa7: {  	p0 =	sne.s32 s1, s6  }
0xa8: {  	s6 =	sshll.u32 @p0 s6, $0xE  }
0xa9: {  	s6 =	sadd.s32 @p0 $0x11B8D, s6;
	s7 =	sshll.u32 @p0 s5, $0x11  }
0xaa: {  	s6 =	sor.u32 @p0 s7, s6  }
0xab: {  	[sflag:s6] =	ssyncadd.remote.s32 @p0 $0x1;
	_ =	sdelay $0x1  }
0xac: {  	s6 =	simm.s32 @p0 $0x1B8D  }
0xad: {  	_ =	swait.eq @p0 [sflag:s6], $0x1  }
0xae: {  	[sflag:s6] =	ssyncadd.s32 @p0 $0xFFFFFFFF  }
0xaf: {  	s7 =	sshll.u32 @!p0 s1, $0xE  }
0xb0: {  	s7 =	sor.u32 @!p0 $0x4000, s7;
	s6 =	simm.s32 @!p0 $0x1B8D  }
0xb1: {  	s5 =	sshll.u32 @!p0 s5, $0x11;
	s7 =	sadd.s32 @!p0 $0x11B8D, s7;
	_ =	swait.eq @!p0 [sflag:s6], $0x1  }
0xb2: {  	s5 =	sor.u32 @!p0 s5, s7;
	[sflag:s6] =	ssyncadd.s32 @!p0 $0xFFFFFFFF  }
0xb3: {  	s25 =	simm.s32 $0x1B8E;
	s24 =	sld [smem:$0x3FFE];
	[sflag:s5] =	ssyncadd.remote.s32 @!p0 $0x1  }
0xb4: {  	s26 =	simm.s32 $execute0_lowered;
	[smem:$0x3FD2] =	sst s25  }
0xb5: {  	s6 =	sshll.u32 s26, $0x1;
	_ =	strace $0x80000049;
	[dreg:$0x1] =	wrdreg $0xFFFFFFFF  }
0xb6: {  	s28 =	simm.s32 $_size_execute0_lowered;
	s4 =	sadd.s32 s4, s6;
	[dreg:$0x0] =	wrdreg $0x0  }
0xb7: {  	s6 =	sshll.u32 s28, $0x1;
	[dreg:$0x2] =	wrdreg s4  }
0xb8: {  	[dreg:$0x3] =	wrdreg s6  }
0xb9: {  	[dreg:$0x4] =	wrdreg $0xC0  }
0xba: {  	_ =	task [dreg:s22], $0x5FFFF  }
0xbb: {  	[dreg:$0x1] =	wrdreg $0xFFFFFFFF  }
0xbc: {  	[dreg:$0x0] =	wrdreg $0x60  }
0xbd: {  	[dreg:$0x2] =	wrdreg s18  }
0xbe: {  	[dreg:$0x3] =	wrdreg s24  }
0xbf: {  	[dreg:$0x4] =	wrdreg $0xA  }
0xc0: {  	_ =	task.clear_ibuf [dreg:s22], $0x5FFFF;
	_ =	strace $0x90000049  }
0xc1: {  	s29 =	simm.s32 $0xA;
	_ =	strace $0x8000004B  }
0xc2: {  	_ =	swait.ge [sflag:s29], $0x1  }
0xc3: {  	[sflag:s29] =	ssyncadd.s32 $0xFFFFFFFF  }
0xc4: {  	_ =	strace $0x9000004B  }
0xc5: {  	_ =	sfence  }
0xc6: {  	s30 =	sld [smem:$0x0];
	_ =	sdelay $0x2  }
0xc7: {  	s31 =	sshll.u32 s1, $0xD;
	s1 =	sshrl.u32 s1, $0x2  }
0xc8: {  	s4 =	sand.u32 $0x4000, s31;
	s1 =	sadd.s32 s1, s30  }
0xc9: {  	s0 =	sor.u32 s4, s0;
	s1 =	sshll.u32 s1, $0x11  }
0xca: {  	s0 =	sor.u32 s1, s0  }
0xcb: {  	s0 =	sadd.s32 $0x8F2B, s0  }
0xcc: {  	[sflag:s0] =	ssyncadd.remote.s32 $0x1  }
0xcd: {  	_ =	sfence.sel $0xFFFF  }
0xce: {  	[dreg:$0x0] =	wrdreg $0xFFFFFFFF;
	(pc) =	sbr.abs _section_cstart, $3  }
0xcf: {  	[dreg:$0x1] =	wrdreg $0xFFFFFFFF  }
0xd0: {  	_ =	task.clear_ibuf [dreg:s22], $0x2FFFF;
	_ =	strace $0x9FFFFFFF  }
0xd1: {  	(tm) =	ssettm $0x7FFFFFFF  }
tec
execute0_lowered:
.L_overlay_start_1:
0x0: {  	(tag) =	ssettag $0x1  }
0x1: {  	s3 =	rddreg [dreg:$0x0];
	s0 =	srdreg.scid  }
0x2: {  	s2 =	stileid.u32;
	s1 =	rddreg [dreg:$0x1]  }
0x3: {  	s9 =	simm.s32 $0x80;
	s8 =	simm.s32 $0x1;
	s11 =	simm.s32 $0x4680  }
0x4: {  	s12 =	simm.s32 $0x2;
	s31 =	simm.s32 $0x100;
	s30 =	simm.s32 $0x180  }
0x5: {  	s29 =	simm.s32 $0x200;
	s28 =	simm.s32 $0x280;
	p0 =	por $0x0, $0x0  }
0x6: {  	s23 =	simm.s32 $0x400;
	s21 =	simm.s32 $0x480;
	s19 =	simm.s32 $0x500  }
0x7: {  	s17 =	simm.s32 $0x580;
	s0 =	sand.u32 $0x1, s0;
	s4 =	sshll.u32 s2, $0x1  }
0x8: {  	s15 =	simm.s32 $0x600;
	s2 =	simm.s32 $0x0;
	s4 =	sor.u32 s0, s4  }
0x9: {  	[smem:$0x7FF] =	sst s2;
	s0 =	ssub.s32 $0x2, s0;
	s5 =	smul.u32 $0xD0, s4  }
0xa: {  	_ =	strace $0x8000004A;
	s6 =	smul.u32 $0x34000, s4;
	s24 =	sshrl.u32 s0, $0x1  }
0xb: {  	s4 =	smul.u32 $0x6800, s4;
	s0 =	ssub.s32 s0, s24;
	s5 =	sadd.s32 s5, s1  }
0xc: {  	s1 =	sadd.s32 $0xD6A00, s1;
	s6 =	sshrl.u32 s6, $0x3;
	s0 =	smax.u32 s0, $0x1  }
0xd: {  	s5 =	sadd.s32 $0xD5000, s5;
	s4 =	sadd.s32 s1, s4;
	s1 =	sadd.s32 s1, s6  }
0xe: {  	s6 =	simm.s32 $0x680;
	p1 =	sne.s32 s0, $0x1;
	[dreg:$0x3] =	wrdreg s5  }
0xf: {  	[dreg:$0x4] =	wrdreg s4;
	s25 =	sadd.s32 $0x800, s1;
	s26 =	sadd.s32 $0x1000, s1  }
0x10: {  	s24 =	sadd.s32 $0x1800, s1;
	s22 =	sadd.s32 $0x2000, s1;
	s20 =	sadd.s32 $0x2800, s1  }
.Ltmp0:
0x11: {  	s18 =	sadd.s32 $0x3000, s1;
	s16 =	sadd.s32 $0x3800, s1;
	(pc) =	sbr.rel @!p1 .LBB2_3-.Ltmp0, $4  }
0x12: {  	s14 =	sadd.s32 $0x4000, s1;
	s13 =	sadd.s32 $0x4800, s1;
	s10 =	sadd.s32 $0x5000, s1  }
0x13: {  	s7 =	sadd.s32 $0x5800, s1;
	s5 =	sadd.s32 $0x6000, s1;
	[dreg:$0x5] =	wrdreg s25  }
0x14: {  	s4 =	simm.s32 $0x3;
	s1 =	sadd.s32 $0xFFFFFFFF, s0;
	[dreg:$0x6] =	wrdreg s26  }
0x15: {  	s26 =	simm.s32 $0x300;
	s25 =	simm.s32 $0x380;
	s0 =	rddreg [dreg:$0x3]  }
0x16: {  	[tilespmem:s2], [sflag:$0x3] =	stream.linear.gather [hbm4b:s0+s2], $0x680, $0x38;
	[tilespmem:$0x8680] =	vst v63  }
0x17: {  	_ =	swait.ge [sflag:s4], $0x680  }
0x18: {  	[sflag:s4] =	ssyncset.done $0x0  }
0x19: {  	[sflag:s4] =	ssyncadd.s32 $0xFFFFF980  }
0x1a: {  	[tilespmem:s6], [sflag:$0x1] =	stream.indirect.gather [hbm4b:s3+s9], $0x80, s2, s9, $0xb8;
	[tilespmem:$0x8680] =	vst v63  }
0x1b: {  	_ =	swait.ge [sflag:s8], $0x4000  }
0x1c: {  	[sflag:s8] =	ssyncset.done $0x0  }
0x1d: {  	[sflag:s8] =	ssyncadd.s32 $0xFFFFC000  }
0x1e: {  	[tilespmem:s11], [sflag:$0x2] =	stream.indirect.gather [hbm4b:s3+s9], $0x80, s9, s9, $0xb8;
	[tilespmem:$0x8680] =	vst v63  }
0x1f: {  	s0 =	rddreg [dreg:$0x4]  }
0x20: {  	[hbm4b:s0+s2] =	stream.linear.scatter [tilespmem:s6], [sflag:$0x3], $0x4000, $0x38;
	[tilespmem:$0x8680] =	vst v63  }
0x21: {  	_ =	swait.ge [sflag:s4], $0x4000  }
0x22: {  	[sflag:s4] =	ssyncset.done $0x0  }
0x23: {  	[sflag:s4] =	ssyncadd.s32 $0xFFFFC000  }
0x24: {  	_ =	swait.ge [sflag:s12], $0x4000  }
0x25: {  	[sflag:s12] =	ssyncset.done $0x0  }
0x26: {  	[sflag:s12] =	ssyncadd.s32 $0xFFFFC000  }
0x27: {  	[tilespmem:s6], [sflag:$0x1] =	stream.indirect.gather [hbm4b:s3+s9], $0x80, s31, s9, $0xb8;
	[tilespmem:$0x8680] =	vst v63  }
0x28: {  	s0 =	rddreg [dreg:$0x5]  }
0x29: {  	[hbm4b:s0+s2] =	stream.linear.scatter [tilespmem:s11], [sflag:$0x3], $0x4000, $0x38;
	[tilespmem:$0x8680] =	vst v63  }
0x2a: {  	_ =	swait.ge [sflag:s4], $0x4000  }
0x2b: {  	[sflag:s4] =	ssyncset.done $0x0  }
0x2c: {  	[sflag:s4] =	ssyncadd.s32 $0xFFFFC000  }
0x2d: {  	_ =	swait.ge [sflag:s8], $0x4000  }
0x2e: {  	[sflag:s8] =	ssyncset.done $0x0  }
0x2f: {  	[sflag:s8] =	ssyncadd.s32 $0xFFFFC000  }
0x30: {  	[tilespmem:s11], [sflag:$0x2] =	stream.indirect.gather [hbm4b:s3+s9], $0x80, s30, s9, $0xb8;
	[tilespmem:$0x8680] =	vst v63  }
0x31: {  	s0 =	rddreg [dreg:$0x6]  }
0x32: {  	[hbm4b:s0+s2] =	stream.linear.scatter [tilespmem:s6], [sflag:$0x3], $0x4000, $0x38;
	[tilespmem:$0x8680] =	vst v63  }
0x33: {  	_ =	swait.ge [sflag:s4], $0x4000  }
0x34: {  	[sflag:s4] =	ssyncset.done $0x0  }
0x35: {  	[sflag:s4] =	ssyncadd.s32 $0xFFFFC000  }
0x36: {  	_ =	swait.ge [sflag:s12], $0x4000  }
0x37: {  	[sflag:s12] =	ssyncset.done $0x0  }
0x38: {  	[sflag:s12] =	ssyncadd.s32 $0xFFFFC000  }
0x39: {  	[tilespmem:s6], [sflag:$0x1] =	stream.indirect.gather [hbm4b:s3+s9], $0x80, s29, s9, $0xb8;
	[tilespmem:$0x8680] =	vst v63  }
0x3a: {  	_ = 	snop  }
0x3b: {  	[hbm4b:s24+s2] =	stream.linear.scatter [tilespmem:s11], [sflag:$0x3], $0x4000, $0x38;
	[tilespmem:$0x8680] =	vst v63  }
0x3c: {  	_ =	swait.ge [sflag:s4], $0x4000  }
0x3d: {  	[sflag:s4] =	ssyncset.done $0x0  }
0x3e: {  	[sflag:s4] =	ssyncadd.s32 $0xFFFFC000  }
0x3f: {  	_ =	swait.ge [sflag:s8], $0x4000  }
0x40: {  	[sflag:s8] =	ssyncset.done $0x0  }
0x41: {  	[sflag:s8] =	ssyncadd.s32 $0xFFFFC000  }
0x42: {  	[tilespmem:s11], [sflag:$0x2] =	stream.indirect.gather [hbm4b:s3+s9], $0x80, s28, s9, $0xb8;
	[tilespmem:$0x8680] =	vst v63  }
0x43: {  	_ = 	snop  }
0x44: {  	[hbm4b:s22+s2] =	stream.linear.scatter [tilespmem:s6], [sflag:$0x3], $0x4000, $0x38;
	[tilespmem:$0x8680] =	vst v63  }
0x45: {  	_ =	swait.ge [sflag:s4], $0x4000  }
0x46: {  	[sflag:s4] =	ssyncset.done $0x0  }
0x47: {  	[sflag:s4] =	ssyncadd.s32 $0xFFFFC000  }
0x48: {  	_ =	swait.ge [sflag:s12], $0x4000  }
0x49: {  	[sflag:s12] =	ssyncset.done $0x0  }
0x4a: {  	[sflag:s12] =	ssyncadd.s32 $0xFFFFC000  }
0x4b: {  	[tilespmem:s6], [sflag:$0x1] =	stream.indirect.gather [hbm4b:s3+s9], $0x80, s26, s9, $0xb8;
	[tilespmem:$0x8680] =	vst v63  }
0x4c: {  	_ = 	snop  }
0x4d: {  	[hbm4b:s20+s2] =	stream.linear.scatter [tilespmem:s11], [sflag:$0x3], $0x4000, $0x38;
	[tilespmem:$0x8680] =	vst v63  }
0x4e: {  	_ =	swait.ge [sflag:s4], $0x4000  }
0x4f: {  	[sflag:s4] =	ssyncset.done $0x0  }
0x50: {  	[sflag:s4] =	ssyncadd.s32 $0xFFFFC000  }
0x51: {  	_ =	swait.ge [sflag:s8], $0x4000  }
0x52: {  	[sflag:s8] =	ssyncset.done $0x0  }
0x53: {  	[sflag:s8] =	ssyncadd.s32 $0xFFFFC000  }
0x54: {  	[tilespmem:s11], [sflag:$0x2] =	stream.indirect.gather [hbm4b:s3+s9], $0x80, s25, s9, $0xb8;
	[tilespmem:$0x8680] =	vst v63  }
0x55: {  	_ = 	snop  }
0x56: {  	[hbm4b:s18+s2] =	stream.linear.scatter [tilespmem:s6], [sflag:$0x3], $0x4000, $0x38;
	[tilespmem:$0x8680] =	vst v63  }
0x57: {  	_ =	swait.ge [sflag:s4], $0x4000  }
0x58: {  	[sflag:s4] =	ssyncset.done $0x0  }
0x59: {  	[sflag:s4] =	ssyncadd.s32 $0xFFFFC000  }
0x5a: {  	_ =	swait.ge [sflag:s12], $0x4000  }
0x5b: {  	[sflag:s12] =	ssyncset.done $0x0  }
0x5c: {  	[sflag:s12] =	ssyncadd.s32 $0xFFFFC000  }
0x5d: {  	[tilespmem:s6], [sflag:$0x1] =	stream.indirect.gather [hbm4b:s3+s9], $0x80, s23, s9, $0xb8;
	[tilespmem:$0x8680] =	vst v63  }
0x5e: {  	_ = 	snop  }
0x5f: {  	[hbm4b:s16+s2] =	stream.linear.scatter [tilespmem:s11], [sflag:$0x3], $0x4000, $0x38;
	[tilespmem:$0x8680] =	vst v63  }
0x60: {  	_ =	swait.ge [sflag:s4], $0x4000  }
0x61: {  	[sflag:s4] =	ssyncset.done $0x0  }
0x62: {  	[sflag:s4] =	ssyncadd.s32 $0xFFFFC000  }
0x63: {  	_ =	swait.ge [sflag:s8], $0x4000  }
0x64: {  	[sflag:s8] =	ssyncset.done $0x0  }
0x65: {  	[sflag:s8] =	ssyncadd.s32 $0xFFFFC000  }
0x66: {  	[tilespmem:s11], [sflag:$0x2] =	stream.indirect.gather [hbm4b:s3+s9], $0x80, s21, s9, $0xb8;
	[tilespmem:$0x8680] =	vst v63  }
0x67: {  	_ = 	snop  }
0x68: {  	[hbm4b:s14+s2] =	stream.linear.scatter [tilespmem:s6], [sflag:$0x3], $0x4000, $0x38;
	[tilespmem:$0x8680] =	vst v63  }
0x69: {  	_ =	swait.ge [sflag:s4], $0x4000  }
0x6a: {  	[sflag:s4] =	ssyncset.done $0x0  }
0x6b: {  	[sflag:s4] =	ssyncadd.s32 $0xFFFFC000  }
0x6c: {  	_ =	swait.ge [sflag:s12], $0x4000  }
0x6d: {  	[sflag:s12] =	ssyncset.done $0x0  }
0x6e: {  	[sflag:s12] =	ssyncadd.s32 $0xFFFFC000  }
0x6f: {  	[tilespmem:s6], [sflag:$0x1] =	stream.indirect.gather [hbm4b:s3+s9], $0x80, s19, s9, $0xb8;
	[tilespmem:$0x8680] =	vst v63  }
0x70: {  	_ = 	snop  }
0x71: {  	[hbm4b:s13+s2] =	stream.linear.scatter [tilespmem:s11], [sflag:$0x3], $0x4000, $0x38;
	[tilespmem:$0x8680] =	vst v63  }
0x72: {  	_ =	swait.ge [sflag:s4], $0x4000  }
0x73: {  	[sflag:s4] =	ssyncset.done $0x0  }
0x74: {  	[sflag:s4] =	ssyncadd.s32 $0xFFFFC000  }
0x75: {  	_ =	swait.ge [sflag:s8], $0x4000  }
0x76: {  	[sflag:s8] =	ssyncset.done $0x0  }
0x77: {  	[sflag:s8] =	ssyncadd.s32 $0xFFFFC000  }
0x78: {  	[tilespmem:s11], [sflag:$0x2] =	stream.indirect.gather [hbm4b:s3+s9], $0x80, s17, s9, $0xb8;
	[tilespmem:$0x8680] =	vst v63  }
0x79: {  	_ = 	snop  }
0x7a: {  	[hbm4b:s10+s2] =	stream.linear.scatter [tilespmem:s6], [sflag:$0x3], $0x4000, $0x38;
	[tilespmem:$0x8680] =	vst v63  }
0x7b: {  	_ =	swait.ge [sflag:s4], $0x4000  }
0x7c: {  	[sflag:s4] =	ssyncset.done $0x0  }
0x7d: {  	[sflag:s4] =	ssyncadd.s32 $0xFFFFC000  }
0x7e: {  	_ =	swait.ge [sflag:s12], $0x4000  }
0x7f: {  	[sflag:s12] =	ssyncset.done $0x0  }
0x80: {  	[sflag:s12] =	ssyncadd.s32 $0xFFFFC000  }
0x81: {  	[tilespmem:s6], [sflag:$0x1] =	stream.indirect.gather [hbm4b:s3+s9], $0x80, s15, s9, $0xb8;
	[tilespmem:$0x8680] =	vst v63  }
0x82: {  	_ = 	snop  }
0x83: {  	[hbm4b:s7+s2] =	stream.linear.scatter [tilespmem:s11], [sflag:$0x3], $0x4000, $0x38;
	[tilespmem:$0x8680] =	vst v63  }
0x84: {  	_ =	swait.ge [sflag:s4], $0x4000  }
0x85: {  	[sflag:s4] =	ssyncset.done $0x0  }
0x86: {  	[sflag:s4] =	ssyncadd.s32 $0xFFFFC000  }
0x87: {  	p1 =	sne.s32 s1, $0x1;
	_ =	swait.ge [sflag:s8], $0x4000  }
.Ltmp1:
0x88: {  	[sflag:s8] =	ssyncset.done $0x0;
	(pc) =	sbr.rel @!p1 .LBB2_3-.Ltmp1, $4  }
0x89: {  	[sflag:s8] =	ssyncadd.s32 $0xFFFFC000  }
0x8a: {  	[hbm4b:s5+s2] =	stream.linear.scatter [tilespmem:s6], [sflag:$0x3], $0x4000, $0x38;
	[tilespmem:$0x8680] =	vst v63  }
0x8b: {  	s1 =	sadd.s32 $0xFFFFFFFF, s1;
	_ =	swait.ge [sflag:s4], $0x4000  }
0x8c: {  	p0 =	por $0x1, $0x1;
	s0 =	rddreg [dreg:$0x3];
	[sflag:s4] =	ssyncset.done $0x0  }
.LBB2_2:
0x8d: {  	[sflag:s4] =	ssyncadd.s32 $0xFFFFC000  }
0x8e: {  	[tilespmem:s2], [sflag:$0x3] =	stream.linear.gather [hbm4b:s0+s2], $0x680, $0x38;
	[tilespmem:$0x8680] =	vst v63  }
0x8f: {  	_ =	swait.ge [sflag:s4], $0x680  }
0x90: {  	[sflag:s4] =	ssyncset.done $0x0  }
0x91: {  	[sflag:s4] =	ssyncadd.s32 $0xFFFFF980  }
0x92: {  	[tilespmem:s6], [sflag:$0x1] =	stream.indirect.gather [hbm4b:s3+s9], $0x80, s2, s9, $0xb8;
	[tilespmem:$0x8680] =	vst v63  }
0x93: {  	_ =	swait.ge [sflag:s8], $0x4000  }
0x94: {  	[sflag:s8] =	ssyncset.done $0x0  }
0x95: {  	[sflag:s8] =	ssyncadd.s32 $0xFFFFC000  }
0x96: {  	[tilespmem:s11], [sflag:$0x2] =	stream.indirect.gather [hbm4b:s3+s9], $0x80, s9, s9, $0xb8;
	[tilespmem:$0x8680] =	vst v63  }
0x97: {  	s0 =	rddreg [dreg:$0x4]  }
0x98: {  	[hbm4b:s0+s2] =	stream.linear.scatter [tilespmem:s6], [sflag:$0x3], $0x4000, $0x38;
	[tilespmem:$0x8680] =	vst v63  }
0x99: {  	_ =	swait.ge [sflag:s4], $0x4000  }
0x9a: {  	[sflag:s4] =	ssyncset.done $0x0  }
0x9b: {  	[sflag:s4] =	ssyncadd.s32 $0xFFFFC000  }
0x9c: {  	_ =	swait.ge [sflag:s12], $0x4000  }
0x9d: {  	[sflag:s12] =	ssyncset.done $0x0  }
0x9e: {  	[sflag:s12] =	ssyncadd.s32 $0xFFFFC000  }
0x9f: {  	[tilespmem:s6], [sflag:$0x1] =	stream.indirect.gather [hbm4b:s3+s9], $0x80, s31, s9, $0xb8;
	[tilespmem:$0x8680] =	vst v63  }
0xa0: {  	s0 =	rddreg [dreg:$0x5]  }
0xa1: {  	[hbm4b:s0+s2] =	stream.linear.scatter [tilespmem:s11], [sflag:$0x3], $0x4000, $0x38;
	[tilespmem:$0x8680] =	vst v63  }
0xa2: {  	_ =	swait.ge [sflag:s4], $0x4000  }
0xa3: {  	[sflag:s4] =	ssyncset.done $0x0  }
0xa4: {  	[sflag:s4] =	ssyncadd.s32 $0xFFFFC000  }
0xa5: {  	_ =	swait.ge [sflag:s8], $0x4000  }
0xa6: {  	[sflag:s8] =	ssyncset.done $0x0  }
0xa7: {  	[sflag:s8] =	ssyncadd.s32 $0xFFFFC000  }
0xa8: {  	[tilespmem:s11], [sflag:$0x2] =	stream.indirect.gather [hbm4b:s3+s9], $0x80, s30, s9, $0xb8;
	[tilespmem:$0x8680] =	vst v63  }
0xa9: {  	s0 =	rddreg [dreg:$0x6]  }
0xaa: {  	[hbm4b:s0+s2] =	stream.linear.scatter [tilespmem:s6], [sflag:$0x3], $0x4000, $0x38;
	[tilespmem:$0x8680] =	vst v63  }
0xab: {  	_ =	swait.ge [sflag:s4], $0x4000  }
0xac: {  	[sflag:s4] =	ssyncset.done $0x0  }
0xad: {  	[sflag:s4] =	ssyncadd.s32 $0xFFFFC000  }
0xae: {  	_ =	swait.ge [sflag:s12], $0x4000  }
0xaf: {  	[sflag:s12] =	ssyncset.done $0x0  }
0xb0: {  	[sflag:s12] =	ssyncadd.s32 $0xFFFFC000  }
0xb1: {  	[tilespmem:s6], [sflag:$0x1] =	stream.indirect.gather [hbm4b:s3+s9], $0x80, s29, s9, $0xb8;
	[tilespmem:$0x8680] =	vst v63  }
0xb2: {  	_ = 	snop  }
0xb3: {  	[hbm4b:s24+s2] =	stream.linear.scatter [tilespmem:s11], [sflag:$0x3], $0x4000, $0x38;
	[tilespmem:$0x8680] =	vst v63  }
0xb4: {  	_ =	swait.ge [sflag:s4], $0x4000  }
0xb5: {  	[sflag:s4] =	ssyncset.done $0x0  }
0xb6: {  	[sflag:s4] =	ssyncadd.s32 $0xFFFFC000  }
0xb7: {  	_ =	swait.ge [sflag:s8], $0x4000  }
0xb8: {  	[sflag:s8] =	ssyncset.done $0x0  }
0xb9: {  	[sflag:s8] =	ssyncadd.s32 $0xFFFFC000  }
0xba: {  	[tilespmem:s11], [sflag:$0x2] =	stream.indirect.gather [hbm4b:s3+s9], $0x80, s28, s9, $0xb8;
	[tilespmem:$0x8680] =	vst v63  }
0xbb: {  	_ = 	snop  }
0xbc: {  	[hbm4b:s22+s2] =	stream.linear.scatter [tilespmem:s6], [sflag:$0x3], $0x4000, $0x38;
	[tilespmem:$0x8680] =	vst v63  }
0xbd: {  	_ =	swait.ge [sflag:s4], $0x4000  }
0xbe: {  	[sflag:s4] =	ssyncset.done $0x0  }
0xbf: {  	[sflag:s4] =	ssyncadd.s32 $0xFFFFC000  }
0xc0: {  	_ =	swait.ge [sflag:s12], $0x4000  }
0xc1: {  	[sflag:s12] =	ssyncset.done $0x0  }
0xc2: {  	[sflag:s12] =	ssyncadd.s32 $0xFFFFC000  }
0xc3: {  	[tilespmem:s6], [sflag:$0x1] =	stream.indirect.gather [hbm4b:s3+s9], $0x80, s26, s9, $0xb8;
	[tilespmem:$0x8680] =	vst v63  }
0xc4: {  	_ = 	snop  }
0xc5: {  	[hbm4b:s20+s2] =	stream.linear.scatter [tilespmem:s11], [sflag:$0x3], $0x4000, $0x38;
	[tilespmem:$0x8680] =	vst v63  }
0xc6: {  	_ =	swait.ge [sflag:s4], $0x4000  }
0xc7: {  	[sflag:s4] =	ssyncset.done $0x0  }
0xc8: {  	[sflag:s4] =	ssyncadd.s32 $0xFFFFC000  }
0xc9: {  	_ =	swait.ge [sflag:s8], $0x4000  }
0xca: {  	[sflag:s8] =	ssyncset.done $0x0  }
0xcb: {  	[sflag:s8] =	ssyncadd.s32 $0xFFFFC000  }
0xcc: {  	[tilespmem:s11], [sflag:$0x2] =	stream.indirect.gather [hbm4b:s3+s9], $0x80, s25, s9, $0xb8;
	[tilespmem:$0x8680] =	vst v63  }
0xcd: {  	_ = 	snop  }
0xce: {  	[hbm4b:s18+s2] =	stream.linear.scatter [tilespmem:s6], [sflag:$0x3], $0x4000, $0x38;
	[tilespmem:$0x8680] =	vst v63  }
0xcf: {  	_ =	swait.ge [sflag:s4], $0x4000  }
0xd0: {  	[sflag:s4] =	ssyncset.done $0x0  }
0xd1: {  	[sflag:s4] =	ssyncadd.s32 $0xFFFFC000  }
0xd2: {  	_ =	swait.ge [sflag:s12], $0x4000  }
0xd3: {  	[sflag:s12] =	ssyncset.done $0x0  }
0xd4: {  	[sflag:s12] =	ssyncadd.s32 $0xFFFFC000  }
0xd5: {  	[tilespmem:s6], [sflag:$0x1] =	stream.indirect.gather [hbm4b:s3+s9], $0x80, s23, s9, $0xb8;
	[tilespmem:$0x8680] =	vst v63  }
0xd6: {  	_ = 	snop  }
0xd7: {  	[hbm4b:s16+s2] =	stream.linear.scatter [tilespmem:s11], [sflag:$0x3], $0x4000, $0x38;
	[tilespmem:$0x8680] =	vst v63  }
0xd8: {  	_ =	swait.ge [sflag:s4], $0x4000  }
0xd9: {  	[sflag:s4] =	ssyncset.done $0x0  }
0xda: {  	[sflag:s4] =	ssyncadd.s32 $0xFFFFC000  }
0xdb: {  	_ =	swait.ge [sflag:s8], $0x4000  }
0xdc: {  	[sflag:s8] =	ssyncset.done $0x0  }
0xdd: {  	[sflag:s8] =	ssyncadd.s32 $0xFFFFC000  }
0xde: {  	[tilespmem:s11], [sflag:$0x2] =	stream.indirect.gather [hbm4b:s3+s9], $0x80, s21, s9, $0xb8;
	[tilespmem:$0x8680] =	vst v63  }
0xdf: {  	_ = 	snop  }
0xe0: {  	[hbm4b:s14+s2] =	stream.linear.scatter [tilespmem:s6], [sflag:$0x3], $0x4000, $0x38;
	[tilespmem:$0x8680] =	vst v63  }
0xe1: {  	_ =	swait.ge [sflag:s4], $0x4000  }
0xe2: {  	[sflag:s4] =	ssyncset.done $0x0  }
0xe3: {  	[sflag:s4] =	ssyncadd.s32 $0xFFFFC000  }
0xe4: {  	_ =	swait.ge [sflag:s12], $0x4000  }
0xe5: {  	[sflag:s12] =	ssyncset.done $0x0  }
0xe6: {  	[sflag:s12] =	ssyncadd.s32 $0xFFFFC000  }
0xe7: {  	[tilespmem:s6], [sflag:$0x1] =	stream.indirect.gather [hbm4b:s3+s9], $0x80, s19, s9, $0xb8;
	[tilespmem:$0x8680] =	vst v63  }
0xe8: {  	_ = 	snop  }
0xe9: {  	[hbm4b:s13+s2] =	stream.linear.scatter [tilespmem:s11], [sflag:$0x3], $0x4000, $0x38;
	[tilespmem:$0x8680] =	vst v63  }
0xea: {  	_ =	swait.ge [sflag:s4], $0x4000  }
0xeb: {  	[sflag:s4] =	ssyncset.done $0x0  }
0xec: {  	[sflag:s4] =	ssyncadd.s32 $0xFFFFC000  }
0xed: {  	_ =	swait.ge [sflag:s8], $0x4000  }
0xee: {  	[sflag:s8] =	ssyncset.done $0x0  }
0xef: {  	[sflag:s8] =	ssyncadd.s32 $0xFFFFC000  }
0xf0: {  	[tilespmem:s11], [sflag:$0x2] =	stream.indirect.gather [hbm4b:s3+s9], $0x80, s17, s9, $0xb8;
	[tilespmem:$0x8680] =	vst v63  }
0xf1: {  	_ = 	snop  }
0xf2: {  	[hbm4b:s10+s2] =	stream.linear.scatter [tilespmem:s6], [sflag:$0x3], $0x4000, $0x38;
	[tilespmem:$0x8680] =	vst v63  }
0xf3: {  	_ =	swait.ge [sflag:s4], $0x4000  }
0xf4: {  	[sflag:s4] =	ssyncset.done $0x0  }
0xf5: {  	[sflag:s4] =	ssyncadd.s32 $0xFFFFC000  }
0xf6: {  	_ =	swait.ge [sflag:s12], $0x4000  }
0xf7: {  	[sflag:s12] =	ssyncset.done $0x0  }
0xf8: {  	[sflag:s12] =	ssyncadd.s32 $0xFFFFC000  }
0xf9: {  	[tilespmem:s6], [sflag:$0x1] =	stream.indirect.gather [hbm4b:s3+s9], $0x80, s15, s9, $0xb8;
	[tilespmem:$0x8680] =	vst v63  }
0xfa: {  	_ = 	snop  }
0xfb: {  	[hbm4b:s7+s2] =	stream.linear.scatter [tilespmem:s11], [sflag:$0x3], $0x4000, $0x38;
	[tilespmem:$0x8680] =	vst v63  }
0xfc: {  	_ =	swait.ge [sflag:s4], $0x4000  }
0xfd: {  	[sflag:s4] =	ssyncset.done $0x0  }
0xfe: {  	[sflag:s4] =	ssyncadd.s32 $0xFFFFC000  }
0xff: {  	p1 =	sne.s32 s1, $0x1;
	_ =	swait.ge [sflag:s8], $0x4000  }
.Ltmp2:
0x100: {  	[sflag:s8] =	ssyncset.done $0x0;
	(pc) =	sbr.rel @p1 .LBB2_2-.Ltmp2, $4  }
0x101: {  	[sflag:s8] =	ssyncadd.s32 $0xFFFFC000  }
0x102: {  	[hbm4b:s5+s2] =	stream.linear.scatter [tilespmem:s6], [sflag:$0x3], $0x4000, $0x38;
	[tilespmem:$0x8680] =	vst v63  }
0x103: {  	_ =	swait.ge [sflag:s4], $0x4000  }
0x104: {  	s1 =	sadd.s32 $0xFFFFFFFF, s1;
	s0 =	rddreg [dreg:$0x3];
	[sflag:s4] =	ssyncset.done $0x0  }
.LBB2_3:
0x105: {  	[sflag:s4] =	ssyncadd.s32 @p0 $0xFFFFC000  }
0x106: {  	[tilespmem:s2], [sflag:$0x3] =	stream.linear.gather [hbm4b:s0+s2], $0x680, $0x38;
	[tilespmem:$0x8680] =	vst v63  }
0x107: {  	_ =	swait.ge [sflag:s4], $0x680  }
0x108: {  	[sflag:s4] =	ssyncset.done $0x0  }
0x109: {  	[sflag:s4] =	ssyncadd.s32 $0xFFFFF980  }
0x10a: {  	[tilespmem:s6], [sflag:$0x1] =	stream.indirect.gather [hbm4b:s3+s9], $0x80, s2, s9, $0xb8;
	[tilespmem:$0x8680] =	vst v63  }
0x10b: {  	_ =	swait.ge [sflag:s8], $0x4000  }
0x10c: {  	[sflag:s8] =	ssyncset.done $0x0  }
0x10d: {  	[sflag:s8] =	ssyncadd.s32 $0xFFFFC000  }
0x10e: {  	[tilespmem:s11], [sflag:$0x2] =	stream.indirect.gather [hbm4b:s3+s9], $0x80, s9, s9, $0xb8;
	[tilespmem:$0x8680] =	vst v63  }
0x10f: {  	s1 =	rddreg [dreg:$0x4]  }
0x110: {  	[hbm4b:s1+s2] =	stream.linear.scatter [tilespmem:s6], [sflag:$0x3], $0x4000, $0x38;
	[tilespmem:$0x8680] =	vst v63  }
0x111: {  	_ =	swait.ge [sflag:s4], $0x4000  }
0x112: {  	[sflag:s4] =	ssyncset.done $0x0  }
0x113: {  	[sflag:s4] =	ssyncadd.s32 $0xFFFFC000  }
0x114: {  	_ =	swait.ge [sflag:s12], $0x4000  }
0x115: {  	[sflag:s12] =	ssyncset.done $0x0  }
0x116: {  	[sflag:s12] =	ssyncadd.s32 $0xFFFFC000  }
0x117: {  	[tilespmem:s6], [sflag:$0x1] =	stream.indirect.gather [hbm4b:s3+s9], $0x80, s31, s9, $0xb8;
	[tilespmem:$0x8680] =	vst v63  }
0x118: {  	s1 =	rddreg [dreg:$0x5]  }
0x119: {  	[hbm4b:s1+s2] =	stream.linear.scatter [tilespmem:s11], [sflag:$0x3], $0x4000, $0x38;
	[tilespmem:$0x8680] =	vst v63  }
0x11a: {  	_ =	swait.ge [sflag:s4], $0x4000  }
0x11b: {  	[sflag:s4] =	ssyncset.done $0x0  }
0x11c: {  	[sflag:s4] =	ssyncadd.s32 $0xFFFFC000  }
0x11d: {  	_ =	swait.ge [sflag:s8], $0x4000  }
0x11e: {  	[sflag:s8] =	ssyncset.done $0x0  }
0x11f: {  	[sflag:s8] =	ssyncadd.s32 $0xFFFFC000  }
0x120: {  	[tilespmem:s11], [sflag:$0x2] =	stream.indirect.gather [hbm4b:s3+s9], $0x80, s30, s9, $0xb8;
	[tilespmem:$0x8680] =	vst v63  }
0x121: {  	s1 =	rddreg [dreg:$0x6]  }
0x122: {  	[hbm4b:s1+s2] =	stream.linear.scatter [tilespmem:s6], [sflag:$0x3], $0x4000, $0x38;
	[tilespmem:$0x8680] =	vst v63  }
0x123: {  	_ =	swait.ge [sflag:s4], $0x4000  }
0x124: {  	[sflag:s4] =	ssyncset.done $0x0  }
0x125: {  	[sflag:s4] =	ssyncadd.s32 $0xFFFFC000  }
0x126: {  	_ =	swait.ge [sflag:s12], $0x4000  }
0x127: {  	[sflag:s12] =	ssyncset.done $0x0  }
0x128: {  	[sflag:s12] =	ssyncadd.s32 $0xFFFFC000  }
0x129: {  	[tilespmem:s6], [sflag:$0x1] =	stream.indirect.gather [hbm4b:s3+s9], $0x80, s29, s9, $0xb8;
	[tilespmem:$0x8680] =	vst v63  }
0x12a: {  	_ = 	snop  }
0x12b: {  	[hbm4b:s24+s2] =	stream.linear.scatter [tilespmem:s11], [sflag:$0x3], $0x4000, $0x38;
	[tilespmem:$0x8680] =	vst v63  }
0x12c: {  	_ =	swait.ge [sflag:s4], $0x4000  }
0x12d: {  	[sflag:s4] =	ssyncset.done $0x0  }
0x12e: {  	[sflag:s4] =	ssyncadd.s32 $0xFFFFC000  }
0x12f: {  	_ =	swait.ge [sflag:s8], $0x4000  }
0x130: {  	[sflag:s8] =	ssyncset.done $0x0  }
0x131: {  	[sflag:s8] =	ssyncadd.s32 $0xFFFFC000  }
0x132: {  	[tilespmem:s11], [sflag:$0x2] =	stream.indirect.gather [hbm4b:s3+s9], $0x80, s28, s9, $0xb8;
	[tilespmem:$0x8680] =	vst v63  }
0x133: {  	_ = 	snop  }
0x134: {  	[hbm4b:s22+s2] =	stream.linear.scatter [tilespmem:s6], [sflag:$0x3], $0x4000, $0x38;
	[tilespmem:$0x8680] =	vst v63  }
0x135: {  	_ =	swait.ge [sflag:s4], $0x4000  }
0x136: {  	[sflag:s4] =	ssyncset.done $0x0  }
0x137: {  	[sflag:s4] =	ssyncadd.s32 $0xFFFFC000  }
0x138: {  	_ =	swait.ge [sflag:s12], $0x4000  }
0x139: {  	[sflag:s12] =	ssyncset.done $0x0  }
0x13a: {  	[sflag:s12] =	ssyncadd.s32 $0xFFFFC000  }
0x13b: {  	[tilespmem:s6], [sflag:$0x1] =	stream.indirect.gather [hbm4b:s3+s9], $0x80, s26, s9, $0xb8;
	[tilespmem:$0x8680] =	vst v63  }
0x13c: {  	_ = 	snop  }
0x13d: {  	[hbm4b:s20+s2] =	stream.linear.scatter [tilespmem:s11], [sflag:$0x3], $0x4000, $0x38;
	[tilespmem:$0x8680] =	vst v63  }
0x13e: {  	_ =	swait.ge [sflag:s4], $0x4000  }
0x13f: {  	[sflag:s4] =	ssyncset.done $0x0  }
0x140: {  	[sflag:s4] =	ssyncadd.s32 $0xFFFFC000  }
0x141: {  	_ =	swait.ge [sflag:s8], $0x4000  }
0x142: {  	[sflag:s8] =	ssyncset.done $0x0  }
0x143: {  	[sflag:s8] =	ssyncadd.s32 $0xFFFFC000  }
0x144: {  	[tilespmem:s11], [sflag:$0x2] =	stream.indirect.gather [hbm4b:s3+s9], $0x80, s25, s9, $0xb8;
	[tilespmem:$0x8680] =	vst v63  }
0x145: {  	_ = 	snop  }
0x146: {  	[hbm4b:s18+s2] =	stream.linear.scatter [tilespmem:s6], [sflag:$0x3], $0x4000, $0x38;
	[tilespmem:$0x8680] =	vst v63  }
0x147: {  	_ =	swait.ge [sflag:s4], $0x4000  }
0x148: {  	[sflag:s4] =	ssyncset.done $0x0  }
0x149: {  	[sflag:s4] =	ssyncadd.s32 $0xFFFFC000  }
0x14a: {  	_ =	swait.ge [sflag:s12], $0x4000  }
0x14b: {  	[sflag:s12] =	ssyncset.done $0x0  }
0x14c: {  	[sflag:s12] =	ssyncadd.s32 $0xFFFFC000  }
0x14d: {  	[tilespmem:s6], [sflag:$0x1] =	stream.indirect.gather [hbm4b:s3+s9], $0x80, s23, s9, $0xb8;
	[tilespmem:$0x8680] =	vst v63  }
0x14e: {  	_ = 	snop  }
0x14f: {  	[hbm4b:s16+s2] =	stream.linear.scatter [tilespmem:s11], [sflag:$0x3], $0x4000, $0x38;
	[tilespmem:$0x8680] =	vst v63  }
0x150: {  	_ =	swait.ge [sflag:s4], $0x4000  }
0x151: {  	[sflag:s4] =	ssyncset.done $0x0  }
0x152: {  	[sflag:s4] =	ssyncadd.s32 $0xFFFFC000  }
0x153: {  	_ =	swait.ge [sflag:s8], $0x4000  }
0x154: {  	[sflag:s8] =	ssyncset.done $0x0  }
0x155: {  	[sflag:s8] =	ssyncadd.s32 $0xFFFFC000  }
0x156: {  	[tilespmem:s11], [sflag:$0x2] =	stream.indirect.gather [hbm4b:s3+s9], $0x80, s21, s9, $0xb8;
	[tilespmem:$0x8680] =	vst v63  }
0x157: {  	_ = 	snop  }
0x158: {  	[hbm4b:s14+s2] =	stream.linear.scatter [tilespmem:s6], [sflag:$0x3], $0x4000, $0x38;
	[tilespmem:$0x8680] =	vst v63  }
0x159: {  	_ =	swait.ge [sflag:s4], $0x4000  }
0x15a: {  	[sflag:s4] =	ssyncset.done $0x0  }
0x15b: {  	[sflag:s4] =	ssyncadd.s32 $0xFFFFC000  }
0x15c: {  	_ =	swait.ge [sflag:s12], $0x4000  }
0x15d: {  	[sflag:s12] =	ssyncset.done $0x0  }
0x15e: {  	[sflag:s12] =	ssyncadd.s32 $0xFFFFC000  }
0x15f: {  	[tilespmem:s6], [sflag:$0x1] =	stream.indirect.gather [hbm4b:s3+s9], $0x80, s19, s9, $0xb8;
	[tilespmem:$0x8680] =	vst v63  }
0x160: {  	_ = 	snop  }
0x161: {  	[hbm4b:s13+s2] =	stream.linear.scatter [tilespmem:s11], [sflag:$0x3], $0x4000, $0x38;
	[tilespmem:$0x8680] =	vst v63  }
0x162: {  	_ =	swait.ge [sflag:s4], $0x4000  }
0x163: {  	[sflag:s4] =	ssyncset.done $0x0  }
0x164: {  	[sflag:s4] =	ssyncadd.s32 $0xFFFFC000  }
0x165: {  	_ =	swait.ge [sflag:s8], $0x4000  }
0x166: {  	[sflag:s8] =	ssyncset.done $0x0  }
0x167: {  	[sflag:s8] =	ssyncadd.s32 $0xFFFFC000  }
0x168: {  	[tilespmem:s11], [sflag:$0x2] =	stream.indirect.gather [hbm4b:s3+s9], $0x80, s17, s9, $0xb8;
	[tilespmem:$0x8680] =	vst v63  }
0x169: {  	_ = 	snop  }
0x16a: {  	[hbm4b:s10+s2] =	stream.linear.scatter [tilespmem:s6], [sflag:$0x3], $0x4000, $0x38;
	[tilespmem:$0x8680] =	vst v63  }
0x16b: {  	_ =	swait.ge [sflag:s4], $0x4000  }
0x16c: {  	[sflag:s4] =	ssyncset.done $0x0  }
0x16d: {  	[sflag:s4] =	ssyncadd.s32 $0xFFFFC000  }
0x16e: {  	_ =	swait.ge [sflag:s12], $0x4000  }
0x16f: {  	[sflag:s12] =	ssyncset.done $0x0  }
0x170: {  	[sflag:s12] =	ssyncadd.s32 $0xFFFFC000  }
0x171: {  	[tilespmem:s6], [sflag:$0x1] =	stream.indirect.gather [hbm4b:s3+s9], $0x80, s15, s9, $0xb8;
	[tilespmem:$0x8680] =	vst v63  }
0x172: {  	_ = 	snop  }
0x173: {  	[hbm4b:s7+s2] =	stream.linear.scatter [tilespmem:s11], [sflag:$0x3], $0x4000, $0x38;
	[tilespmem:$0x8680] =	vst v63  }
0x174: {  	_ =	swait.ge [sflag:s4], $0x4000  }
0x175: {  	[sflag:s4] =	ssyncset.done $0x0  }
0x176: {  	[sflag:s4] =	ssyncadd.s32 $0xFFFFC000  }
0x177: {  	_ =	swait.ge [sflag:s8], $0x4000  }
0x178: {  	[sflag:s8] =	ssyncset.done $0x0  }
0x179: {  	[sflag:s8] =	ssyncadd.s32 $0xFFFFC000  }
0x17a: {  	[hbm4b:s5+s2] =	stream.linear.scatter [tilespmem:s6], [sflag:$0x3], $0x4000, $0x38;
	[tilespmem:$0x8680] =	vst v63  }
0x17b: {  	_ =	swait.ge [sflag:s4], $0x4000  }
0x17c: {  	[sflag:s4] =	ssyncset.done $0x0  }
0x17d: {  	[sflag:s4] =	ssyncadd.s32 $0xFFFFC000  }
0x17e: {  	_ =	sfence.sel $0x180000  }
0x17f: {  	[bflag:$0x0] =	sbarrier.arrive $0xFFFF  }
0x180: {  	_ =	strace $0x9000004A  }
0x181: {  	s31 =	stileid.u32;
	[bflag:$0x2] =	sbarrier.arrive $0xFFFF  }
0x182: {  	p0 =	sne.s32 s31, $0x0;
	s0 =	rddreg [dreg:$0x2]  }
0x183: {  	s0 =	sadd.s32 @!p0 $0x100000, s0  }
0x184: {  	[sflag:s0] =	ssyncadd.tile.s32 @!p0 $0x1;
	_ =	shalt  }
.Lfunc_end2:
_tile_overlayer_lowered:
.L_overlay_start_2:
0x185: {  	(tag) =	ssettag $0x2  }
0x186: {  	s0 =	rddreg [dreg:$0x0];
	s2 =	stileid.u32  }
0x187: {  	s1 =	rddreg [dreg:$0x1];
	p0 =	sne.s32 s2, $0x0  }
0x188: {  	s3 =	rddreg [dreg:$0x2];
	[bflag:$0x3] =	sbarrier.arrive $0xFFFF;
	s2 =	simm.s32 @!p0 $0x1C03  }
0x189: {  	[timem:s3], [sflag:s2] =	dma.local @!p0 [hbm:s0], s1  }
0x18a: {  	s0 =	simm.s32 @!p0 $0x3  }
0x18b: {  	_ =	swait.ge @!p0 [sflag:s0], s1  }
0x18c: {  	s1 =	ssub.s32 @!p0 $0x0, s1;
	[sflag:s0] =	ssyncset.done @!p0 $0x0  }
0x18d: {  	[sflag:s0] =	ssyncadd.s32 @!p0 s1  }
0x18e: {  	[bflag:$0x3] =	sbarrier.arrive $0xFFFF  }
0x18f: {  	_ =	shalt  }

</sc_bundles>
